<compile_context>
chip_gen: v7x
topology: tpu7x:2x2x1
jax: 0.10.2.dev20260603
libtpu: 0.0.44.dev20260713+nightly
codegen_flags: <defaults>
</compile_context>

<pallas_src>
import functools

import jax
import jax.numpy as jnp
from jax import lax
from jax.experimental import pallas as pl
from jax.experimental.pallas import tpu as pltpu
from jax.experimental.pallas import tpu_sc as plsc

N = 10000
NP = 10240
E = 320000
D = 128
NC = 2
NS = 16
CH = 128
CT = 16

_PER_TILE_E = E // (NC * NS)
_NCHUNK = _PER_TILE_E // CH
_NPAIR = 38
_RPT = NP // NS
_ZROWS = 128
_CZ = 2048


def _sc_partials(f0, r0, f1, r1, f2, r2):
    mesh = plsc.VectorSubcoreMesh(core_axis_name="c", subcore_axis_name="s")

    @functools.partial(
        pl.kernel,
        mesh=mesh,
        out_type=[
            jax.ShapeDtypeStruct((NC * 3 * NP, D), jnp.float32),
            jax.ShapeDtypeStruct((NC * 3 * NP,), jnp.float32),
        ],
        scratch_types=[
            pltpu.VMEM((CH,), jnp.int32),
            pltpu.VMEM((CH,), jnp.int32),
            pltpu.VMEM((CH, D), jnp.float32),
            pltpu.VMEM((CH, D), jnp.float32),
            pltpu.VMEM((CH,), jnp.float32),
            pltpu.VMEM((CT,), jnp.int32),
            pltpu.VMEM((CT, D), jnp.float32),
            pltpu.VMEM((CT,), jnp.float32),
            pltpu.VMEM_SHARED((NP, D), jnp.float32),
            pltpu.VMEM_SHARED((NP,), jnp.float32),
            pltpu.SemaphoreType.DMA,
            pltpu.SemaphoreType.DMA,
            pltpu.SemaphoreType.DMA,
            pltpu.SemaphoreType.DMA,
        ],
    )
    def k(f0h, r0h, f1h, r1h, f2h, r2h, z2dh, z1dh, onesh, onesth,
          sums_out, cnts_out,
          rvA, rvB, fvA, fvB, ones_v, rvT, fvT, ones_t, acc, cnt,
          gA, gB, sA, sB):
        c = lax.axis_index("c")
        s = lax.axis_index("s")
        pltpu.sync_copy(onesh, ones_v)
        pltpu.sync_copy(onesth, ones_t)
        feats = (f0h, f1h, f2h)
        recvs = (r0h, r1h, r2h)
        base0 = (c * NS + s) * _PER_TILE_E

        def zero_acc():
            for z in range(_RPT // _ZROWS):
                pltpu.sync_copy(z2dh, acc.at[pl.ds(s * _RPT + z * _ZROWS, _ZROWS)])

            @pl.when(s == 0)
            def _():
                for z in range(NP // _CZ):
                    pltpu.sync_copy(z1dh, cnt.at[pl.ds(z * _CZ, _CZ)])

        zero_acc()
        plsc.subcore_barrier()

        for t in range(3):
            fh = feats[t]
            rh = recvs[t]

            def start_g(base, rv, fv, sem):
                pltpu.async_copy(rh.at[pl.ds(base, CH)], rv, sem)
                pltpu.async_copy(fh.at[pl.ds(base, CH)], fv, sem)

            def wait_g(base, rv, fv, sem):
                pltpu.make_async_copy(rh.at[pl.ds(base, CH)], rv, sem).wait()
                pltpu.make_async_copy(fh.at[pl.ds(base, CH)], fv, sem).wait()

            def start_s(rv, fv, sem):
                pltpu.async_copy(fv, acc.at[rv], sem, add=True)
                pltpu.async_copy(ones_v, cnt.at[rv], sem, add=True)

            def wait_s(rv, fv, sem):
                pltpu.make_async_copy(fv, acc.at[rv], sem).wait()
                pltpu.make_async_copy(ones_v, cnt.at[rv], sem).wait()

            start_g(base0, rvA, fvA, gA)

            def pair(p, carry):
                b0 = base0 + (2 * p) * CH

                @pl.when(p >= 1)
                def _():
                    wait_s(rvB, fvB, sB)

                start_g(b0 + CH, rvB, fvB, gB)
                wait_g(b0, rvA, fvA, gA)
                start_s(rvA, fvA, sA)
                wait_s(rvA, fvA, sA)
                start_g(b0 + 2 * CH, rvA, fvA, gA)
                wait_g(b0 + CH, rvB, fvB, gB)
                start_s(rvB, fvB, sB)
                return carry

            lax.fori_loop(0, _NPAIR, pair, 0)
            wait_s(rvB, fvB, sB)
            start_g(base0 + 77 * CH, rvB, fvB, gB)
            wait_g(base0 + 76 * CH, rvA, fvA, gA)
            start_s(rvA, fvA, sA)
            tbase = base0 + _NCHUNK * CH
            pltpu.async_copy(rh.at[pl.ds(tbase, CT)], rvT, gA)
            pltpu.async_copy(fh.at[pl.ds(tbase, CT)], fvT, gA)
            wait_s(rvA, fvA, sA)
            wait_g(base0 + 77 * CH, rvB, fvB, gB)
            start_s(rvB, fvB, sB)
            wait_s(rvB, fvB, sB)
            pltpu.make_async_copy(rh.at[pl.ds(tbase, CT)], rvT, gA).wait()
            pltpu.make_async_copy(fh.at[pl.ds(tbase, CT)], fvT, gA).wait()
            pltpu.sync_copy(fvT, acc.at[rvT], add=True)
            pltpu.sync_copy(ones_t, cnt.at[rvT], add=True)
            plsc.subcore_barrier()

            off = (c * 3 + t) * NP
            for z in range(_RPT // _ZROWS):
                r0_ = s * _RPT + z * _ZROWS
                pltpu.sync_copy(acc.at[pl.ds(r0_, _ZROWS)],
                                sums_out.at[pl.ds(off + r0_, _ZROWS)])

            @pl.when(s == 0)
            def _():
                pltpu.sync_copy(cnt, cnts_out.at[pl.ds(off, NP)])

            if t < 2:
                zero_acc()
            plsc.subcore_barrier()

    z2d = jnp.zeros((_ZROWS, D), jnp.float32)
    z1d = jnp.zeros((_CZ,), jnp.float32)
    ones = jnp.ones((CH,), jnp.float32)
    onest = jnp.ones((CT,), jnp.float32)
    return k(f0, r0, f1, r1, f2, r2, z2d, z1d, ones, onest)


_BLK = 1000


def _merge_body(s_ref, c_ref, o_same, o_anti, o_ee, o_ne):
    s_same = s_ref[0, 0] + s_ref[1, 0]
    s_anti = s_ref[0, 1] + s_ref[1, 1]
    s_ne = s_ref[0, 2] + s_ref[1, 2]
    c_same = c_ref[0, 0] + c_ref[1, 0]
    c_anti = c_ref[0, 1] + c_ref[1, 1]
    c_ne = c_ref[0, 2] + c_ref[1, 2]
    o_same[...] = s_same / jnp.maximum(c_same, 1.0)
    o_anti[...] = s_anti / jnp.maximum(c_anti, 1.0)
    o_ee[...] = (s_same + s_anti) * (1.0 / 10000.0)
    o_ne[...] = s_ne / jnp.maximum(c_ne, 1.0)


def kernel(nodes, feat_same, recv_same, feat_anti, recv_anti, feat_ne, recv_ne):
    del nodes
    sums_flat, cnts_flat = _sc_partials(
        feat_same, recv_same, feat_anti, recv_anti, feat_ne, recv_ne)
    sums4 = sums_flat.reshape(NC, 3, NP, D)
    cnts4 = cnts_flat.reshape(NC, 3, NP, 1)

    outs = pl.pallas_call(
        _merge_body,
        grid=(N // _BLK,),
        in_specs=[
            pl.BlockSpec((NC, 3, _BLK, D), lambda i: (0, 0, i, 0)),
            pl.BlockSpec((NC, 3, _BLK, 1), lambda i: (0, 0, i, 0)),
        ],
        out_specs=[pl.BlockSpec((_BLK, D), lambda i: (i, 0))] * 4,
        out_shape=[jax.ShapeDtypeStruct((N, D), jnp.float32)] * 4,
    )(sums4, cnts4)
    return tuple(outs)

# --- scband reference (transcript-rebuilt; emitter-appended) ---
"""Pipeline reference for scband-edge-sum-update-feature-64776696758987 (READ-ONLY COPY).

The authoritative reference and input builder live on the scoring server;
editing this copy changes nothing except your own understanding.
"""

import jax, jax.numpy as jnp
import numpy as np

N_NODES = 10000
E = 320000
D = 128
N_UP = 5000
N_DOWN = 5000
EDGE_TYPES = ("same", "anti", "ee", "ne")
NORMALIZE = True


def setup_inputs(seed: int = 0) -> dict:
    key = jax.random.key(seed)
    ks = jax.random.split(key, 7)
    nodes = jax.random.normal(ks[0], (N_NODES, D), dtype=jnp.float32)
    feat_same = jax.random.normal(ks[1], (E, D), dtype=jnp.float32)
    recv_same = jnp.sort(jax.random.randint(ks[2], (E,), 0, N_NODES, dtype=jnp.int32)).astype(jnp.int32)
    feat_anti = jax.random.normal(ks[3], (E, D), dtype=jnp.float32)
    recv_anti = jnp.sort(jax.random.randint(ks[4], (E,), 0, N_NODES, dtype=jnp.int32)).astype(jnp.int32)
    feat_ne = jax.random.normal(ks[5], (E, D), dtype=jnp.float32)
    recv_ne = jnp.sort(jax.random.randint(ks[6], (E,), 0, N_NODES, dtype=jnp.int32)).astype(jnp.int32)
    return {
        "nodes": nodes,
        "feat_same": feat_same,
        "recv_same": recv_same,
        "feat_anti": feat_anti,
        "recv_anti": recv_anti,
        "feat_ne": feat_ne,
        "recv_ne": recv_ne,
    }


def _sum_senders(feat, recv, normalize, num_segments):
    # Faithful translation of Edges.sum_senders: sum edge features over the
    # sender axis per receiver node; optionally normalize by sender count.
    s = jax.ops.segment_sum(feat, recv, num_segments=num_segments)
    if normalize:
        cnt = jax.ops.segment_sum(jnp.ones((feat.shape[0],), feat.dtype), recv, num_segments=num_segments)
        s = s / jnp.maximum(cnt, 1.0)[:, None]
    return s


def reference(nodes, feat_same, recv_same, feat_anti, recv_anti, feat_ne, recv_ne):
    num_segments = nodes.shape[0]
    feats = {"same": feat_same, "anti": feat_anti, "ne": feat_ne}
    recvs = {"same": recv_same, "anti": recv_anti, "ne": recv_ne}
    updates = []
    for edge_type in EDGE_TYPES:
        if edge_type == "ee":
            factor = float(N_UP + N_DOWN) if NORMALIZE else 1.0
            u = (_sum_senders(feats["same"], recvs["same"], False, num_segments)
                 + _sum_senders(feats["anti"], recvs["anti"], False, num_segments)) / factor
            updates.append(u)
        else:
            updates.append(_sum_senders(feats[edge_type], recvs[edge_type], NORMALIZE, num_segments))
    return tuple(updates)

if __name__ == "__main__":
    import jax
    _d = setup_inputs()
    print(jax.jit(kernel)(*tuple(_d.values())))

</pallas_src>

<mosaic_0001>
#map = affine_map<(d0, d1) -> (0, 0)>
#map1 = affine_map<(d0, d1) -> (0)>
module attributes {stable_mosaic.version = 14 : i64} {
  func.func @k(%arg0: i32, %arg1: i32, %arg2: memref<320000x128xf32, #tpu.memory_space<hbm>>, %arg3: memref<320000xi32, #tpu.memory_space<hbm>>, %arg4: memref<320000x128xf32, #tpu.memory_space<hbm>>, %arg5: memref<320000xi32, #tpu.memory_space<hbm>>, %arg6: memref<320000x128xf32, #tpu.memory_space<hbm>>, %arg7: memref<320000xi32, #tpu.memory_space<hbm>>, %arg8: memref<128x128xf32, #tpu.memory_space<hbm>>, %arg9: memref<2048xf32, #tpu.memory_space<hbm>>, %arg10: memref<128xf32, #tpu.memory_space<hbm>>, %arg11: memref<16xf32, #tpu.memory_space<hbm>>, %arg12: memref<61440x128xf32, #tpu.memory_space<hbm>>, %arg13: memref<61440xf32, #tpu.memory_space<hbm>>, %arg14: memref<128xi32, #tpu.memory_space<vmem>>, %arg15: memref<128xi32, #tpu.memory_space<vmem>>, %arg16: memref<128x128xf32, #tpu.memory_space<vmem>>, %arg17: memref<128x128xf32, #tpu.memory_space<vmem>>, %arg18: memref<128xf32, #tpu.memory_space<vmem>>, %arg19: memref<16xi32, #tpu.memory_space<vmem>>, %arg20: memref<16x128xf32, #tpu.memory_space<vmem>>, %arg21: memref<16xf32, #tpu.memory_space<vmem>>, %arg22: memref<10240x128xf32, #tpu.memory_space<vmem_shared>>, %arg23: memref<10240xf32, #tpu.memory_space<vmem_shared>>, %arg24: memref<!tpu.dma_semaphore, #tpu.memory_space<semaphore_mem>>, %arg25: memref<!tpu.dma_semaphore, #tpu.memory_space<semaphore_mem>>, %arg26: memref<!tpu.dma_semaphore, #tpu.memory_space<semaphore_mem>>, %arg27: memref<!tpu.dma_semaphore, #tpu.memory_space<semaphore_mem>>) attributes {dimension_semantics = [#tpu.dimension_semantics<core_parallel>, #tpu.dimension_semantics<subcore_parallel>], iteration_bounds = array<i64: 2, 16>, scalar_prefetch = 0 : i64, scratch_operands = 14 : i64, tpu.core_type = #tpu.core_type<sc_vector_subcore>, window_params = [{transform_indices = #map}, {transform_indices = #map1}, {transform_indices = #map}, {transform_indices = #map1}, {transform_indices = #map}, {transform_indices = #map1}, {transform_indices = #map}, {transform_indices = #map1}, {transform_indices = #map1}, {transform_indices = #map1}, {transform_indices = #map}, {transform_indices = #map1}]} {
    "tpu.region"() ({
      %run_scoped3A = tpu.sem_alloc : memref<!tpu.dma_semaphore, #tpu.memory_space<semaphore_mem>>
      tpu.enqueue_dma source(%arg10 : memref<128xf32, #tpu.memory_space<hbm>>) target(%arg18 : memref<128xf32, #tpu.memory_space<vmem>>) target_semaphore(%run_scoped3A : memref<!tpu.dma_semaphore, #tpu.memory_space<semaphore_mem>>)
      tpu.wait_dma2 semaphore(%run_scoped3A : memref<!tpu.dma_semaphore, #tpu.memory_space<semaphore_mem>>) src(%arg10 : memref<128xf32, #tpu.memory_space<hbm>>) dst(%arg18 : memref<128xf32, #tpu.memory_space<vmem>>)
      tpu.yield
    }) : () -> ()
    "tpu.region"() ({
      %run_scoped3A = tpu.sem_alloc : memref<!tpu.dma_semaphore, #tpu.memory_space<semaphore_mem>>
      tpu.enqueue_dma source(%arg11 : memref<16xf32, #tpu.memory_space<hbm>>) target(%arg21 : memref<16xf32, #tpu.memory_space<vmem>>) target_semaphore(%run_scoped3A : memref<!tpu.dma_semaphore, #tpu.memory_space<semaphore_mem>>)
      tpu.wait_dma2 semaphore(%run_scoped3A : memref<!tpu.dma_semaphore, #tpu.memory_space<semaphore_mem>>) src(%arg11 : memref<16xf32, #tpu.memory_space<hbm>>) dst(%arg21 : memref<16xf32, #tpu.memory_space<vmem>>)
      tpu.yield
    }) : () -> ()
    %mul3A = arith.constant 16 : i32
    %mul3A_0 = arith.muli %arg0, %mul3A : i32
    %add3A = arith.addi %mul3A_0, %arg1 : i32
    %mul3A_1 = arith.constant 10000 : i32
    %mul3A_2 = arith.muli %add3A, %mul3A_1 : i32
    %mul3A_3 = arith.constant 640 : i32
    %mul3A_4 = arith.muli %arg1, %mul3A_3 : i32
    %add3A_5 = arith.constant 0 : i32
    %add3A_6 = arith.addi %mul3A_4, %add3A_5 : i32
    "tpu.region"() ({
      %run_scoped3A = tpu.sem_alloc : memref<!tpu.dma_semaphore, #tpu.memory_space<semaphore_mem>>
      %dma_start3A_411 = arith.constant 0 : i32
      %dma_start3A_412 = tpu.memref_slice %arg22[%add3A_6, %dma_start3A_411] : memref<10240x128xf32, #tpu.memory_space<vmem_shared>> -> memref<128x128xf32, #tpu.memory_space<vmem_shared>>
      tpu.enqueue_dma source(%arg8 : memref<128x128xf32, #tpu.memory_space<hbm>>) target(%dma_start3A_412 : memref<128x128xf32, #tpu.memory_space<vmem_shared>>) target_semaphore(%run_scoped3A : memref<!tpu.dma_semaphore, #tpu.memory_space<semaphore_mem>>)
      %dma_wait3A_413 = arith.constant 0 : i32
      %dma_wait3A_414 = tpu.memref_slice %arg22[%add3A_6, %dma_wait3A_413] : memref<10240x128xf32, #tpu.memory_space<vmem_shared>> -> memref<128x128xf32, #tpu.memory_space<vmem_shared>>
      tpu.wait_dma2 semaphore(%run_scoped3A : memref<!tpu.dma_semaphore, #tpu.memory_space<semaphore_mem>>) src(%arg8 : memref<128x128xf32, #tpu.memory_space<hbm>>) dst(%dma_wait3A_414 : memref<128x128xf32, #tpu.memory_space<vmem_shared>>)
      tpu.yield
    }) : () -> ()
    %mul3A_7 = arith.constant 640 : i32
    %mul3A_8 = arith.muli %arg1, %mul3A_7 : i32
    %add3A_9 = arith.constant 128 : i32
    %add3A_10 = arith.addi %mul3A_8, %add3A_9 : i32
    "tpu.region"() ({
      %run_scoped3A = tpu.sem_alloc : memref<!tpu.dma_semaphore, #tpu.memory_space<semaphore_mem>>
      %dma_start3A_411 = arith.constant 0 : i32
      %dma_start3A_412 = tpu.memref_slice %arg22[%add3A_10, %dma_start3A_411] : memref<10240x128xf32, #tpu.memory_space<vmem_shared>> -> memref<128x128xf32, #tpu.memory_space<vmem_shared>>
      tpu.enqueue_dma source(%arg8 : memref<128x128xf32, #tpu.memory_space<hbm>>) target(%dma_start3A_412 : memref<128x128xf32, #tpu.memory_space<vmem_shared>>) target_semaphore(%run_scoped3A : memref<!tpu.dma_semaphore, #tpu.memory_space<semaphore_mem>>)
      %dma_wait3A_413 = arith.constant 0 : i32
      %dma_wait3A_414 = tpu.memref_slice %arg22[%add3A_10, %dma_wait3A_413] : memref<10240x128xf32, #tpu.memory_space<vmem_shared>> -> memref<128x128xf32, #tpu.memory_space<vmem_shared>>
      tpu.wait_dma2 semaphore(%run_scoped3A : memref<!tpu.dma_semaphore, #tpu.memory_space<semaphore_mem>>) src(%arg8 : memref<128x128xf32, #tpu.memory_space<hbm>>) dst(%dma_wait3A_414 : memref<128x128xf32, #tpu.memory_space<vmem_shared>>)
      tpu.yield
    }) : () -> ()
    %mul3A_11 = arith.constant 640 : i32
    %mul3A_12 = arith.muli %arg1, %mul3A_11 : i32
    %add3A_13 = arith.constant 256 : i32
    %add3A_14 = arith.addi %mul3A_12, %add3A_13 : i32
    "tpu.region"() ({
      %run_scoped3A = tpu.sem_alloc : memref<!tpu.dma_semaphore, #tpu.memory_space<semaphore_mem>>
      %dma_start3A_411 = arith.constant 0 : i32
      %dma_start3A_412 = tpu.memref_slice %arg22[%add3A_14, %dma_start3A_411] : memref<10240x128xf32, #tpu.memory_space<vmem_shared>> -> memref<128x128xf32, #tpu.memory_space<vmem_shared>>
      tpu.enqueue_dma source(%arg8 : memref<128x128xf32, #tpu.memory_space<hbm>>) target(%dma_start3A_412 : memref<128x128xf32, #tpu.memory_space<vmem_shared>>) target_semaphore(%run_scoped3A : memref<!tpu.dma_semaphore, #tpu.memory_space<semaphore_mem>>)
      %dma_wait3A_413 = arith.constant 0 : i32
      %dma_wait3A_414 = tpu.memref_slice %arg22[%add3A_14, %dma_wait3A_413] : memref<10240x128xf32, #tpu.memory_space<vmem_shared>> -> memref<128x128xf32, #tpu.memory_space<vmem_shared>>
      tpu.wait_dma2 semaphore(%run_scoped3A : memref<!tpu.dma_semaphore, #tpu.memory_space<semaphore_mem>>) src(%arg8 : memref<128x128xf32, #tpu.memory_space<hbm>>) dst(%dma_wait3A_414 : memref<128x128xf32, #tpu.memory_space<vmem_shared>>)
      tpu.yield
    }) : () -> ()
    %mul3A_15 = arith.constant 640 : i32
    %mul3A_16 = arith.muli %arg1, %mul3A_15 : i32
    %add3A_17 = arith.constant 384 : i32
    %add3A_18 = arith.addi %mul3A_16, %add3A_17 : i32
    "tpu.region"() ({
      %run_scoped3A = tpu.sem_alloc : memref<!tpu.dma_semaphore, #tpu.memory_space<semaphore_mem>>
      %dma_start3A_411 = arith.constant 0 : i32
      %dma_start3A_412 = tpu.memref_slice %arg22[%add3A_18, %dma_start3A_411] : memref<10240x128xf32, #tpu.memory_space<vmem_shared>> -> memref<128x128xf32, #tpu.memory_space<vmem_shared>>
      tpu.enqueue_dma source(%arg8 : memref<128x128xf32, #tpu.memory_space<hbm>>) target(%dma_start3A_412 : memref<128x128xf32, #tpu.memory_space<vmem_shared>>) target_semaphore(%run_scoped3A : memref<!tpu.dma_semaphore, #tpu.memory_space<semaphore_mem>>)
      %dma_wait3A_413 = arith.constant 0 : i32
      %dma_wait3A_414 = tpu.memref_slice %arg22[%add3A_18, %dma_wait3A_413] : memref<10240x128xf32, #tpu.memory_space<vmem_shared>> -> memref<128x128xf32, #tpu.memory_space<vmem_shared>>
      tpu.wait_dma2 semaphore(%run_scoped3A : memref<!tpu.dma_semaphore, #tpu.memory_space<semaphore_mem>>) src(%arg8 : memref<128x128xf32, #tpu.memory_space<hbm>>) dst(%dma_wait3A_414 : memref<128x128xf32, #tpu.memory_space<vmem_shared>>)
      tpu.yield
    }) : () -> ()
    %mul3A_19 = arith.constant 640 : i32
    %mul3A_20 = arith.muli %arg1, %mul3A_19 : i32
    %add3A_21 = arith.constant 512 : i32
    %add3A_22 = arith.addi %mul3A_20, %add3A_21 : i32
    "tpu.region"() ({
      %run_scoped3A = tpu.sem_alloc : memref<!tpu.dma_semaphore, #tpu.memory_space<semaphore_mem>>
      %dma_start3A_411 = arith.constant 0 : i32
      %dma_start3A_412 = tpu.memref_slice %arg22[%add3A_22, %dma_start3A_411] : memref<10240x128xf32, #tpu.memory_space<vmem_shared>> -> memref<128x128xf32, #tpu.memory_space<vmem_shared>>
      tpu.enqueue_dma source(%arg8 : memref<128x128xf32, #tpu.memory_space<hbm>>) target(%dma_start3A_412 : memref<128x128xf32, #tpu.memory_space<vmem_shared>>) target_semaphore(%run_scoped3A : memref<!tpu.dma_semaphore, #tpu.memory_space<semaphore_mem>>)
      %dma_wait3A_413 = arith.constant 0 : i32
      %dma_wait3A_414 = tpu.memref_slice %arg22[%add3A_22, %dma_wait3A_413] : memref<10240x128xf32, #tpu.memory_space<vmem_shared>> -> memref<128x128xf32, #tpu.memory_space<vmem_shared>>
      tpu.wait_dma2 semaphore(%run_scoped3A : memref<!tpu.dma_semaphore, #tpu.memory_space<semaphore_mem>>) src(%arg8 : memref<128x128xf32, #tpu.memory_space<hbm>>) dst(%dma_wait3A_414 : memref<128x128xf32, #tpu.memory_space<vmem_shared>>)
      tpu.yield
    }) : () -> ()
    %eq3A = arith.constant 0 : i32
    %eq3A_23 = arith.cmpi eq, %arg1, %eq3A : i32
    %convert_element_type3A = arith.extui %eq3A_23 : i1 to i32
    %cond3A = arith.constant 0 : i32
    %cond3A_24 = arith.cmpi ne, %convert_element_type3A, %cond3A : i32
    scf.if %cond3A_24 {
      "tpu.region"() ({
        %run_scoped3A = tpu.sem_alloc : memref<!tpu.dma_semaphore, #tpu.memory_space<semaphore_mem>>
        %dma_start3A_411 = arith.constant 0 : i32
        %dma_start3A_412 = tpu.memref_slice %arg23[%dma_start3A_411] : memref<10240xf32, #tpu.memory_space<vmem_shared>> -> memref<2048xf32, #tpu.memory_space<vmem_shared>>
        tpu.enqueue_dma source(%arg9 : memref<2048xf32, #tpu.memory_space<hbm>>) target(%dma_start3A_412 : memref<2048xf32, #tpu.memory_space<vmem_shared>>) target_semaphore(%run_scoped3A : memref<!tpu.dma_semaphore, #tpu.memory_space<semaphore_mem>>)
        %dma_wait3A_413 = arith.constant 0 : i32
        %dma_wait3A_414 = tpu.memref_slice %arg23[%dma_wait3A_413] : memref<10240xf32, #tpu.memory_space<vmem_shared>> -> memref<2048xf32, #tpu.memory_space<vmem_shared>>
        tpu.wait_dma2 semaphore(%run_scoped3A : memref<!tpu.dma_semaphore, #tpu.memory_space<semaphore_mem>>) src(%arg9 : memref<2048xf32, #tpu.memory_space<hbm>>) dst(%dma_wait3A_414 : memref<2048xf32, #tpu.memory_space<vmem_shared>>)
        tpu.yield
      }) : () -> ()
      "tpu.region"() ({
        %run_scoped3A = tpu.sem_alloc : memref<!tpu.dma_semaphore, #tpu.memory_space<semaphore_mem>>
        %dma_start3A_411 = arith.constant 2048 : i32
        %dma_start3A_412 = tpu.memref_slice %arg23[%dma_start3A_411] : memref<10240xf32, #tpu.memory_space<vmem_shared>> -> memref<2048xf32, #tpu.memory_space<vmem_shared>>
        tpu.enqueue_dma source(%arg9 : memref<2048xf32, #tpu.memory_space<hbm>>) target(%dma_start3A_412 : memref<2048xf32, #tpu.memory_space<vmem_shared>>) target_semaphore(%run_scoped3A : memref<!tpu.dma_semaphore, #tpu.memory_space<semaphore_mem>>)
        %dma_wait3A_413 = arith.constant 2048 : i32
        %dma_wait3A_414 = tpu.memref_slice %arg23[%dma_wait3A_413] : memref<10240xf32, #tpu.memory_space<vmem_shared>> -> memref<2048xf32, #tpu.memory_space<vmem_shared>>
        tpu.wait_dma2 semaphore(%run_scoped3A : memref<!tpu.dma_semaphore, #tpu.memory_space<semaphore_mem>>) src(%arg9 : memref<2048xf32, #tpu.memory_space<hbm>>) dst(%dma_wait3A_414 : memref<2048xf32, #tpu.memory_space<vmem_shared>>)
        tpu.yield
      }) : () -> ()
      "tpu.region"() ({
        %run_scoped3A = tpu.sem_alloc : memref<!tpu.dma_semaphore, #tpu.memory_space<semaphore_mem>>
        %dma_start3A_411 = arith.constant 4096 : i32
        %dma_start3A_412 = tpu.memref_slice %arg23[%dma_start3A_411] : memref<10240xf32, #tpu.memory_space<vmem_shared>> -> memref<2048xf32, #tpu.memory_space<vmem_shared>>
        tpu.enqueue_dma source(%arg9 : memref<2048xf32, #tpu.memory_space<hbm>>) target(%dma_start3A_412 : memref<2048xf32, #tpu.memory_space<vmem_shared>>) target_semaphore(%run_scoped3A : memref<!tpu.dma_semaphore, #tpu.memory_space<semaphore_mem>>)
        %dma_wait3A_413 = arith.constant 4096 : i32
        %dma_wait3A_414 = tpu.memref_slice %arg23[%dma_wait3A_413] : memref<10240xf32, #tpu.memory_space<vmem_shared>> -> memref<2048xf32, #tpu.memory_space<vmem_shared>>
        tpu.wait_dma2 semaphore(%run_scoped3A : memref<!tpu.dma_semaphore, #tpu.memory_space<semaphore_mem>>) src(%arg9 : memref<2048xf32, #tpu.memory_space<hbm>>) dst(%dma_wait3A_414 : memref<2048xf32, #tpu.memory_space<vmem_shared>>)
        tpu.yield
      }) : () -> ()
      "tpu.region"() ({
        %run_scoped3A = tpu.sem_alloc : memref<!tpu.dma_semaphore, #tpu.memory_space<semaphore_mem>>
        %dma_start3A_411 = arith.constant 6144 : i32
        %dma_start3A_412 = tpu.memref_slice %arg23[%dma_start3A_411] : memref<10240xf32, #tpu.memory_space<vmem_shared>> -> memref<2048xf32, #tpu.memory_space<vmem_shared>>
        tpu.enqueue_dma source(%arg9 : memref<2048xf32, #tpu.memory_space<hbm>>) target(%dma_start3A_412 : memref<2048xf32, #tpu.memory_space<vmem_shared>>) target_semaphore(%run_scoped3A : memref<!tpu.dma_semaphore, #tpu.memory_space<semaphore_mem>>)
        %dma_wait3A_413 = arith.constant 6144 : i32
        %dma_wait3A_414 = tpu.memref_slice %arg23[%dma_wait3A_413] : memref<10240xf32, #tpu.memory_space<vmem_shared>> -> memref<2048xf32, #tpu.memory_space<vmem_shared>>
        tpu.wait_dma2 semaphore(%run_scoped3A : memref<!tpu.dma_semaphore, #tpu.memory_space<semaphore_mem>>) src(%arg9 : memref<2048xf32, #tpu.memory_space<hbm>>) dst(%dma_wait3A_414 : memref<2048xf32, #tpu.memory_space<vmem_shared>>)
        tpu.yield
      }) : () -> ()
      "tpu.region"() ({
        %run_scoped3A = tpu.sem_alloc : memref<!tpu.dma_semaphore, #tpu.memory_space<semaphore_mem>>
        %dma_start3A_411 = arith.constant 8192 : i32
        %dma_start3A_412 = tpu.memref_slice %arg23[%dma_start3A_411] : memref<10240xf32, #tpu.memory_space<vmem_shared>> -> memref<2048xf32, #tpu.memory_space<vmem_shared>>
        tpu.enqueue_dma source(%arg9 : memref<2048xf32, #tpu.memory_space<hbm>>) target(%dma_start3A_412 : memref<2048xf32, #tpu.memory_space<vmem_shared>>) target_semaphore(%run_scoped3A : memref<!tpu.dma_semaphore, #tpu.memory_space<semaphore_mem>>)
        %dma_wait3A_413 = arith.constant 8192 : i32
        %dma_wait3A_414 = tpu.memref_slice %arg23[%dma_wait3A_413] : memref<10240xf32, #tpu.memory_space<vmem_shared>> -> memref<2048xf32, #tpu.memory_space<vmem_shared>>
        tpu.wait_dma2 semaphore(%run_scoped3A : memref<!tpu.dma_semaphore, #tpu.memory_space<semaphore_mem>>) src(%arg9 : memref<2048xf32, #tpu.memory_space<hbm>>) dst(%dma_wait3A_414 : memref<2048xf32, #tpu.memory_space<vmem_shared>>)
        tpu.yield
      }) : () -> ()
    } else {
    }
    %barrier3A = arith.constant 0 : index
    tpu.barrier barrier_id(%barrier3A)
    %dma_start3A = tpu.memref_slice %arg3[%mul3A_2] : memref<320000xi32, #tpu.memory_space<hbm>> -> memref<128xi32, #tpu.memory_space<hbm>>
    %dma_start3A_25 = tpu.memref_slice %arg3[%mul3A_2] : memref<320000xi32, #tpu.memory_space<hbm>> -> memref<128xi32, #tpu.memory_space<hbm>>
    tpu.enqueue_dma source(%dma_start3A_25 : memref<128xi32, #tpu.memory_space<hbm>>) target(%arg14 : memref<128xi32, #tpu.memory_space<vmem>>) target_semaphore(%arg24 : memref<!tpu.dma_semaphore, #tpu.memory_space<semaphore_mem>>)
    %dma_start3A_26 = arith.constant 0 : i32
    %dma_start3A_27 = tpu.memref_slice %arg2[%mul3A_2, %dma_start3A_26] : memref<320000x128xf32, #tpu.memory_space<hbm>> -> memref<128x128xf32, #tpu.memory_space<hbm>>
    %dma_start3A_28 = arith.constant 0 : i32
    %dma_start3A_29 = tpu.memref_slice %arg2[%mul3A_2, %dma_start3A_28] : memref<320000x128xf32, #tpu.memory_space<hbm>> -> memref<128x128xf32, #tpu.memory_space<hbm>>
    tpu.enqueue_dma source(%dma_start3A_29 : memref<128x128xf32, #tpu.memory_space<hbm>>) target(%arg16 : memref<128x128xf32, #tpu.memory_space<vmem>>) target_semaphore(%arg24 : memref<!tpu.dma_semaphore, #tpu.memory_space<semaphore_mem>>)
    %scan3A = arith.constant 0 : i32
    %scan3A_30 = arith.constant 0 : i32
    %scan3A_31 = arith.constant 38 : i32
    %scan3A_32 = arith.addi %scan3A_30, %scan3A_31 : i32
    %scan3A_33 = arith.constant 1 : i32
    scf.for %scan3A_411 = %scan3A_30 to %scan3A_32 step %scan3A_33  : i32 {
      %mul3A_412 = arith.constant 2 : i32
      %mul3A_413 = arith.muli %mul3A_412, %scan3A_411 : i32
      %mul3A_414 = arith.constant 128 : i32
      %mul3A_415 = arith.muli %mul3A_413, %mul3A_414 : i32
      %add3A_416 = arith.addi %mul3A_2, %mul3A_415 : i32
      %ge3A = arith.constant 1 : i32
      %ge3A_417 = arith.cmpi sge, %scan3A_411, %ge3A : i32
      %convert_element_type3A_418 = arith.extui %ge3A_417 : i1 to i32
      %cond3A_419 = arith.constant 0 : i32
      %cond3A_420 = arith.cmpi ne, %convert_element_type3A_418, %cond3A_419 : i32
      scf.if %cond3A_420 {
        %dma_wait3A_466 = arith.constant 0 : i32
        %dma_wait3A_467 = arith.constant 0 : i32
        %dma_wait3A_468 = tpu.memref_slice %arg22[%dma_wait3A_466, %dma_wait3A_467] : memref<10240x128xf32, #tpu.memory_space<vmem_shared>> -> memref<10240x128xf32, #tpu.memory_space<vmem_shared>>
        tpu.wait_indirect_dma semaphore(%arg27 : memref<!tpu.dma_semaphore, #tpu.memory_space<semaphore_mem>>) src(%arg17 : memref<128x128xf32, #tpu.memory_space<vmem>>) dst(%dma_wait3A_468 : memref<10240x128xf32, #tpu.memory_space<vmem_shared>>)
        %dma_wait3A_469 = arith.constant 0 : i32
        %dma_wait3A_470 = tpu.memref_slice %arg23[%dma_wait3A_469] : memref<10240xf32, #tpu.memory_space<vmem_shared>> -> memref<10240xf32, #tpu.memory_space<vmem_shared>>
        tpu.wait_indirect_dma semaphore(%arg27 : memref<!tpu.dma_semaphore, #tpu.memory_space<semaphore_mem>>) src(%arg18 : memref<128xf32, #tpu.memory_space<vmem>>) dst(%dma_wait3A_470 : memref<10240xf32, #tpu.memory_space<vmem_shared>>)
      } else {
      }
      %add3A_421 = arith.constant 128 : i32
      %add3A_422 = arith.addi %add3A_416, %add3A_421 : i32
      %dma_start3A_423 = tpu.memref_slice %arg3[%add3A_422] : memref<320000xi32, #tpu.memory_space<hbm>> -> memref<128xi32, #tpu.memory_space<hbm>>
      %dma_start3A_424 = tpu.memref_slice %arg3[%add3A_422] : memref<320000xi32, #tpu.memory_space<hbm>> -> memref<128xi32, #tpu.memory_space<hbm>>
      tpu.enqueue_dma source(%dma_start3A_424 : memref<128xi32, #tpu.memory_space<hbm>>) target(%arg15 : memref<128xi32, #tpu.memory_space<vmem>>) target_semaphore(%arg25 : memref<!tpu.dma_semaphore, #tpu.memory_space<semaphore_mem>>)
      %dma_start3A_425 = arith.constant 0 : i32
      %dma_start3A_426 = tpu.memref_slice %arg2[%add3A_422, %dma_start3A_425] : memref<320000x128xf32, #tpu.memory_space<hbm>> -> memref<128x128xf32, #tpu.memory_space<hbm>>
      %dma_start3A_427 = arith.constant 0 : i32
      %dma_start3A_428 = tpu.memref_slice %arg2[%add3A_422, %dma_start3A_427] : memref<320000x128xf32, #tpu.memory_space<hbm>> -> memref<128x128xf32, #tpu.memory_space<hbm>>
      tpu.enqueue_dma source(%dma_start3A_428 : memref<128x128xf32, #tpu.memory_space<hbm>>) target(%arg17 : memref<128x128xf32, #tpu.memory_space<vmem>>) target_semaphore(%arg25 : memref<!tpu.dma_semaphore, #tpu.memory_space<semaphore_mem>>)
      %dma_wait3A_429 = tpu.memref_slice %arg3[%add3A_416] : memref<320000xi32, #tpu.memory_space<hbm>> -> memref<128xi32, #tpu.memory_space<hbm>>
      %dma_wait3A_430 = tpu.memref_slice %arg3[%add3A_416] : memref<320000xi32, #tpu.memory_space<hbm>> -> memref<128xi32, #tpu.memory_space<hbm>>
      tpu.wait_dma2 semaphore(%arg24 : memref<!tpu.dma_semaphore, #tpu.memory_space<semaphore_mem>>) src(%dma_wait3A_430 : memref<128xi32, #tpu.memory_space<hbm>>) dst(%arg14 : memref<128xi32, #tpu.memory_space<vmem>>)
      %dma_wait3A_431 = arith.constant 0 : i32
      %dma_wait3A_432 = tpu.memref_slice %arg2[%add3A_416, %dma_wait3A_431] : memref<320000x128xf32, #tpu.memory_space<hbm>> -> memref<128x128xf32, #tpu.memory_space<hbm>>
      %dma_wait3A_433 = arith.constant 0 : i32
      %dma_wait3A_434 = tpu.memref_slice %arg2[%add3A_416, %dma_wait3A_433] : memref<320000x128xf32, #tpu.memory_space<hbm>> -> memref<128x128xf32, #tpu.memory_space<hbm>>
      tpu.wait_dma2 semaphore(%arg24 : memref<!tpu.dma_semaphore, #tpu.memory_space<semaphore_mem>>) src(%dma_wait3A_434 : memref<128x128xf32, #tpu.memory_space<hbm>>) dst(%arg16 : memref<128x128xf32, #tpu.memory_space<vmem>>)
      %dma_start3A_435 = arith.constant 0 : i32
      %dma_start3A_436 = arith.constant 0 : i32
      %dma_start3A_437 = tpu.memref_slice %arg22[%dma_start3A_435, %dma_start3A_436] : memref<10240x128xf32, #tpu.memory_space<vmem_shared>> -> memref<10240x128xf32, #tpu.memory_space<vmem_shared>>
      tpu.enqueue_indirect_dma source(%arg16 : memref<128x128xf32, #tpu.memory_space<vmem>>) target(%dma_start3A_437 : memref<10240x128xf32, #tpu.memory_space<vmem_shared>>) offsets(%arg14 : memref<128xi32, #tpu.memory_space<vmem>>) semaphore(%arg26 : memref<!tpu.dma_semaphore, #tpu.memory_space<semaphore_mem>>) {add = true}
      %dma_start3A_438 = arith.constant 0 : i32
      %dma_start3A_439 = tpu.memref_slice %arg23[%dma_start3A_438] : memref<10240xf32, #tpu.memory_space<vmem_shared>> -> memref<10240xf32, #tpu.memory_space<vmem_shared>>
      tpu.enqueue_indirect_dma source(%arg18 : memref<128xf32, #tpu.memory_space<vmem>>) target(%dma_start3A_439 : memref<10240xf32, #tpu.memory_space<vmem_shared>>) offsets(%arg14 : memref<128xi32, #tpu.memory_space<vmem>>) semaphore(%arg26 : memref<!tpu.dma_semaphore, #tpu.memory_space<semaphore_mem>>) {add = true}
      %dma_wait3A_440 = arith.constant 0 : i32
      %dma_wait3A_441 = arith.constant 0 : i32
      %dma_wait3A_442 = tpu.memref_slice %arg22[%dma_wait3A_440, %dma_wait3A_441] : memref<10240x128xf32, #tpu.memory_space<vmem_shared>> -> memref<10240x128xf32, #tpu.memory_space<vmem_shared>>
      tpu.wait_indirect_dma semaphore(%arg26 : memref<!tpu.dma_semaphore, #tpu.memory_space<semaphore_mem>>) src(%arg16 : memref<128x128xf32, #tpu.memory_space<vmem>>) dst(%dma_wait3A_442 : memref<10240x128xf32, #tpu.memory_space<vmem_shared>>)
      %dma_wait3A_443 = arith.constant 0 : i32
      %dma_wait3A_444 = tpu.memref_slice %arg23[%dma_wait3A_443] : memref<10240xf32, #tpu.memory_space<vmem_shared>> -> memref<10240xf32, #tpu.memory_space<vmem_shared>>
      tpu.wait_indirect_dma semaphore(%arg26 : memref<!tpu.dma_semaphore, #tpu.memory_space<semaphore_mem>>) src(%arg18 : memref<128xf32, #tpu.memory_space<vmem>>) dst(%dma_wait3A_444 : memref<10240xf32, #tpu.memory_space<vmem_shared>>)
      %add3A_445 = arith.constant 256 : i32
      %add3A_446 = arith.addi %add3A_416, %add3A_445 : i32
      %dma_start3A_447 = tpu.memref_slice %arg3[%add3A_446] : memref<320000xi32, #tpu.memory_space<hbm>> -> memref<128xi32, #tpu.memory_space<hbm>>
      %dma_start3A_448 = tpu.memref_slice %arg3[%add3A_446] : memref<320000xi32, #tpu.memory_space<hbm>> -> memref<128xi32, #tpu.memory_space<hbm>>
      tpu.enqueue_dma source(%dma_start3A_448 : memref<128xi32, #tpu.memory_space<hbm>>) target(%arg14 : memref<128xi32, #tpu.memory_space<vmem>>) target_semaphore(%arg24 : memref<!tpu.dma_semaphore, #tpu.memory_space<semaphore_mem>>)
      %dma_start3A_449 = arith.constant 0 : i32
      %dma_start3A_450 = tpu.memref_slice %arg2[%add3A_446, %dma_start3A_449] : memref<320000x128xf32, #tpu.memory_space<hbm>> -> memref<128x128xf32, #tpu.memory_space<hbm>>
      %dma_start3A_451 = arith.constant 0 : i32
      %dma_start3A_452 = tpu.memref_slice %arg2[%add3A_446, %dma_start3A_451] : memref<320000x128xf32, #tpu.memory_space<hbm>> -> memref<128x128xf32, #tpu.memory_space<hbm>>
      tpu.enqueue_dma source(%dma_start3A_452 : memref<128x128xf32, #tpu.memory_space<hbm>>) target(%arg16 : memref<128x128xf32, #tpu.memory_space<vmem>>) target_semaphore(%arg24 : memref<!tpu.dma_semaphore, #tpu.memory_space<semaphore_mem>>)
      %add3A_453 = arith.constant 128 : i32
      %add3A_454 = arith.addi %add3A_416, %add3A_453 : i32
      %dma_wait3A_455 = tpu.memref_slice %arg3[%add3A_454] : memref<320000xi32, #tpu.memory_space<hbm>> -> memref<128xi32, #tpu.memory_space<hbm>>
      %dma_wait3A_456 = tpu.memref_slice %arg3[%add3A_454] : memref<320000xi32, #tpu.memory_space<hbm>> -> memref<128xi32, #tpu.memory_space<hbm>>
      tpu.wait_dma2 semaphore(%arg25 : memref<!tpu.dma_semaphore, #tpu.memory_space<semaphore_mem>>) src(%dma_wait3A_456 : memref<128xi32, #tpu.memory_space<hbm>>) dst(%arg15 : memref<128xi32, #tpu.memory_space<vmem>>)
      %dma_wait3A_457 = arith.constant 0 : i32
      %dma_wait3A_458 = tpu.memref_slice %arg2[%add3A_454, %dma_wait3A_457] : memref<320000x128xf32, #tpu.memory_space<hbm>> -> memref<128x128xf32, #tpu.memory_space<hbm>>
      %dma_wait3A_459 = arith.constant 0 : i32
      %dma_wait3A_460 = tpu.memref_slice %arg2[%add3A_454, %dma_wait3A_459] : memref<320000x128xf32, #tpu.memory_space<hbm>> -> memref<128x128xf32, #tpu.memory_space<hbm>>
      tpu.wait_dma2 semaphore(%arg25 : memref<!tpu.dma_semaphore, #tpu.memory_space<semaphore_mem>>) src(%dma_wait3A_460 : memref<128x128xf32, #tpu.memory_space<hbm>>) dst(%arg17 : memref<128x128xf32, #tpu.memory_space<vmem>>)
      %dma_start3A_461 = arith.constant 0 : i32
      %dma_start3A_462 = arith.constant 0 : i32
      %dma_start3A_463 = tpu.memref_slice %arg22[%dma_start3A_461, %dma_start3A_462] : memref<10240x128xf32, #tpu.memory_space<vmem_shared>> -> memref<10240x128xf32, #tpu.memory_space<vmem_shared>>
      tpu.enqueue_indirect_dma source(%arg17 : memref<128x128xf32, #tpu.memory_space<vmem>>) target(%dma_start3A_463 : memref<10240x128xf32, #tpu.memory_space<vmem_shared>>) offsets(%arg15 : memref<128xi32, #tpu.memory_space<vmem>>) semaphore(%arg27 : memref<!tpu.dma_semaphore, #tpu.memory_space<semaphore_mem>>) {add = true}
      %dma_start3A_464 = arith.constant 0 : i32
      %dma_start3A_465 = tpu.memref_slice %arg23[%dma_start3A_464] : memref<10240xf32, #tpu.memory_space<vmem_shared>> -> memref<10240xf32, #tpu.memory_space<vmem_shared>>
      tpu.enqueue_indirect_dma source(%arg18 : memref<128xf32, #tpu.memory_space<vmem>>) target(%dma_start3A_465 : memref<10240xf32, #tpu.memory_space<vmem_shared>>) offsets(%arg15 : memref<128xi32, #tpu.memory_space<vmem>>) semaphore(%arg27 : memref<!tpu.dma_semaphore, #tpu.memory_space<semaphore_mem>>) {add = true}
    }
    %scan3A_34 = arith.constant 38 : i32
    %dma_wait3A = arith.constant 0 : i32
    %dma_wait3A_35 = arith.constant 0 : i32
    %dma_wait3A_36 = tpu.memref_slice %arg22[%dma_wait3A, %dma_wait3A_35] : memref<10240x128xf32, #tpu.memory_space<vmem_shared>> -> memref<10240x128xf32, #tpu.memory_space<vmem_shared>>
    tpu.wait_indirect_dma semaphore(%arg27 : memref<!tpu.dma_semaphore, #tpu.memory_space<semaphore_mem>>) src(%arg17 : memref<128x128xf32, #tpu.memory_space<vmem>>) dst(%dma_wait3A_36 : memref<10240x128xf32, #tpu.memory_space<vmem_shared>>)
    %dma_wait3A_37 = arith.constant 0 : i32
    %dma_wait3A_38 = tpu.memref_slice %arg23[%dma_wait3A_37] : memref<10240xf32, #tpu.memory_space<vmem_shared>> -> memref<10240xf32, #tpu.memory_space<vmem_shared>>
    tpu.wait_indirect_dma semaphore(%arg27 : memref<!tpu.dma_semaphore, #tpu.memory_space<semaphore_mem>>) src(%arg18 : memref<128xf32, #tpu.memory_space<vmem>>) dst(%dma_wait3A_38 : memref<10240xf32, #tpu.memory_space<vmem_shared>>)
    %add3A_39 = arith.constant 9856 : i32
    %add3A_40 = arith.addi %mul3A_2, %add3A_39 : i32
    %dma_start3A_41 = tpu.memref_slice %arg3[%add3A_40] : memref<320000xi32, #tpu.memory_space<hbm>> -> memref<128xi32, #tpu.memory_space<hbm>>
    %dma_start3A_42 = tpu.memref_slice %arg3[%add3A_40] : memref<320000xi32, #tpu.memory_space<hbm>> -> memref<128xi32, #tpu.memory_space<hbm>>
    tpu.enqueue_dma source(%dma_start3A_42 : memref<128xi32, #tpu.memory_space<hbm>>) target(%arg15 : memref<128xi32, #tpu.memory_space<vmem>>) target_semaphore(%arg25 : memref<!tpu.dma_semaphore, #tpu.memory_space<semaphore_mem>>)
    %dma_start3A_43 = arith.constant 0 : i32
    %dma_start3A_44 = tpu.memref_slice %arg2[%add3A_40, %dma_start3A_43] : memref<320000x128xf32, #tpu.memory_space<hbm>> -> memref<128x128xf32, #tpu.memory_space<hbm>>
    %dma_start3A_45 = arith.constant 0 : i32
    %dma_start3A_46 = tpu.memref_slice %arg2[%add3A_40, %dma_start3A_45] : memref<320000x128xf32, #tpu.memory_space<hbm>> -> memref<128x128xf32, #tpu.memory_space<hbm>>
    tpu.enqueue_dma source(%dma_start3A_46 : memref<128x128xf32, #tpu.memory_space<hbm>>) target(%arg17 : memref<128x128xf32, #tpu.memory_space<vmem>>) target_semaphore(%arg25 : memref<!tpu.dma_semaphore, #tpu.memory_space<semaphore_mem>>)
    %add3A_47 = arith.constant 9728 : i32
    %add3A_48 = arith.addi %mul3A_2, %add3A_47 : i32
    %dma_wait3A_49 = tpu.memref_slice %arg3[%add3A_48] : memref<320000xi32, #tpu.memory_space<hbm>> -> memref<128xi32, #tpu.memory_space<hbm>>
    %dma_wait3A_50 = tpu.memref_slice %arg3[%add3A_48] : memref<320000xi32, #tpu.memory_space<hbm>> -> memref<128xi32, #tpu.memory_space<hbm>>
    tpu.wait_dma2 semaphore(%arg24 : memref<!tpu.dma_semaphore, #tpu.memory_space<semaphore_mem>>) src(%dma_wait3A_50 : memref<128xi32, #tpu.memory_space<hbm>>) dst(%arg14 : memref<128xi32, #tpu.memory_space<vmem>>)
    %dma_wait3A_51 = arith.constant 0 : i32
    %dma_wait3A_52 = tpu.memref_slice %arg2[%add3A_48, %dma_wait3A_51] : memref<320000x128xf32, #tpu.memory_space<hbm>> -> memref<128x128xf32, #tpu.memory_space<hbm>>
    %dma_wait3A_53 = arith.constant 0 : i32
    %dma_wait3A_54 = tpu.memref_slice %arg2[%add3A_48, %dma_wait3A_53] : memref<320000x128xf32, #tpu.memory_space<hbm>> -> memref<128x128xf32, #tpu.memory_space<hbm>>
    tpu.wait_dma2 semaphore(%arg24 : memref<!tpu.dma_semaphore, #tpu.memory_space<semaphore_mem>>) src(%dma_wait3A_54 : memref<128x128xf32, #tpu.memory_space<hbm>>) dst(%arg16 : memref<128x128xf32, #tpu.memory_space<vmem>>)
    %dma_start3A_55 = arith.constant 0 : i32
    %dma_start3A_56 = arith.constant 0 : i32
    %dma_start3A_57 = tpu.memref_slice %arg22[%dma_start3A_55, %dma_start3A_56] : memref<10240x128xf32, #tpu.memory_space<vmem_shared>> -> memref<10240x128xf32, #tpu.memory_space<vmem_shared>>
    tpu.enqueue_indirect_dma source(%arg16 : memref<128x128xf32, #tpu.memory_space<vmem>>) target(%dma_start3A_57 : memref<10240x128xf32, #tpu.memory_space<vmem_shared>>) offsets(%arg14 : memref<128xi32, #tpu.memory_space<vmem>>) semaphore(%arg26 : memref<!tpu.dma_semaphore, #tpu.memory_space<semaphore_mem>>) {add = true}
    %dma_start3A_58 = arith.constant 0 : i32
    %dma_start3A_59 = tpu.memref_slice %arg23[%dma_start3A_58] : memref<10240xf32, #tpu.memory_space<vmem_shared>> -> memref<10240xf32, #tpu.memory_space<vmem_shared>>
    tpu.enqueue_indirect_dma source(%arg18 : memref<128xf32, #tpu.memory_space<vmem>>) target(%dma_start3A_59 : memref<10240xf32, #tpu.memory_space<vmem_shared>>) offsets(%arg14 : memref<128xi32, #tpu.memory_space<vmem>>) semaphore(%arg26 : memref<!tpu.dma_semaphore, #tpu.memory_space<semaphore_mem>>) {add = true}
    %add3A_60 = arith.constant 9984 : i32
    %add3A_61 = arith.addi %mul3A_2, %add3A_60 : i32
    %dma_start3A_62 = tpu.memref_slice %arg3[%add3A_61] : memref<320000xi32, #tpu.memory_space<hbm>> -> memref<16xi32, #tpu.memory_space<hbm>>
    %dma_start3A_63 = tpu.memref_slice %arg3[%add3A_61] : memref<320000xi32, #tpu.memory_space<hbm>> -> memref<16xi32, #tpu.memory_space<hbm>>
    tpu.enqueue_dma source(%dma_start3A_63 : memref<16xi32, #tpu.memory_space<hbm>>) target(%arg19 : memref<16xi32, #tpu.memory_space<vmem>>) target_semaphore(%arg24 : memref<!tpu.dma_semaphore, #tpu.memory_space<semaphore_mem>>)
    %dma_start3A_64 = arith.constant 0 : i32
    %dma_start3A_65 = tpu.memref_slice %arg2[%add3A_61, %dma_start3A_64] : memref<320000x128xf32, #tpu.memory_space<hbm>> -> memref<16x128xf32, #tpu.memory_space<hbm>>
    %dma_start3A_66 = arith.constant 0 : i32
    %dma_start3A_67 = tpu.memref_slice %arg2[%add3A_61, %dma_start3A_66] : memref<320000x128xf32, #tpu.memory_space<hbm>> -> memref<16x128xf32, #tpu.memory_space<hbm>>
    tpu.enqueue_dma source(%dma_start3A_67 : memref<16x128xf32, #tpu.memory_space<hbm>>) target(%arg20 : memref<16x128xf32, #tpu.memory_space<vmem>>) target_semaphore(%arg24 : memref<!tpu.dma_semaphore, #tpu.memory_space<semaphore_mem>>)
    %dma_wait3A_68 = arith.constant 0 : i32
    %dma_wait3A_69 = arith.constant 0 : i32
    %dma_wait3A_70 = tpu.memref_slice %arg22[%dma_wait3A_68, %dma_wait3A_69] : memref<10240x128xf32, #tpu.memory_space<vmem_shared>> -> memref<10240x128xf32, #tpu.memory_space<vmem_shared>>
    tpu.wait_indirect_dma semaphore(%arg26 : memref<!tpu.dma_semaphore, #tpu.memory_space<semaphore_mem>>) src(%arg16 : memref<128x128xf32, #tpu.memory_space<vmem>>) dst(%dma_wait3A_70 : memref<10240x128xf32, #tpu.memory_space<vmem_shared>>)
    %dma_wait3A_71 = arith.constant 0 : i32
    %dma_wait3A_72 = tpu.memref_slice %arg23[%dma_wait3A_71] : memref<10240xf32, #tpu.memory_space<vmem_shared>> -> memref<10240xf32, #tpu.memory_space<vmem_shared>>
    tpu.wait_indirect_dma semaphore(%arg26 : memref<!tpu.dma_semaphore, #tpu.memory_space<semaphore_mem>>) src(%arg18 : memref<128xf32, #tpu.memory_space<vmem>>) dst(%dma_wait3A_72 : memref<10240xf32, #tpu.memory_space<vmem_shared>>)
    %add3A_73 = arith.constant 9856 : i32
    %add3A_74 = arith.addi %mul3A_2, %add3A_73 : i32
    %dma_wait3A_75 = tpu.memref_slice %arg3[%add3A_74] : memref<320000xi32, #tpu.memory_space<hbm>> -> memref<128xi32, #tpu.memory_space<hbm>>
    %dma_wait3A_76 = tpu.memref_slice %arg3[%add3A_74] : memref<320000xi32, #tpu.memory_space<hbm>> -> memref<128xi32, #tpu.memory_space<hbm>>
    tpu.wait_dma2 semaphore(%arg25 : memref<!tpu.dma_semaphore, #tpu.memory_space<semaphore_mem>>) src(%dma_wait3A_76 : memref<128xi32, #tpu.memory_space<hbm>>) dst(%arg15 : memref<128xi32, #tpu.memory_space<vmem>>)
    %dma_wait3A_77 = arith.constant 0 : i32
    %dma_wait3A_78 = tpu.memref_slice %arg2[%add3A_74, %dma_wait3A_77] : memref<320000x128xf32, #tpu.memory_space<hbm>> -> memref<128x128xf32, #tpu.memory_space<hbm>>
    %dma_wait3A_79 = arith.constant 0 : i32
    %dma_wait3A_80 = tpu.memref_slice %arg2[%add3A_74, %dma_wait3A_79] : memref<320000x128xf32, #tpu.memory_space<hbm>> -> memref<128x128xf32, #tpu.memory_space<hbm>>
    tpu.wait_dma2 semaphore(%arg25 : memref<!tpu.dma_semaphore, #tpu.memory_space<semaphore_mem>>) src(%dma_wait3A_80 : memref<128x128xf32, #tpu.memory_space<hbm>>) dst(%arg17 : memref<128x128xf32, #tpu.memory_space<vmem>>)
    %dma_start3A_81 = arith.constant 0 : i32
    %dma_start3A_82 = arith.constant 0 : i32
    %dma_start3A_83 = tpu.memref_slice %arg22[%dma_start3A_81, %dma_start3A_82] : memref<10240x128xf32, #tpu.memory_space<vmem_shared>> -> memref<10240x128xf32, #tpu.memory_space<vmem_shared>>
    tpu.enqueue_indirect_dma source(%arg17 : memref<128x128xf32, #tpu.memory_space<vmem>>) target(%dma_start3A_83 : memref<10240x128xf32, #tpu.memory_space<vmem_shared>>) offsets(%arg15 : memref<128xi32, #tpu.memory_space<vmem>>) semaphore(%arg27 : memref<!tpu.dma_semaphore, #tpu.memory_space<semaphore_mem>>) {add = true}
    %dma_start3A_84 = arith.constant 0 : i32
    %dma_start3A_85 = tpu.memref_slice %arg23[%dma_start3A_84] : memref<10240xf32, #tpu.memory_space<vmem_shared>> -> memref<10240xf32, #tpu.memory_space<vmem_shared>>
    tpu.enqueue_indirect_dma source(%arg18 : memref<128xf32, #tpu.memory_space<vmem>>) target(%dma_start3A_85 : memref<10240xf32, #tpu.memory_space<vmem_shared>>) offsets(%arg15 : memref<128xi32, #tpu.memory_space<vmem>>) semaphore(%arg27 : memref<!tpu.dma_semaphore, #tpu.memory_space<semaphore_mem>>) {add = true}
    %dma_wait3A_86 = arith.constant 0 : i32
    %dma_wait3A_87 = arith.constant 0 : i32
    %dma_wait3A_88 = tpu.memref_slice %arg22[%dma_wait3A_86, %dma_wait3A_87] : memref<10240x128xf32, #tpu.memory_space<vmem_shared>> -> memref<10240x128xf32, #tpu.memory_space<vmem_shared>>
    tpu.wait_indirect_dma semaphore(%arg27 : memref<!tpu.dma_semaphore, #tpu.memory_space<semaphore_mem>>) src(%arg17 : memref<128x128xf32, #tpu.memory_space<vmem>>) dst(%dma_wait3A_88 : memref<10240x128xf32, #tpu.memory_space<vmem_shared>>)
    %dma_wait3A_89 = arith.constant 0 : i32
    %dma_wait3A_90 = tpu.memref_slice %arg23[%dma_wait3A_89] : memref<10240xf32, #tpu.memory_space<vmem_shared>> -> memref<10240xf32, #tpu.memory_space<vmem_shared>>
    tpu.wait_indirect_dma semaphore(%arg27 : memref<!tpu.dma_semaphore, #tpu.memory_space<semaphore_mem>>) src(%arg18 : memref<128xf32, #tpu.memory_space<vmem>>) dst(%dma_wait3A_90 : memref<10240xf32, #tpu.memory_space<vmem_shared>>)
    %dma_wait3A_91 = tpu.memref_slice %arg3[%add3A_61] : memref<320000xi32, #tpu.memory_space<hbm>> -> memref<16xi32, #tpu.memory_space<hbm>>
    %dma_wait3A_92 = tpu.memref_slice %arg3[%add3A_61] : memref<320000xi32, #tpu.memory_space<hbm>> -> memref<16xi32, #tpu.memory_space<hbm>>
    tpu.wait_dma2 semaphore(%arg24 : memref<!tpu.dma_semaphore, #tpu.memory_space<semaphore_mem>>) src(%dma_wait3A_92 : memref<16xi32, #tpu.memory_space<hbm>>) dst(%arg19 : memref<16xi32, #tpu.memory_space<vmem>>)
    %dma_wait3A_93 = arith.constant 0 : i32
    %dma_wait3A_94 = tpu.memref_slice %arg2[%add3A_61, %dma_wait3A_93] : memref<320000x128xf32, #tpu.memory_space<hbm>> -> memref<16x128xf32, #tpu.memory_space<hbm>>
    %dma_wait3A_95 = arith.constant 0 : i32
    %dma_wait3A_96 = tpu.memref_slice %arg2[%add3A_61, %dma_wait3A_95] : memref<320000x128xf32, #tpu.memory_space<hbm>> -> memref<16x128xf32, #tpu.memory_space<hbm>>
    tpu.wait_dma2 semaphore(%arg24 : memref<!tpu.dma_semaphore, #tpu.memory_space<semaphore_mem>>) src(%dma_wait3A_96 : memref<16x128xf32, #tpu.memory_space<hbm>>) dst(%arg20 : memref<16x128xf32, #tpu.memory_space<vmem>>)
    "tpu.region"() ({
      %run_scoped3A = tpu.sem_alloc : memref<!tpu.dma_semaphore, #tpu.memory_space<semaphore_mem>>
      %dma_start3A_411 = arith.constant 0 : i32
      %dma_start3A_412 = arith.constant 0 : i32
      %dma_start3A_413 = tpu.memref_slice %arg22[%dma_start3A_411, %dma_start3A_412] : memref<10240x128xf32, #tpu.memory_space<vmem_shared>> -> memref<10240x128xf32, #tpu.memory_space<vmem_shared>>
      tpu.enqueue_indirect_dma source(%arg20 : memref<16x128xf32, #tpu.memory_space<vmem>>) target(%dma_start3A_413 : memref<10240x128xf32, #tpu.memory_space<vmem_shared>>) offsets(%arg19 : memref<16xi32, #tpu.memory_space<vmem>>) semaphore(%run_scoped3A : memref<!tpu.dma_semaphore, #tpu.memory_space<semaphore_mem>>) {add = true}
      %dma_wait3A_414 = arith.constant 0 : i32
      %dma_wait3A_415 = arith.constant 0 : i32
      %dma_wait3A_416 = tpu.memref_slice %arg22[%dma_wait3A_414, %dma_wait3A_415] : memref<10240x128xf32, #tpu.memory_space<vmem_shared>> -> memref<10240x128xf32, #tpu.memory_space<vmem_shared>>
      tpu.wait_indirect_dma semaphore(%run_scoped3A : memref<!tpu.dma_semaphore, #tpu.memory_space<semaphore_mem>>) src(%arg20 : memref<16x128xf32, #tpu.memory_space<vmem>>) dst(%dma_wait3A_416 : memref<10240x128xf32, #tpu.memory_space<vmem_shared>>)
      tpu.yield
    }) : () -> ()
    "tpu.region"() ({
      %run_scoped3A = tpu.sem_alloc : memref<!tpu.dma_semaphore, #tpu.memory_space<semaphore_mem>>
      %dma_start3A_411 = arith.constant 0 : i32
      %dma_start3A_412 = tpu.memref_slice %arg23[%dma_start3A_411] : memref<10240xf32, #tpu.memory_space<vmem_shared>> -> memref<10240xf32, #tpu.memory_space<vmem_shared>>
      tpu.enqueue_indirect_dma source(%arg21 : memref<16xf32, #tpu.memory_space<vmem>>) target(%dma_start3A_412 : memref<10240xf32, #tpu.memory_space<vmem_shared>>) offsets(%arg19 : memref<16xi32, #tpu.memory_space<vmem>>) semaphore(%run_scoped3A : memref<!tpu.dma_semaphore, #tpu.memory_space<semaphore_mem>>) {add = true}
      %dma_wait3A_413 = arith.constant 0 : i32
      %dma_wait3A_414 = tpu.memref_slice %arg23[%dma_wait3A_413] : memref<10240xf32, #tpu.memory_space<vmem_shared>> -> memref<10240xf32, #tpu.memory_space<vmem_shared>>
      tpu.wait_indirect_dma semaphore(%run_scoped3A : memref<!tpu.dma_semaphore, #tpu.memory_space<semaphore_mem>>) src(%arg21 : memref<16xf32, #tpu.memory_space<vmem>>) dst(%dma_wait3A_414 : memref<10240xf32, #tpu.memory_space<vmem_shared>>)
      tpu.yield
    }) : () -> ()
    %barrier3A_97 = arith.constant 0 : index
    tpu.barrier barrier_id(%barrier3A_97)
    %mul3A_98 = arith.constant 3 : i32
    %mul3A_99 = arith.muli %arg0, %mul3A_98 : i32
    %add3A_100 = arith.constant 0 : i32
    %add3A_101 = arith.addi %mul3A_99, %add3A_100 : i32
    %mul3A_102 = arith.constant 10240 : i32
    %mul3A_103 = arith.muli %add3A_101, %mul3A_102 : i32
    %mul3A_104 = arith.constant 640 : i32
    %mul3A_105 = arith.muli %arg1, %mul3A_104 : i32
    %add3A_106 = arith.constant 0 : i32
    %add3A_107 = arith.addi %mul3A_105, %add3A_106 : i32
    %add3A_108 = arith.addi %mul3A_103, %add3A_107 : i32
    "tpu.region"() ({
      %run_scoped3A = tpu.sem_alloc : memref<!tpu.dma_semaphore, #tpu.memory_space<semaphore_mem>>
      %dma_start3A_411 = arith.constant 0 : i32
      %dma_start3A_412 = tpu.memref_slice %arg12[%add3A_108, %dma_start3A_411] : memref<61440x128xf32, #tpu.memory_space<hbm>> -> memref<128x128xf32, #tpu.memory_space<hbm>>
      %dma_start3A_413 = arith.constant 0 : i32
      %dma_start3A_414 = tpu.memref_slice %arg22[%add3A_107, %dma_start3A_413] : memref<10240x128xf32, #tpu.memory_space<vmem_shared>> -> memref<128x128xf32, #tpu.memory_space<vmem_shared>>
      tpu.enqueue_dma source(%dma_start3A_414 : memref<128x128xf32, #tpu.memory_space<vmem_shared>>) target(%dma_start3A_412 : memref<128x128xf32, #tpu.memory_space<hbm>>) target_semaphore(%run_scoped3A : memref<!tpu.dma_semaphore, #tpu.memory_space<semaphore_mem>>)
      %dma_wait3A_415 = arith.constant 0 : i32
      %dma_wait3A_416 = tpu.memref_slice %arg12[%add3A_108, %dma_wait3A_415] : memref<61440x128xf32, #tpu.memory_space<hbm>> -> memref<128x128xf32, #tpu.memory_space<hbm>>
      %dma_wait3A_417 = arith.constant 0 : i32
      %dma_wait3A_418 = tpu.memref_slice %arg22[%add3A_107, %dma_wait3A_417] : memref<10240x128xf32, #tpu.memory_space<vmem_shared>> -> memref<128x128xf32, #tpu.memory_space<vmem_shared>>
      tpu.wait_dma2 semaphore(%run_scoped3A : memref<!tpu.dma_semaphore, #tpu.memory_space<semaphore_mem>>) src(%dma_wait3A_418 : memref<128x128xf32, #tpu.memory_space<vmem_shared>>) dst(%dma_wait3A_416 : memref<128x128xf32, #tpu.memory_space<hbm>>)
      tpu.yield
    }) : () -> ()
    %mul3A_109 = arith.constant 640 : i32
    %mul3A_110 = arith.muli %arg1, %mul3A_109 : i32
    %add3A_111 = arith.constant 128 : i32
    %add3A_112 = arith.addi %mul3A_110, %add3A_111 : i32
    %add3A_113 = arith.addi %mul3A_103, %add3A_112 : i32
    "tpu.region"() ({
      %run_scoped3A = tpu.sem_alloc : memref<!tpu.dma_semaphore, #tpu.memory_space<semaphore_mem>>
      %dma_start3A_411 = arith.constant 0 : i32
      %dma_start3A_412 = tpu.memref_slice %arg12[%add3A_113, %dma_start3A_411] : memref<61440x128xf32, #tpu.memory_space<hbm>> -> memref<128x128xf32, #tpu.memory_space<hbm>>
      %dma_start3A_413 = arith.constant 0 : i32
      %dma_start3A_414 = tpu.memref_slice %arg22[%add3A_112, %dma_start3A_413] : memref<10240x128xf32, #tpu.memory_space<vmem_shared>> -> memref<128x128xf32, #tpu.memory_space<vmem_shared>>
      tpu.enqueue_dma source(%dma_start3A_414 : memref<128x128xf32, #tpu.memory_space<vmem_shared>>) target(%dma_start3A_412 : memref<128x128xf32, #tpu.memory_space<hbm>>) target_semaphore(%run_scoped3A : memref<!tpu.dma_semaphore, #tpu.memory_space<semaphore_mem>>)
      %dma_wait3A_415 = arith.constant 0 : i32
      %dma_wait3A_416 = tpu.memref_slice %arg12[%add3A_113, %dma_wait3A_415] : memref<61440x128xf32, #tpu.memory_space<hbm>> -> memref<128x128xf32, #tpu.memory_space<hbm>>
      %dma_wait3A_417 = arith.constant 0 : i32
      %dma_wait3A_418 = tpu.memref_slice %arg22[%add3A_112, %dma_wait3A_417] : memref<10240x128xf32, #tpu.memory_space<vmem_shared>> -> memref<128x128xf32, #tpu.memory_space<vmem_shared>>
      tpu.wait_dma2 semaphore(%run_scoped3A : memref<!tpu.dma_semaphore, #tpu.memory_space<semaphore_mem>>) src(%dma_wait3A_418 : memref<128x128xf32, #tpu.memory_space<vmem_shared>>) dst(%dma_wait3A_416 : memref<128x128xf32, #tpu.memory_space<hbm>>)
      tpu.yield
    }) : () -> ()
    %mul3A_114 = arith.constant 640 : i32
    %mul3A_115 = arith.muli %arg1, %mul3A_114 : i32
    %add3A_116 = arith.constant 256 : i32
    %add3A_117 = arith.addi %mul3A_115, %add3A_116 : i32
    %add3A_118 = arith.addi %mul3A_103, %add3A_117 : i32
    "tpu.region"() ({
      %run_scoped3A = tpu.sem_alloc : memref<!tpu.dma_semaphore, #tpu.memory_space<semaphore_mem>>
      %dma_start3A_411 = arith.constant 0 : i32
      %dma_start3A_412 = tpu.memref_slice %arg12[%add3A_118, %dma_start3A_411] : memref<61440x128xf32, #tpu.memory_space<hbm>> -> memref<128x128xf32, #tpu.memory_space<hbm>>
      %dma_start3A_413 = arith.constant 0 : i32
      %dma_start3A_414 = tpu.memref_slice %arg22[%add3A_117, %dma_start3A_413] : memref<10240x128xf32, #tpu.memory_space<vmem_shared>> -> memref<128x128xf32, #tpu.memory_space<vmem_shared>>
      tpu.enqueue_dma source(%dma_start3A_414 : memref<128x128xf32, #tpu.memory_space<vmem_shared>>) target(%dma_start3A_412 : memref<128x128xf32, #tpu.memory_space<hbm>>) target_semaphore(%run_scoped3A : memref<!tpu.dma_semaphore, #tpu.memory_space<semaphore_mem>>)
      %dma_wait3A_415 = arith.constant 0 : i32
      %dma_wait3A_416 = tpu.memref_slice %arg12[%add3A_118, %dma_wait3A_415] : memref<61440x128xf32, #tpu.memory_space<hbm>> -> memref<128x128xf32, #tpu.memory_space<hbm>>
      %dma_wait3A_417 = arith.constant 0 : i32
      %dma_wait3A_418 = tpu.memref_slice %arg22[%add3A_117, %dma_wait3A_417] : memref<10240x128xf32, #tpu.memory_space<vmem_shared>> -> memref<128x128xf32, #tpu.memory_space<vmem_shared>>
      tpu.wait_dma2 semaphore(%run_scoped3A : memref<!tpu.dma_semaphore, #tpu.memory_space<semaphore_mem>>) src(%dma_wait3A_418 : memref<128x128xf32, #tpu.memory_space<vmem_shared>>) dst(%dma_wait3A_416 : memref<128x128xf32, #tpu.memory_space<hbm>>)
      tpu.yield
    }) : () -> ()
    %mul3A_119 = arith.constant 640 : i32
    %mul3A_120 = arith.muli %arg1, %mul3A_119 : i32
    %add3A_121 = arith.constant 384 : i32
    %add3A_122 = arith.addi %mul3A_120, %add3A_121 : i32
    %add3A_123 = arith.addi %mul3A_103, %add3A_122 : i32
    "tpu.region"() ({
      %run_scoped3A = tpu.sem_alloc : memref<!tpu.dma_semaphore, #tpu.memory_space<semaphore_mem>>
      %dma_start3A_411 = arith.constant 0 : i32
      %dma_start3A_412 = tpu.memref_slice %arg12[%add3A_123, %dma_start3A_411] : memref<61440x128xf32, #tpu.memory_space<hbm>> -> memref<128x128xf32, #tpu.memory_space<hbm>>
      %dma_start3A_413 = arith.constant 0 : i32
      %dma_start3A_414 = tpu.memref_slice %arg22[%add3A_122, %dma_start3A_413] : memref<10240x128xf32, #tpu.memory_space<vmem_shared>> -> memref<128x128xf32, #tpu.memory_space<vmem_shared>>
      tpu.enqueue_dma source(%dma_start3A_414 : memref<128x128xf32, #tpu.memory_space<vmem_shared>>) target(%dma_start3A_412 : memref<128x128xf32, #tpu.memory_space<hbm>>) target_semaphore(%run_scoped3A : memref<!tpu.dma_semaphore, #tpu.memory_space<semaphore_mem>>)
      %dma_wait3A_415 = arith.constant 0 : i32
      %dma_wait3A_416 = tpu.memref_slice %arg12[%add3A_123, %dma_wait3A_415] : memref<61440x128xf32, #tpu.memory_space<hbm>> -> memref<128x128xf32, #tpu.memory_space<hbm>>
      %dma_wait3A_417 = arith.constant 0 : i32
      %dma_wait3A_418 = tpu.memref_slice %arg22[%add3A_122, %dma_wait3A_417] : memref<10240x128xf32, #tpu.memory_space<vmem_shared>> -> memref<128x128xf32, #tpu.memory_space<vmem_shared>>
      tpu.wait_dma2 semaphore(%run_scoped3A : memref<!tpu.dma_semaphore, #tpu.memory_space<semaphore_mem>>) src(%dma_wait3A_418 : memref<128x128xf32, #tpu.memory_space<vmem_shared>>) dst(%dma_wait3A_416 : memref<128x128xf32, #tpu.memory_space<hbm>>)
      tpu.yield
    }) : () -> ()
    %mul3A_124 = arith.constant 640 : i32
    %mul3A_125 = arith.muli %arg1, %mul3A_124 : i32
    %add3A_126 = arith.constant 512 : i32
    %add3A_127 = arith.addi %mul3A_125, %add3A_126 : i32
    %add3A_128 = arith.addi %mul3A_103, %add3A_127 : i32
    "tpu.region"() ({
      %run_scoped3A = tpu.sem_alloc : memref<!tpu.dma_semaphore, #tpu.memory_space<semaphore_mem>>
      %dma_start3A_411 = arith.constant 0 : i32
      %dma_start3A_412 = tpu.memref_slice %arg12[%add3A_128, %dma_start3A_411] : memref<61440x128xf32, #tpu.memory_space<hbm>> -> memref<128x128xf32, #tpu.memory_space<hbm>>
      %dma_start3A_413 = arith.constant 0 : i32
      %dma_start3A_414 = tpu.memref_slice %arg22[%add3A_127, %dma_start3A_413] : memref<10240x128xf32, #tpu.memory_space<vmem_shared>> -> memref<128x128xf32, #tpu.memory_space<vmem_shared>>
      tpu.enqueue_dma source(%dma_start3A_414 : memref<128x128xf32, #tpu.memory_space<vmem_shared>>) target(%dma_start3A_412 : memref<128x128xf32, #tpu.memory_space<hbm>>) target_semaphore(%run_scoped3A : memref<!tpu.dma_semaphore, #tpu.memory_space<semaphore_mem>>)
      %dma_wait3A_415 = arith.constant 0 : i32
      %dma_wait3A_416 = tpu.memref_slice %arg12[%add3A_128, %dma_wait3A_415] : memref<61440x128xf32, #tpu.memory_space<hbm>> -> memref<128x128xf32, #tpu.memory_space<hbm>>
      %dma_wait3A_417 = arith.constant 0 : i32
      %dma_wait3A_418 = tpu.memref_slice %arg22[%add3A_127, %dma_wait3A_417] : memref<10240x128xf32, #tpu.memory_space<vmem_shared>> -> memref<128x128xf32, #tpu.memory_space<vmem_shared>>
      tpu.wait_dma2 semaphore(%run_scoped3A : memref<!tpu.dma_semaphore, #tpu.memory_space<semaphore_mem>>) src(%dma_wait3A_418 : memref<128x128xf32, #tpu.memory_space<vmem_shared>>) dst(%dma_wait3A_416 : memref<128x128xf32, #tpu.memory_space<hbm>>)
      tpu.yield
    }) : () -> ()
    %eq3A_129 = arith.constant 0 : i32
    %eq3A_130 = arith.cmpi eq, %arg1, %eq3A_129 : i32
    %convert_element_type3A_131 = arith.extui %eq3A_130 : i1 to i32
    %cond3A_132 = arith.constant 0 : i32
    %cond3A_133 = arith.cmpi ne, %convert_element_type3A_131, %cond3A_132 : i32
    scf.if %cond3A_133 {
      "tpu.region"() ({
        %run_scoped3A = tpu.sem_alloc : memref<!tpu.dma_semaphore, #tpu.memory_space<semaphore_mem>>
        %dma_start3A_411 = tpu.memref_slice %arg13[%mul3A_103] : memref<61440xf32, #tpu.memory_space<hbm>> -> memref<10240xf32, #tpu.memory_space<hbm>>
        tpu.enqueue_dma source(%arg23 : memref<10240xf32, #tpu.memory_space<vmem_shared>>) target(%dma_start3A_411 : memref<10240xf32, #tpu.memory_space<hbm>>) target_semaphore(%run_scoped3A : memref<!tpu.dma_semaphore, #tpu.memory_space<semaphore_mem>>)
        %dma_wait3A_412 = tpu.memref_slice %arg13[%mul3A_103] : memref<61440xf32, #tpu.memory_space<hbm>> -> memref<10240xf32, #tpu.memory_space<hbm>>
        tpu.wait_dma2 semaphore(%run_scoped3A : memref<!tpu.dma_semaphore, #tpu.memory_space<semaphore_mem>>) src(%arg23 : memref<10240xf32, #tpu.memory_space<vmem_shared>>) dst(%dma_wait3A_412 : memref<10240xf32, #tpu.memory_space<hbm>>)
        tpu.yield
      }) : () -> ()
    } else {
    }
    %mul3A_134 = arith.constant 640 : i32
    %mul3A_135 = arith.muli %arg1, %mul3A_134 : i32
    %add3A_136 = arith.constant 0 : i32
    %add3A_137 = arith.addi %mul3A_135, %add3A_136 : i32
    "tpu.region"() ({
      %run_scoped3A = tpu.sem_alloc : memref<!tpu.dma_semaphore, #tpu.memory_space<semaphore_mem>>
      %dma_start3A_411 = arith.constant 0 : i32
      %dma_start3A_412 = tpu.memref_slice %arg22[%add3A_137, %dma_start3A_411] : memref<10240x128xf32, #tpu.memory_space<vmem_shared>> -> memref<128x128xf32, #tpu.memory_space<vmem_shared>>
      tpu.enqueue_dma source(%arg8 : memref<128x128xf32, #tpu.memory_space<hbm>>) target(%dma_start3A_412 : memref<128x128xf32, #tpu.memory_space<vmem_shared>>) target_semaphore(%run_scoped3A : memref<!tpu.dma_semaphore, #tpu.memory_space<semaphore_mem>>)
      %dma_wait3A_413 = arith.constant 0 : i32
      %dma_wait3A_414 = tpu.memref_slice %arg22[%add3A_137, %dma_wait3A_413] : memref<10240x128xf32, #tpu.memory_space<vmem_shared>> -> memref<128x128xf32, #tpu.memory_space<vmem_shared>>
      tpu.wait_dma2 semaphore(%run_scoped3A : memref<!tpu.dma_semaphore, #tpu.memory_space<semaphore_mem>>) src(%arg8 : memref<128x128xf32, #tpu.memory_space<hbm>>) dst(%dma_wait3A_414 : memref<128x128xf32, #tpu.memory_space<vmem_shared>>)
      tpu.yield
    }) : () -> ()
    %mul3A_138 = arith.constant 640 : i32
    %mul3A_139 = arith.muli %arg1, %mul3A_138 : i32
    %add3A_140 = arith.constant 128 : i32
    %add3A_141 = arith.addi %mul3A_139, %add3A_140 : i32
    "tpu.region"() ({
      %run_scoped3A = tpu.sem_alloc : memref<!tpu.dma_semaphore, #tpu.memory_space<semaphore_mem>>
      %dma_start3A_411 = arith.constant 0 : i32
      %dma_start3A_412 = tpu.memref_slice %arg22[%add3A_141, %dma_start3A_411] : memref<10240x128xf32, #tpu.memory_space<vmem_shared>> -> memref<128x128xf32, #tpu.memory_space<vmem_shared>>
      tpu.enqueue_dma source(%arg8 : memref<128x128xf32, #tpu.memory_space<hbm>>) target(%dma_start3A_412 : memref<128x128xf32, #tpu.memory_space<vmem_shared>>) target_semaphore(%run_scoped3A : memref<!tpu.dma_semaphore, #tpu.memory_space<semaphore_mem>>)
      %dma_wait3A_413 = arith.constant 0 : i32
      %dma_wait3A_414 = tpu.memref_slice %arg22[%add3A_141, %dma_wait3A_413] : memref<10240x128xf32, #tpu.memory_space<vmem_shared>> -> memref<128x128xf32, #tpu.memory_space<vmem_shared>>
      tpu.wait_dma2 semaphore(%run_scoped3A : memref<!tpu.dma_semaphore, #tpu.memory_space<semaphore_mem>>) src(%arg8 : memref<128x128xf32, #tpu.memory_space<hbm>>) dst(%dma_wait3A_414 : memref<128x128xf32, #tpu.memory_space<vmem_shared>>)
      tpu.yield
    }) : () -> ()
    %mul3A_142 = arith.constant 640 : i32
    %mul3A_143 = arith.muli %arg1, %mul3A_142 : i32
    %add3A_144 = arith.constant 256 : i32
    %add3A_145 = arith.addi %mul3A_143, %add3A_144 : i32
    "tpu.region"() ({
      %run_scoped3A = tpu.sem_alloc : memref<!tpu.dma_semaphore, #tpu.memory_space<semaphore_mem>>
      %dma_start3A_411 = arith.constant 0 : i32
      %dma_start3A_412 = tpu.memref_slice %arg22[%add3A_145, %dma_start3A_411] : memref<10240x128xf32, #tpu.memory_space<vmem_shared>> -> memref<128x128xf32, #tpu.memory_space<vmem_shared>>
      tpu.enqueue_dma source(%arg8 : memref<128x128xf32, #tpu.memory_space<hbm>>) target(%dma_start3A_412 : memref<128x128xf32, #tpu.memory_space<vmem_shared>>) target_semaphore(%run_scoped3A : memref<!tpu.dma_semaphore, #tpu.memory_space<semaphore_mem>>)
      %dma_wait3A_413 = arith.constant 0 : i32
      %dma_wait3A_414 = tpu.memref_slice %arg22[%add3A_145, %dma_wait3A_413] : memref<10240x128xf32, #tpu.memory_space<vmem_shared>> -> memref<128x128xf32, #tpu.memory_space<vmem_shared>>
      tpu.wait_dma2 semaphore(%run_scoped3A : memref<!tpu.dma_semaphore, #tpu.memory_space<semaphore_mem>>) src(%arg8 : memref<128x128xf32, #tpu.memory_space<hbm>>) dst(%dma_wait3A_414 : memref<128x128xf32, #tpu.memory_space<vmem_shared>>)
      tpu.yield
    }) : () -> ()
    %mul3A_146 = arith.constant 640 : i32
    %mul3A_147 = arith.muli %arg1, %mul3A_146 : i32
    %add3A_148 = arith.constant 384 : i32
    %add3A_149 = arith.addi %mul3A_147, %add3A_148 : i32
    "tpu.region"() ({
      %run_scoped3A = tpu.sem_alloc : memref<!tpu.dma_semaphore, #tpu.memory_space<semaphore_mem>>
      %dma_start3A_411 = arith.constant 0 : i32
      %dma_start3A_412 = tpu.memref_slice %arg22[%add3A_149, %dma_start3A_411] : memref<10240x128xf32, #tpu.memory_space<vmem_shared>> -> memref<128x128xf32, #tpu.memory_space<vmem_shared>>
      tpu.enqueue_dma source(%arg8 : memref<128x128xf32, #tpu.memory_space<hbm>>) target(%dma_start3A_412 : memref<128x128xf32, #tpu.memory_space<vmem_shared>>) target_semaphore(%run_scoped3A : memref<!tpu.dma_semaphore, #tpu.memory_space<semaphore_mem>>)
      %dma_wait3A_413 = arith.constant 0 : i32
      %dma_wait3A_414 = tpu.memref_slice %arg22[%add3A_149, %dma_wait3A_413] : memref<10240x128xf32, #tpu.memory_space<vmem_shared>> -> memref<128x128xf32, #tpu.memory_space<vmem_shared>>
      tpu.wait_dma2 semaphore(%run_scoped3A : memref<!tpu.dma_semaphore, #tpu.memory_space<semaphore_mem>>) src(%arg8 : memref<128x128xf32, #tpu.memory_space<hbm>>) dst(%dma_wait3A_414 : memref<128x128xf32, #tpu.memory_space<vmem_shared>>)
      tpu.yield
    }) : () -> ()
    %mul3A_150 = arith.constant 640 : i32
    %mul3A_151 = arith.muli %arg1, %mul3A_150 : i32
    %add3A_152 = arith.constant 512 : i32
    %add3A_153 = arith.addi %mul3A_151, %add3A_152 : i32
    "tpu.region"() ({
      %run_scoped3A = tpu.sem_alloc : memref<!tpu.dma_semaphore, #tpu.memory_space<semaphore_mem>>
      %dma_start3A_411 = arith.constant 0 : i32
      %dma_start3A_412 = tpu.memref_slice %arg22[%add3A_153, %dma_start3A_411] : memref<10240x128xf32, #tpu.memory_space<vmem_shared>> -> memref<128x128xf32, #tpu.memory_space<vmem_shared>>
      tpu.enqueue_dma source(%arg8 : memref<128x128xf32, #tpu.memory_space<hbm>>) target(%dma_start3A_412 : memref<128x128xf32, #tpu.memory_space<vmem_shared>>) target_semaphore(%run_scoped3A : memref<!tpu.dma_semaphore, #tpu.memory_space<semaphore_mem>>)
      %dma_wait3A_413 = arith.constant 0 : i32
      %dma_wait3A_414 = tpu.memref_slice %arg22[%add3A_153, %dma_wait3A_413] : memref<10240x128xf32, #tpu.memory_space<vmem_shared>> -> memref<128x128xf32, #tpu.memory_space<vmem_shared>>
      tpu.wait_dma2 semaphore(%run_scoped3A : memref<!tpu.dma_semaphore, #tpu.memory_space<semaphore_mem>>) src(%arg8 : memref<128x128xf32, #tpu.memory_space<hbm>>) dst(%dma_wait3A_414 : memref<128x128xf32, #tpu.memory_space<vmem_shared>>)
      tpu.yield
    }) : () -> ()
    %eq3A_154 = arith.constant 0 : i32
    %eq3A_155 = arith.cmpi eq, %arg1, %eq3A_154 : i32
    %convert_element_type3A_156 = arith.extui %eq3A_155 : i1 to i32
    %cond3A_157 = arith.constant 0 : i32
    %cond3A_158 = arith.cmpi ne, %convert_element_type3A_156, %cond3A_157 : i32
    scf.if %cond3A_158 {
      "tpu.region"() ({
        %run_scoped3A = tpu.sem_alloc : memref<!tpu.dma_semaphore, #tpu.memory_space<semaphore_mem>>
        %dma_start3A_411 = arith.constant 0 : i32
        %dma_start3A_412 = tpu.memref_slice %arg23[%dma_start3A_411] : memref<10240xf32, #tpu.memory_space<vmem_shared>> -> memref<2048xf32, #tpu.memory_space<vmem_shared>>
        tpu.enqueue_dma source(%arg9 : memref<2048xf32, #tpu.memory_space<hbm>>) target(%dma_start3A_412 : memref<2048xf32, #tpu.memory_space<vmem_shared>>) target_semaphore(%run_scoped3A : memref<!tpu.dma_semaphore, #tpu.memory_space<semaphore_mem>>)
        %dma_wait3A_413 = arith.constant 0 : i32
        %dma_wait3A_414 = tpu.memref_slice %arg23[%dma_wait3A_413] : memref<10240xf32, #tpu.memory_space<vmem_shared>> -> memref<2048xf32, #tpu.memory_space<vmem_shared>>
        tpu.wait_dma2 semaphore(%run_scoped3A : memref<!tpu.dma_semaphore, #tpu.memory_space<semaphore_mem>>) src(%arg9 : memref<2048xf32, #tpu.memory_space<hbm>>) dst(%dma_wait3A_414 : memref<2048xf32, #tpu.memory_space<vmem_shared>>)
        tpu.yield
      }) : () -> ()
      "tpu.region"() ({
        %run_scoped3A = tpu.sem_alloc : memref<!tpu.dma_semaphore, #tpu.memory_space<semaphore_mem>>
        %dma_start3A_411 = arith.constant 2048 : i32
        %dma_start3A_412 = tpu.memref_slice %arg23[%dma_start3A_411] : memref<10240xf32, #tpu.memory_space<vmem_shared>> -> memref<2048xf32, #tpu.memory_space<vmem_shared>>
        tpu.enqueue_dma source(%arg9 : memref<2048xf32, #tpu.memory_space<hbm>>) target(%dma_start3A_412 : memref<2048xf32, #tpu.memory_space<vmem_shared>>) target_semaphore(%run_scoped3A : memref<!tpu.dma_semaphore, #tpu.memory_space<semaphore_mem>>)
        %dma_wait3A_413 = arith.constant 2048 : i32
        %dma_wait3A_414 = tpu.memref_slice %arg23[%dma_wait3A_413] : memref<10240xf32, #tpu.memory_space<vmem_shared>> -> memref<2048xf32, #tpu.memory_space<vmem_shared>>
        tpu.wait_dma2 semaphore(%run_scoped3A : memref<!tpu.dma_semaphore, #tpu.memory_space<semaphore_mem>>) src(%arg9 : memref<2048xf32, #tpu.memory_space<hbm>>) dst(%dma_wait3A_414 : memref<2048xf32, #tpu.memory_space<vmem_shared>>)
        tpu.yield
      }) : () -> ()
      "tpu.region"() ({
        %run_scoped3A = tpu.sem_alloc : memref<!tpu.dma_semaphore, #tpu.memory_space<semaphore_mem>>
        %dma_start3A_411 = arith.constant 4096 : i32
        %dma_start3A_412 = tpu.memref_slice %arg23[%dma_start3A_411] : memref<10240xf32, #tpu.memory_space<vmem_shared>> -> memref<2048xf32, #tpu.memory_space<vmem_shared>>
        tpu.enqueue_dma source(%arg9 : memref<2048xf32, #tpu.memory_space<hbm>>) target(%dma_start3A_412 : memref<2048xf32, #tpu.memory_space<vmem_shared>>) target_semaphore(%run_scoped3A : memref<!tpu.dma_semaphore, #tpu.memory_space<semaphore_mem>>)
        %dma_wait3A_413 = arith.constant 4096 : i32
        %dma_wait3A_414 = tpu.memref_slice %arg23[%dma_wait3A_413] : memref<10240xf32, #tpu.memory_space<vmem_shared>> -> memref<2048xf32, #tpu.memory_space<vmem_shared>>
        tpu.wait_dma2 semaphore(%run_scoped3A : memref<!tpu.dma_semaphore, #tpu.memory_space<semaphore_mem>>) src(%arg9 : memref<2048xf32, #tpu.memory_space<hbm>>) dst(%dma_wait3A_414 : memref<2048xf32, #tpu.memory_space<vmem_shared>>)
        tpu.yield
      }) : () -> ()
      "tpu.region"() ({
        %run_scoped3A = tpu.sem_alloc : memref<!tpu.dma_semaphore, #tpu.memory_space<semaphore_mem>>
        %dma_start3A_411 = arith.constant 6144 : i32
        %dma_start3A_412 = tpu.memref_slice %arg23[%dma_start3A_411] : memref<10240xf32, #tpu.memory_space<vmem_shared>> -> memref<2048xf32, #tpu.memory_space<vmem_shared>>
        tpu.enqueue_dma source(%arg9 : memref<2048xf32, #tpu.memory_space<hbm>>) target(%dma_start3A_412 : memref<2048xf32, #tpu.memory_space<vmem_shared>>) target_semaphore(%run_scoped3A : memref<!tpu.dma_semaphore, #tpu.memory_space<semaphore_mem>>)
        %dma_wait3A_413 = arith.constant 6144 : i32
        %dma_wait3A_414 = tpu.memref_slice %arg23[%dma_wait3A_413] : memref<10240xf32, #tpu.memory_space<vmem_shared>> -> memref<2048xf32, #tpu.memory_space<vmem_shared>>
        tpu.wait_dma2 semaphore(%run_scoped3A : memref<!tpu.dma_semaphore, #tpu.memory_space<semaphore_mem>>) src(%arg9 : memref<2048xf32, #tpu.memory_space<hbm>>) dst(%dma_wait3A_414 : memref<2048xf32, #tpu.memory_space<vmem_shared>>)
        tpu.yield
      }) : () -> ()
      "tpu.region"() ({
        %run_scoped3A = tpu.sem_alloc : memref<!tpu.dma_semaphore, #tpu.memory_space<semaphore_mem>>
        %dma_start3A_411 = arith.constant 8192 : i32
        %dma_start3A_412 = tpu.memref_slice %arg23[%dma_start3A_411] : memref<10240xf32, #tpu.memory_space<vmem_shared>> -> memref<2048xf32, #tpu.memory_space<vmem_shared>>
        tpu.enqueue_dma source(%arg9 : memref<2048xf32, #tpu.memory_space<hbm>>) target(%dma_start3A_412 : memref<2048xf32, #tpu.memory_space<vmem_shared>>) target_semaphore(%run_scoped3A : memref<!tpu.dma_semaphore, #tpu.memory_space<semaphore_mem>>)
        %dma_wait3A_413 = arith.constant 8192 : i32
        %dma_wait3A_414 = tpu.memref_slice %arg23[%dma_wait3A_413] : memref<10240xf32, #tpu.memory_space<vmem_shared>> -> memref<2048xf32, #tpu.memory_space<vmem_shared>>
        tpu.wait_dma2 semaphore(%run_scoped3A : memref<!tpu.dma_semaphore, #tpu.memory_space<semaphore_mem>>) src(%arg9 : memref<2048xf32, #tpu.memory_space<hbm>>) dst(%dma_wait3A_414 : memref<2048xf32, #tpu.memory_space<vmem_shared>>)
        tpu.yield
      }) : () -> ()
    } else {
    }
    %barrier3A_159 = arith.constant 0 : index
    tpu.barrier barrier_id(%barrier3A_159)
    %dma_start3A_160 = tpu.memref_slice %arg5[%mul3A_2] : memref<320000xi32, #tpu.memory_space<hbm>> -> memref<128xi32, #tpu.memory_space<hbm>>
    %dma_start3A_161 = tpu.memref_slice %arg5[%mul3A_2] : memref<320000xi32, #tpu.memory_space<hbm>> -> memref<128xi32, #tpu.memory_space<hbm>>
    tpu.enqueue_dma source(%dma_start3A_161 : memref<128xi32, #tpu.memory_space<hbm>>) target(%arg14 : memref<128xi32, #tpu.memory_space<vmem>>) target_semaphore(%arg24 : memref<!tpu.dma_semaphore, #tpu.memory_space<semaphore_mem>>)
    %dma_start3A_162 = arith.constant 0 : i32
    %dma_start3A_163 = tpu.memref_slice %arg4[%mul3A_2, %dma_start3A_162] : memref<320000x128xf32, #tpu.memory_space<hbm>> -> memref<128x128xf32, #tpu.memory_space<hbm>>
    %dma_start3A_164 = arith.constant 0 : i32
    %dma_start3A_165 = tpu.memref_slice %arg4[%mul3A_2, %dma_start3A_164] : memref<320000x128xf32, #tpu.memory_space<hbm>> -> memref<128x128xf32, #tpu.memory_space<hbm>>
    tpu.enqueue_dma source(%dma_start3A_165 : memref<128x128xf32, #tpu.memory_space<hbm>>) target(%arg16 : memref<128x128xf32, #tpu.memory_space<vmem>>) target_semaphore(%arg24 : memref<!tpu.dma_semaphore, #tpu.memory_space<semaphore_mem>>)
    %scan3A_166 = arith.constant 0 : i32
    %scan3A_167 = arith.constant 0 : i32
    %scan3A_168 = arith.constant 38 : i32
    %scan3A_169 = arith.addi %scan3A_167, %scan3A_168 : i32
    %scan3A_170 = arith.constant 1 : i32
    scf.for %scan3A_411 = %scan3A_167 to %scan3A_169 step %scan3A_170  : i32 {
      %mul3A_412 = arith.constant 2 : i32
      %mul3A_413 = arith.muli %mul3A_412, %scan3A_411 : i32
      %mul3A_414 = arith.constant 128 : i32
      %mul3A_415 = arith.muli %mul3A_413, %mul3A_414 : i32
      %add3A_416 = arith.addi %mul3A_2, %mul3A_415 : i32
      %ge3A = arith.constant 1 : i32
      %ge3A_417 = arith.cmpi sge, %scan3A_411, %ge3A : i32
      %convert_element_type3A_418 = arith.extui %ge3A_417 : i1 to i32
      %cond3A_419 = arith.constant 0 : i32
      %cond3A_420 = arith.cmpi ne, %convert_element_type3A_418, %cond3A_419 : i32
      scf.if %cond3A_420 {
        %dma_wait3A_466 = arith.constant 0 : i32
        %dma_wait3A_467 = arith.constant 0 : i32
        %dma_wait3A_468 = tpu.memref_slice %arg22[%dma_wait3A_466, %dma_wait3A_467] : memref<10240x128xf32, #tpu.memory_space<vmem_shared>> -> memref<10240x128xf32, #tpu.memory_space<vmem_shared>>
        tpu.wait_indirect_dma semaphore(%arg27 : memref<!tpu.dma_semaphore, #tpu.memory_space<semaphore_mem>>) src(%arg17 : memref<128x128xf32, #tpu.memory_space<vmem>>) dst(%dma_wait3A_468 : memref<10240x128xf32, #tpu.memory_space<vmem_shared>>)
        %dma_wait3A_469 = arith.constant 0 : i32
        %dma_wait3A_470 = tpu.memref_slice %arg23[%dma_wait3A_469] : memref<10240xf32, #tpu.memory_space<vmem_shared>> -> memref<10240xf32, #tpu.memory_space<vmem_shared>>
        tpu.wait_indirect_dma semaphore(%arg27 : memref<!tpu.dma_semaphore, #tpu.memory_space<semaphore_mem>>) src(%arg18 : memref<128xf32, #tpu.memory_space<vmem>>) dst(%dma_wait3A_470 : memref<10240xf32, #tpu.memory_space<vmem_shared>>)
      } else {
      }
      %add3A_421 = arith.constant 128 : i32
      %add3A_422 = arith.addi %add3A_416, %add3A_421 : i32
      %dma_start3A_423 = tpu.memref_slice %arg5[%add3A_422] : memref<320000xi32, #tpu.memory_space<hbm>> -> memref<128xi32, #tpu.memory_space<hbm>>
      %dma_start3A_424 = tpu.memref_slice %arg5[%add3A_422] : memref<320000xi32, #tpu.memory_space<hbm>> -> memref<128xi32, #tpu.memory_space<hbm>>
      tpu.enqueue_dma source(%dma_start3A_424 : memref<128xi32, #tpu.memory_space<hbm>>) target(%arg15 : memref<128xi32, #tpu.memory_space<vmem>>) target_semaphore(%arg25 : memref<!tpu.dma_semaphore, #tpu.memory_space<semaphore_mem>>)
      %dma_start3A_425 = arith.constant 0 : i32
      %dma_start3A_426 = tpu.memref_slice %arg4[%add3A_422, %dma_start3A_425] : memref<320000x128xf32, #tpu.memory_space<hbm>> -> memref<128x128xf32, #tpu.memory_space<hbm>>
      %dma_start3A_427 = arith.constant 0 : i32
      %dma_start3A_428 = tpu.memref_slice %arg4[%add3A_422, %dma_start3A_427] : memref<320000x128xf32, #tpu.memory_space<hbm>> -> memref<128x128xf32, #tpu.memory_space<hbm>>
      tpu.enqueue_dma source(%dma_start3A_428 : memref<128x128xf32, #tpu.memory_space<hbm>>) target(%arg17 : memref<128x128xf32, #tpu.memory_space<vmem>>) target_semaphore(%arg25 : memref<!tpu.dma_semaphore, #tpu.memory_space<semaphore_mem>>)
      %dma_wait3A_429 = tpu.memref_slice %arg5[%add3A_416] : memref<320000xi32, #tpu.memory_space<hbm>> -> memref<128xi32, #tpu.memory_space<hbm>>
      %dma_wait3A_430 = tpu.memref_slice %arg5[%add3A_416] : memref<320000xi32, #tpu.memory_space<hbm>> -> memref<128xi32, #tpu.memory_space<hbm>>
      tpu.wait_dma2 semaphore(%arg24 : memref<!tpu.dma_semaphore, #tpu.memory_space<semaphore_mem>>) src(%dma_wait3A_430 : memref<128xi32, #tpu.memory_space<hbm>>) dst(%arg14 : memref<128xi32, #tpu.memory_space<vmem>>)
      %dma_wait3A_431 = arith.constant 0 : i32
      %dma_wait3A_432 = tpu.memref_slice %arg4[%add3A_416, %dma_wait3A_431] : memref<320000x128xf32, #tpu.memory_space<hbm>> -> memref<128x128xf32, #tpu.memory_space<hbm>>
      %dma_wait3A_433 = arith.constant 0 : i32
      %dma_wait3A_434 = tpu.memref_slice %arg4[%add3A_416, %dma_wait3A_433] : memref<320000x128xf32, #tpu.memory_space<hbm>> -> memref<128x128xf32, #tpu.memory_space<hbm>>
      tpu.wait_dma2 semaphore(%arg24 : memref<!tpu.dma_semaphore, #tpu.memory_space<semaphore_mem>>) src(%dma_wait3A_434 : memref<128x128xf32, #tpu.memory_space<hbm>>) dst(%arg16 : memref<128x128xf32, #tpu.memory_space<vmem>>)
      %dma_start3A_435 = arith.constant 0 : i32
      %dma_start3A_436 = arith.constant 0 : i32
      %dma_start3A_437 = tpu.memref_slice %arg22[%dma_start3A_435, %dma_start3A_436] : memref<10240x128xf32, #tpu.memory_space<vmem_shared>> -> memref<10240x128xf32, #tpu.memory_space<vmem_shared>>
      tpu.enqueue_indirect_dma source(%arg16 : memref<128x128xf32, #tpu.memory_space<vmem>>) target(%dma_start3A_437 : memref<10240x128xf32, #tpu.memory_space<vmem_shared>>) offsets(%arg14 : memref<128xi32, #tpu.memory_space<vmem>>) semaphore(%arg26 : memref<!tpu.dma_semaphore, #tpu.memory_space<semaphore_mem>>) {add = true}
      %dma_start3A_438 = arith.constant 0 : i32
      %dma_start3A_439 = tpu.memref_slice %arg23[%dma_start3A_438] : memref<10240xf32, #tpu.memory_space<vmem_shared>> -> memref<10240xf32, #tpu.memory_space<vmem_shared>>
      tpu.enqueue_indirect_dma source(%arg18 : memref<128xf32, #tpu.memory_space<vmem>>) target(%dma_start3A_439 : memref<10240xf32, #tpu.memory_space<vmem_shared>>) offsets(%arg14 : memref<128xi32, #tpu.memory_space<vmem>>) semaphore(%arg26 : memref<!tpu.dma_semaphore, #tpu.memory_space<semaphore_mem>>) {add = true}
      %dma_wait3A_440 = arith.constant 0 : i32
      %dma_wait3A_441 = arith.constant 0 : i32
      %dma_wait3A_442 = tpu.memref_slice %arg22[%dma_wait3A_440, %dma_wait3A_441] : memref<10240x128xf32, #tpu.memory_space<vmem_shared>> -> memref<10240x128xf32, #tpu.memory_space<vmem_shared>>
      tpu.wait_indirect_dma semaphore(%arg26 : memref<!tpu.dma_semaphore, #tpu.memory_space<semaphore_mem>>) src(%arg16 : memref<128x128xf32, #tpu.memory_space<vmem>>) dst(%dma_wait3A_442 : memref<10240x128xf32, #tpu.memory_space<vmem_shared>>)
      %dma_wait3A_443 = arith.constant 0 : i32
      %dma_wait3A_444 = tpu.memref_slice %arg23[%dma_wait3A_443] : memref<10240xf32, #tpu.memory_space<vmem_shared>> -> memref<10240xf32, #tpu.memory_space<vmem_shared>>
      tpu.wait_indirect_dma semaphore(%arg26 : memref<!tpu.dma_semaphore, #tpu.memory_space<semaphore_mem>>) src(%arg18 : memref<128xf32, #tpu.memory_space<vmem>>) dst(%dma_wait3A_444 : memref<10240xf32, #tpu.memory_space<vmem_shared>>)
      %add3A_445 = arith.constant 256 : i32
      %add3A_446 = arith.addi %add3A_416, %add3A_445 : i32
      %dma_start3A_447 = tpu.memref_slice %arg5[%add3A_446] : memref<320000xi32, #tpu.memory_space<hbm>> -> memref<128xi32, #tpu.memory_space<hbm>>
      %dma_start3A_448 = tpu.memref_slice %arg5[%add3A_446] : memref<320000xi32, #tpu.memory_space<hbm>> -> memref<128xi32, #tpu.memory_space<hbm>>
      tpu.enqueue_dma source(%dma_start3A_448 : memref<128xi32, #tpu.memory_space<hbm>>) target(%arg14 : memref<128xi32, #tpu.memory_space<vmem>>) target_semaphore(%arg24 : memref<!tpu.dma_semaphore, #tpu.memory_space<semaphore_mem>>)
      %dma_start3A_449 = arith.constant 0 : i32
      %dma_start3A_450 = tpu.memref_slice %arg4[%add3A_446, %dma_start3A_449] : memref<320000x128xf32, #tpu.memory_space<hbm>> -> memref<128x128xf32, #tpu.memory_space<hbm>>
      %dma_start3A_451 = arith.constant 0 : i32
      %dma_start3A_452 = tpu.memref_slice %arg4[%add3A_446, %dma_start3A_451] : memref<320000x128xf32, #tpu.memory_space<hbm>> -> memref<128x128xf32, #tpu.memory_space<hbm>>
      tpu.enqueue_dma source(%dma_start3A_452 : memref<128x128xf32, #tpu.memory_space<hbm>>) target(%arg16 : memref<128x128xf32, #tpu.memory_space<vmem>>) target_semaphore(%arg24 : memref<!tpu.dma_semaphore, #tpu.memory_space<semaphore_mem>>)
      %add3A_453 = arith.constant 128 : i32
      %add3A_454 = arith.addi %add3A_416, %add3A_453 : i32
      %dma_wait3A_455 = tpu.memref_slice %arg5[%add3A_454] : memref<320000xi32, #tpu.memory_space<hbm>> -> memref<128xi32, #tpu.memory_space<hbm>>
      %dma_wait3A_456 = tpu.memref_slice %arg5[%add3A_454] : memref<320000xi32, #tpu.memory_space<hbm>> -> memref<128xi32, #tpu.memory_space<hbm>>
      tpu.wait_dma2 semaphore(%arg25 : memref<!tpu.dma_semaphore, #tpu.memory_space<semaphore_mem>>) src(%dma_wait3A_456 : memref<128xi32, #tpu.memory_space<hbm>>) dst(%arg15 : memref<128xi32, #tpu.memory_space<vmem>>)
      %dma_wait3A_457 = arith.constant 0 : i32
      %dma_wait3A_458 = tpu.memref_slice %arg4[%add3A_454, %dma_wait3A_457] : memref<320000x128xf32, #tpu.memory_space<hbm>> -> memref<128x128xf32, #tpu.memory_space<hbm>>
      %dma_wait3A_459 = arith.constant 0 : i32
      %dma_wait3A_460 = tpu.memref_slice %arg4[%add3A_454, %dma_wait3A_459] : memref<320000x128xf32, #tpu.memory_space<hbm>> -> memref<128x128xf32, #tpu.memory_space<hbm>>
      tpu.wait_dma2 semaphore(%arg25 : memref<!tpu.dma_semaphore, #tpu.memory_space<semaphore_mem>>) src(%dma_wait3A_460 : memref<128x128xf32, #tpu.memory_space<hbm>>) dst(%arg17 : memref<128x128xf32, #tpu.memory_space<vmem>>)
      %dma_start3A_461 = arith.constant 0 : i32
      %dma_start3A_462 = arith.constant 0 : i32
      %dma_start3A_463 = tpu.memref_slice %arg22[%dma_start3A_461, %dma_start3A_462] : memref<10240x128xf32, #tpu.memory_space<vmem_shared>> -> memref<10240x128xf32, #tpu.memory_space<vmem_shared>>
      tpu.enqueue_indirect_dma source(%arg17 : memref<128x128xf32, #tpu.memory_space<vmem>>) target(%dma_start3A_463 : memref<10240x128xf32, #tpu.memory_space<vmem_shared>>) offsets(%arg15 : memref<128xi32, #tpu.memory_space<vmem>>) semaphore(%arg27 : memref<!tpu.dma_semaphore, #tpu.memory_space<semaphore_mem>>) {add = true}
      %dma_start3A_464 = arith.constant 0 : i32
      %dma_start3A_465 = tpu.memref_slice %arg23[%dma_start3A_464] : memref<10240xf32, #tpu.memory_space<vmem_shared>> -> memref<10240xf32, #tpu.memory_space<vmem_shared>>
      tpu.enqueue_indirect_dma source(%arg18 : memref<128xf32, #tpu.memory_space<vmem>>) target(%dma_start3A_465 : memref<10240xf32, #tpu.memory_space<vmem_shared>>) offsets(%arg15 : memref<128xi32, #tpu.memory_space<vmem>>) semaphore(%arg27 : memref<!tpu.dma_semaphore, #tpu.memory_space<semaphore_mem>>) {add = true}
    }
    %scan3A_171 = arith.constant 38 : i32
    %dma_wait3A_172 = arith.constant 0 : i32
    %dma_wait3A_173 = arith.constant 0 : i32
    %dma_wait3A_174 = tpu.memref_slice %arg22[%dma_wait3A_172, %dma_wait3A_173] : memref<10240x128xf32, #tpu.memory_space<vmem_shared>> -> memref<10240x128xf32, #tpu.memory_space<vmem_shared>>
    tpu.wait_indirect_dma semaphore(%arg27 : memref<!tpu.dma_semaphore, #tpu.memory_space<semaphore_mem>>) src(%arg17 : memref<128x128xf32, #tpu.memory_space<vmem>>) dst(%dma_wait3A_174 : memref<10240x128xf32, #tpu.memory_space<vmem_shared>>)
    %dma_wait3A_175 = arith.constant 0 : i32
    %dma_wait3A_176 = tpu.memref_slice %arg23[%dma_wait3A_175] : memref<10240xf32, #tpu.memory_space<vmem_shared>> -> memref<10240xf32, #tpu.memory_space<vmem_shared>>
    tpu.wait_indirect_dma semaphore(%arg27 : memref<!tpu.dma_semaphore, #tpu.memory_space<semaphore_mem>>) src(%arg18 : memref<128xf32, #tpu.memory_space<vmem>>) dst(%dma_wait3A_176 : memref<10240xf32, #tpu.memory_space<vmem_shared>>)
    %add3A_177 = arith.constant 9856 : i32
    %add3A_178 = arith.addi %mul3A_2, %add3A_177 : i32
    %dma_start3A_179 = tpu.memref_slice %arg5[%add3A_178] : memref<320000xi32, #tpu.memory_space<hbm>> -> memref<128xi32, #tpu.memory_space<hbm>>
    %dma_start3A_180 = tpu.memref_slice %arg5[%add3A_178] : memref<320000xi32, #tpu.memory_space<hbm>> -> memref<128xi32, #tpu.memory_space<hbm>>
    tpu.enqueue_dma source(%dma_start3A_180 : memref<128xi32, #tpu.memory_space<hbm>>) target(%arg15 : memref<128xi32, #tpu.memory_space<vmem>>) target_semaphore(%arg25 : memref<!tpu.dma_semaphore, #tpu.memory_space<semaphore_mem>>)
    %dma_start3A_181 = arith.constant 0 : i32
    %dma_start3A_182 = tpu.memref_slice %arg4[%add3A_178, %dma_start3A_181] : memref<320000x128xf32, #tpu.memory_space<hbm>> -> memref<128x128xf32, #tpu.memory_space<hbm>>
    %dma_start3A_183 = arith.constant 0 : i32
    %dma_start3A_184 = tpu.memref_slice %arg4[%add3A_178, %dma_start3A_183] : memref<320000x128xf32, #tpu.memory_space<hbm>> -> memref<128x128xf32, #tpu.memory_space<hbm>>
    tpu.enqueue_dma source(%dma_start3A_184 : memref<128x128xf32, #tpu.memory_space<hbm>>) target(%arg17 : memref<128x128xf32, #tpu.memory_space<vmem>>) target_semaphore(%arg25 : memref<!tpu.dma_semaphore, #tpu.memory_space<semaphore_mem>>)
    %add3A_185 = arith.constant 9728 : i32
    %add3A_186 = arith.addi %mul3A_2, %add3A_185 : i32
    %dma_wait3A_187 = tpu.memref_slice %arg5[%add3A_186] : memref<320000xi32, #tpu.memory_space<hbm>> -> memref<128xi32, #tpu.memory_space<hbm>>
    %dma_wait3A_188 = tpu.memref_slice %arg5[%add3A_186] : memref<320000xi32, #tpu.memory_space<hbm>> -> memref<128xi32, #tpu.memory_space<hbm>>
    tpu.wait_dma2 semaphore(%arg24 : memref<!tpu.dma_semaphore, #tpu.memory_space<semaphore_mem>>) src(%dma_wait3A_188 : memref<128xi32, #tpu.memory_space<hbm>>) dst(%arg14 : memref<128xi32, #tpu.memory_space<vmem>>)
    %dma_wait3A_189 = arith.constant 0 : i32
    %dma_wait3A_190 = tpu.memref_slice %arg4[%add3A_186, %dma_wait3A_189] : memref<320000x128xf32, #tpu.memory_space<hbm>> -> memref<128x128xf32, #tpu.memory_space<hbm>>
    %dma_wait3A_191 = arith.constant 0 : i32
    %dma_wait3A_192 = tpu.memref_slice %arg4[%add3A_186, %dma_wait3A_191] : memref<320000x128xf32, #tpu.memory_space<hbm>> -> memref<128x128xf32, #tpu.memory_space<hbm>>
    tpu.wait_dma2 semaphore(%arg24 : memref<!tpu.dma_semaphore, #tpu.memory_space<semaphore_mem>>) src(%dma_wait3A_192 : memref<128x128xf32, #tpu.memory_space<hbm>>) dst(%arg16 : memref<128x128xf32, #tpu.memory_space<vmem>>)
    %dma_start3A_193 = arith.constant 0 : i32
    %dma_start3A_194 = arith.constant 0 : i32
    %dma_start3A_195 = tpu.memref_slice %arg22[%dma_start3A_193, %dma_start3A_194] : memref<10240x128xf32, #tpu.memory_space<vmem_shared>> -> memref<10240x128xf32, #tpu.memory_space<vmem_shared>>
    tpu.enqueue_indirect_dma source(%arg16 : memref<128x128xf32, #tpu.memory_space<vmem>>) target(%dma_start3A_195 : memref<10240x128xf32, #tpu.memory_space<vmem_shared>>) offsets(%arg14 : memref<128xi32, #tpu.memory_space<vmem>>) semaphore(%arg26 : memref<!tpu.dma_semaphore, #tpu.memory_space<semaphore_mem>>) {add = true}
    %dma_start3A_196 = arith.constant 0 : i32
    %dma_start3A_197 = tpu.memref_slice %arg23[%dma_start3A_196] : memref<10240xf32, #tpu.memory_space<vmem_shared>> -> memref<10240xf32, #tpu.memory_space<vmem_shared>>
    tpu.enqueue_indirect_dma source(%arg18 : memref<128xf32, #tpu.memory_space<vmem>>) target(%dma_start3A_197 : memref<10240xf32, #tpu.memory_space<vmem_shared>>) offsets(%arg14 : memref<128xi32, #tpu.memory_space<vmem>>) semaphore(%arg26 : memref<!tpu.dma_semaphore, #tpu.memory_space<semaphore_mem>>) {add = true}
    %add3A_198 = arith.constant 9984 : i32
    %add3A_199 = arith.addi %mul3A_2, %add3A_198 : i32
    %dma_start3A_200 = tpu.memref_slice %arg5[%add3A_199] : memref<320000xi32, #tpu.memory_space<hbm>> -> memref<16xi32, #tpu.memory_space<hbm>>
    %dma_start3A_201 = tpu.memref_slice %arg5[%add3A_199] : memref<320000xi32, #tpu.memory_space<hbm>> -> memref<16xi32, #tpu.memory_space<hbm>>
    tpu.enqueue_dma source(%dma_start3A_201 : memref<16xi32, #tpu.memory_space<hbm>>) target(%arg19 : memref<16xi32, #tpu.memory_space<vmem>>) target_semaphore(%arg24 : memref<!tpu.dma_semaphore, #tpu.memory_space<semaphore_mem>>)
    %dma_start3A_202 = arith.constant 0 : i32
    %dma_start3A_203 = tpu.memref_slice %arg4[%add3A_199, %dma_start3A_202] : memref<320000x128xf32, #tpu.memory_space<hbm>> -> memref<16x128xf32, #tpu.memory_space<hbm>>
    %dma_start3A_204 = arith.constant 0 : i32
    %dma_start3A_205 = tpu.memref_slice %arg4[%add3A_199, %dma_start3A_204] : memref<320000x128xf32, #tpu.memory_space<hbm>> -> memref<16x128xf32, #tpu.memory_space<hbm>>
    tpu.enqueue_dma source(%dma_start3A_205 : memref<16x128xf32, #tpu.memory_space<hbm>>) target(%arg20 : memref<16x128xf32, #tpu.memory_space<vmem>>) target_semaphore(%arg24 : memref<!tpu.dma_semaphore, #tpu.memory_space<semaphore_mem>>)
    %dma_wait3A_206 = arith.constant 0 : i32
    %dma_wait3A_207 = arith.constant 0 : i32
    %dma_wait3A_208 = tpu.memref_slice %arg22[%dma_wait3A_206, %dma_wait3A_207] : memref<10240x128xf32, #tpu.memory_space<vmem_shared>> -> memref<10240x128xf32, #tpu.memory_space<vmem_shared>>
    tpu.wait_indirect_dma semaphore(%arg26 : memref<!tpu.dma_semaphore, #tpu.memory_space<semaphore_mem>>) src(%arg16 : memref<128x128xf32, #tpu.memory_space<vmem>>) dst(%dma_wait3A_208 : memref<10240x128xf32, #tpu.memory_space<vmem_shared>>)
    %dma_wait3A_209 = arith.constant 0 : i32
    %dma_wait3A_210 = tpu.memref_slice %arg23[%dma_wait3A_209] : memref<10240xf32, #tpu.memory_space<vmem_shared>> -> memref<10240xf32, #tpu.memory_space<vmem_shared>>
    tpu.wait_indirect_dma semaphore(%arg26 : memref<!tpu.dma_semaphore, #tpu.memory_space<semaphore_mem>>) src(%arg18 : memref<128xf32, #tpu.memory_space<vmem>>) dst(%dma_wait3A_210 : memref<10240xf32, #tpu.memory_space<vmem_shared>>)
    %add3A_211 = arith.constant 9856 : i32
    %add3A_212 = arith.addi %mul3A_2, %add3A_211 : i32
    %dma_wait3A_213 = tpu.memref_slice %arg5[%add3A_212] : memref<320000xi32, #tpu.memory_space<hbm>> -> memref<128xi32, #tpu.memory_space<hbm>>
    %dma_wait3A_214 = tpu.memref_slice %arg5[%add3A_212] : memref<320000xi32, #tpu.memory_space<hbm>> -> memref<128xi32, #tpu.memory_space<hbm>>
    tpu.wait_dma2 semaphore(%arg25 : memref<!tpu.dma_semaphore, #tpu.memory_space<semaphore_mem>>) src(%dma_wait3A_214 : memref<128xi32, #tpu.memory_space<hbm>>) dst(%arg15 : memref<128xi32, #tpu.memory_space<vmem>>)
    %dma_wait3A_215 = arith.constant 0 : i32
    %dma_wait3A_216 = tpu.memref_slice %arg4[%add3A_212, %dma_wait3A_215] : memref<320000x128xf32, #tpu.memory_space<hbm>> -> memref<128x128xf32, #tpu.memory_space<hbm>>
    %dma_wait3A_217 = arith.constant 0 : i32
    %dma_wait3A_218 = tpu.memref_slice %arg4[%add3A_212, %dma_wait3A_217] : memref<320000x128xf32, #tpu.memory_space<hbm>> -> memref<128x128xf32, #tpu.memory_space<hbm>>
    tpu.wait_dma2 semaphore(%arg25 : memref<!tpu.dma_semaphore, #tpu.memory_space<semaphore_mem>>) src(%dma_wait3A_218 : memref<128x128xf32, #tpu.memory_space<hbm>>) dst(%arg17 : memref<128x128xf32, #tpu.memory_space<vmem>>)
    %dma_start3A_219 = arith.constant 0 : i32
    %dma_start3A_220 = arith.constant 0 : i32
    %dma_start3A_221 = tpu.memref_slice %arg22[%dma_start3A_219, %dma_start3A_220] : memref<10240x128xf32, #tpu.memory_space<vmem_shared>> -> memref<10240x128xf32, #tpu.memory_space<vmem_shared>>
    tpu.enqueue_indirect_dma source(%arg17 : memref<128x128xf32, #tpu.memory_space<vmem>>) target(%dma_start3A_221 : memref<10240x128xf32, #tpu.memory_space<vmem_shared>>) offsets(%arg15 : memref<128xi32, #tpu.memory_space<vmem>>) semaphore(%arg27 : memref<!tpu.dma_semaphore, #tpu.memory_space<semaphore_mem>>) {add = true}
    %dma_start3A_222 = arith.constant 0 : i32
    %dma_start3A_223 = tpu.memref_slice %arg23[%dma_start3A_222] : memref<10240xf32, #tpu.memory_space<vmem_shared>> -> memref<10240xf32, #tpu.memory_space<vmem_shared>>
    tpu.enqueue_indirect_dma source(%arg18 : memref<128xf32, #tpu.memory_space<vmem>>) target(%dma_start3A_223 : memref<10240xf32, #tpu.memory_space<vmem_shared>>) offsets(%arg15 : memref<128xi32, #tpu.memory_space<vmem>>) semaphore(%arg27 : memref<!tpu.dma_semaphore, #tpu.memory_space<semaphore_mem>>) {add = true}
    %dma_wait3A_224 = arith.constant 0 : i32
    %dma_wait3A_225 = arith.constant 0 : i32
    %dma_wait3A_226 = tpu.memref_slice %arg22[%dma_wait3A_224, %dma_wait3A_225] : memref<10240x128xf32, #tpu.memory_space<vmem_shared>> -> memref<10240x128xf32, #tpu.memory_space<vmem_shared>>
    tpu.wait_indirect_dma semaphore(%arg27 : memref<!tpu.dma_semaphore, #tpu.memory_space<semaphore_mem>>) src(%arg17 : memref<128x128xf32, #tpu.memory_space<vmem>>) dst(%dma_wait3A_226 : memref<10240x128xf32, #tpu.memory_space<vmem_shared>>)
    %dma_wait3A_227 = arith.constant 0 : i32
    %dma_wait3A_228 = tpu.memref_slice %arg23[%dma_wait3A_227] : memref<10240xf32, #tpu.memory_space<vmem_shared>> -> memref<10240xf32, #tpu.memory_space<vmem_shared>>
    tpu.wait_indirect_dma semaphore(%arg27 : memref<!tpu.dma_semaphore, #tpu.memory_space<semaphore_mem>>) src(%arg18 : memref<128xf32, #tpu.memory_space<vmem>>) dst(%dma_wait3A_228 : memref<10240xf32, #tpu.memory_space<vmem_shared>>)
    %dma_wait3A_229 = tpu.memref_slice %arg5[%add3A_199] : memref<320000xi32, #tpu.memory_space<hbm>> -> memref<16xi32, #tpu.memory_space<hbm>>
    %dma_wait3A_230 = tpu.memref_slice %arg5[%add3A_199] : memref<320000xi32, #tpu.memory_space<hbm>> -> memref<16xi32, #tpu.memory_space<hbm>>
    tpu.wait_dma2 semaphore(%arg24 : memref<!tpu.dma_semaphore, #tpu.memory_space<semaphore_mem>>) src(%dma_wait3A_230 : memref<16xi32, #tpu.memory_space<hbm>>) dst(%arg19 : memref<16xi32, #tpu.memory_space<vmem>>)
    %dma_wait3A_231 = arith.constant 0 : i32
    %dma_wait3A_232 = tpu.memref_slice %arg4[%add3A_199, %dma_wait3A_231] : memref<320000x128xf32, #tpu.memory_space<hbm>> -> memref<16x128xf32, #tpu.memory_space<hbm>>
    %dma_wait3A_233 = arith.constant 0 : i32
    %dma_wait3A_234 = tpu.memref_slice %arg4[%add3A_199, %dma_wait3A_233] : memref<320000x128xf32, #tpu.memory_space<hbm>> -> memref<16x128xf32, #tpu.memory_space<hbm>>
    tpu.wait_dma2 semaphore(%arg24 : memref<!tpu.dma_semaphore, #tpu.memory_space<semaphore_mem>>) src(%dma_wait3A_234 : memref<16x128xf32, #tpu.memory_space<hbm>>) dst(%arg20 : memref<16x128xf32, #tpu.memory_space<vmem>>)
    "tpu.region"() ({
      %run_scoped3A = tpu.sem_alloc : memref<!tpu.dma_semaphore, #tpu.memory_space<semaphore_mem>>
      %dma_start3A_411 = arith.constant 0 : i32
      %dma_start3A_412 = arith.constant 0 : i32
      %dma_start3A_413 = tpu.memref_slice %arg22[%dma_start3A_411, %dma_start3A_412] : memref<10240x128xf32, #tpu.memory_space<vmem_shared>> -> memref<10240x128xf32, #tpu.memory_space<vmem_shared>>
      tpu.enqueue_indirect_dma source(%arg20 : memref<16x128xf32, #tpu.memory_space<vmem>>) target(%dma_start3A_413 : memref<10240x128xf32, #tpu.memory_space<vmem_shared>>) offsets(%arg19 : memref<16xi32, #tpu.memory_space<vmem>>) semaphore(%run_scoped3A : memref<!tpu.dma_semaphore, #tpu.memory_space<semaphore_mem>>) {add = true}
      %dma_wait3A_414 = arith.constant 0 : i32
      %dma_wait3A_415 = arith.constant 0 : i32
      %dma_wait3A_416 = tpu.memref_slice %arg22[%dma_wait3A_414, %dma_wait3A_415] : memref<10240x128xf32, #tpu.memory_space<vmem_shared>> -> memref<10240x128xf32, #tpu.memory_space<vmem_shared>>
      tpu.wait_indirect_dma semaphore(%run_scoped3A : memref<!tpu.dma_semaphore, #tpu.memory_space<semaphore_mem>>) src(%arg20 : memref<16x128xf32, #tpu.memory_space<vmem>>) dst(%dma_wait3A_416 : memref<10240x128xf32, #tpu.memory_space<vmem_shared>>)
      tpu.yield
    }) : () -> ()
    "tpu.region"() ({
      %run_scoped3A = tpu.sem_alloc : memref<!tpu.dma_semaphore, #tpu.memory_space<semaphore_mem>>
      %dma_start3A_411 = arith.constant 0 : i32
      %dma_start3A_412 = tpu.memref_slice %arg23[%dma_start3A_411] : memref<10240xf32, #tpu.memory_space<vmem_shared>> -> memref<10240xf32, #tpu.memory_space<vmem_shared>>
      tpu.enqueue_indirect_dma source(%arg21 : memref<16xf32, #tpu.memory_space<vmem>>) target(%dma_start3A_412 : memref<10240xf32, #tpu.memory_space<vmem_shared>>) offsets(%arg19 : memref<16xi32, #tpu.memory_space<vmem>>) semaphore(%run_scoped3A : memref<!tpu.dma_semaphore, #tpu.memory_space<semaphore_mem>>) {add = true}
      %dma_wait3A_413 = arith.constant 0 : i32
      %dma_wait3A_414 = tpu.memref_slice %arg23[%dma_wait3A_413] : memref<10240xf32, #tpu.memory_space<vmem_shared>> -> memref<10240xf32, #tpu.memory_space<vmem_shared>>
      tpu.wait_indirect_dma semaphore(%run_scoped3A : memref<!tpu.dma_semaphore, #tpu.memory_space<semaphore_mem>>) src(%arg21 : memref<16xf32, #tpu.memory_space<vmem>>) dst(%dma_wait3A_414 : memref<10240xf32, #tpu.memory_space<vmem_shared>>)
      tpu.yield
    }) : () -> ()
    %barrier3A_235 = arith.constant 0 : index
    tpu.barrier barrier_id(%barrier3A_235)
    %mul3A_236 = arith.constant 3 : i32
    %mul3A_237 = arith.muli %arg0, %mul3A_236 : i32
    %add3A_238 = arith.constant 1 : i32
    %add3A_239 = arith.addi %mul3A_237, %add3A_238 : i32
    %mul3A_240 = arith.constant 10240 : i32
    %mul3A_241 = arith.muli %add3A_239, %mul3A_240 : i32
    %mul3A_242 = arith.constant 640 : i32
    %mul3A_243 = arith.muli %arg1, %mul3A_242 : i32
    %add3A_244 = arith.constant 0 : i32
    %add3A_245 = arith.addi %mul3A_243, %add3A_244 : i32
    %add3A_246 = arith.addi %mul3A_241, %add3A_245 : i32
    "tpu.region"() ({
      %run_scoped3A = tpu.sem_alloc : memref<!tpu.dma_semaphore, #tpu.memory_space<semaphore_mem>>
      %dma_start3A_411 = arith.constant 0 : i32
      %dma_start3A_412 = tpu.memref_slice %arg12[%add3A_246, %dma_start3A_411] : memref<61440x128xf32, #tpu.memory_space<hbm>> -> memref<128x128xf32, #tpu.memory_space<hbm>>
      %dma_start3A_413 = arith.constant 0 : i32
      %dma_start3A_414 = tpu.memref_slice %arg22[%add3A_245, %dma_start3A_413] : memref<10240x128xf32, #tpu.memory_space<vmem_shared>> -> memref<128x128xf32, #tpu.memory_space<vmem_shared>>
      tpu.enqueue_dma source(%dma_start3A_414 : memref<128x128xf32, #tpu.memory_space<vmem_shared>>) target(%dma_start3A_412 : memref<128x128xf32, #tpu.memory_space<hbm>>) target_semaphore(%run_scoped3A : memref<!tpu.dma_semaphore, #tpu.memory_space<semaphore_mem>>)
      %dma_wait3A_415 = arith.constant 0 : i32
      %dma_wait3A_416 = tpu.memref_slice %arg12[%add3A_246, %dma_wait3A_415] : memref<61440x128xf32, #tpu.memory_space<hbm>> -> memref<128x128xf32, #tpu.memory_space<hbm>>
      %dma_wait3A_417 = arith.constant 0 : i32
      %dma_wait3A_418 = tpu.memref_slice %arg22[%add3A_245, %dma_wait3A_417] : memref<10240x128xf32, #tpu.memory_space<vmem_shared>> -> memref<128x128xf32, #tpu.memory_space<vmem_shared>>
      tpu.wait_dma2 semaphore(%run_scoped3A : memref<!tpu.dma_semaphore, #tpu.memory_space<semaphore_mem>>) src(%dma_wait3A_418 : memref<128x128xf32, #tpu.memory_space<vmem_shared>>) dst(%dma_wait3A_416 : memref<128x128xf32, #tpu.memory_space<hbm>>)
      tpu.yield
    }) : () -> ()
    %mul3A_247 = arith.constant 640 : i32
    %mul3A_248 = arith.muli %arg1, %mul3A_247 : i32
    %add3A_249 = arith.constant 128 : i32
    %add3A_250 = arith.addi %mul3A_248, %add3A_249 : i32
    %add3A_251 = arith.addi %mul3A_241, %add3A_250 : i32
    "tpu.region"() ({
      %run_scoped3A = tpu.sem_alloc : memref<!tpu.dma_semaphore, #tpu.memory_space<semaphore_mem>>
      %dma_start3A_411 = arith.constant 0 : i32
      %dma_start3A_412 = tpu.memref_slice %arg12[%add3A_251, %dma_start3A_411] : memref<61440x128xf32, #tpu.memory_space<hbm>> -> memref<128x128xf32, #tpu.memory_space<hbm>>
      %dma_start3A_413 = arith.constant 0 : i32
      %dma_start3A_414 = tpu.memref_slice %arg22[%add3A_250, %dma_start3A_413] : memref<10240x128xf32, #tpu.memory_space<vmem_shared>> -> memref<128x128xf32, #tpu.memory_space<vmem_shared>>
      tpu.enqueue_dma source(%dma_start3A_414 : memref<128x128xf32, #tpu.memory_space<vmem_shared>>) target(%dma_start3A_412 : memref<128x128xf32, #tpu.memory_space<hbm>>) target_semaphore(%run_scoped3A : memref<!tpu.dma_semaphore, #tpu.memory_space<semaphore_mem>>)
      %dma_wait3A_415 = arith.constant 0 : i32
      %dma_wait3A_416 = tpu.memref_slice %arg12[%add3A_251, %dma_wait3A_415] : memref<61440x128xf32, #tpu.memory_space<hbm>> -> memref<128x128xf32, #tpu.memory_space<hbm>>
      %dma_wait3A_417 = arith.constant 0 : i32
      %dma_wait3A_418 = tpu.memref_slice %arg22[%add3A_250, %dma_wait3A_417] : memref<10240x128xf32, #tpu.memory_space<vmem_shared>> -> memref<128x128xf32, #tpu.memory_space<vmem_shared>>
      tpu.wait_dma2 semaphore(%run_scoped3A : memref<!tpu.dma_semaphore, #tpu.memory_space<semaphore_mem>>) src(%dma_wait3A_418 : memref<128x128xf32, #tpu.memory_space<vmem_shared>>) dst(%dma_wait3A_416 : memref<128x128xf32, #tpu.memory_space<hbm>>)
      tpu.yield
    }) : () -> ()
    %mul3A_252 = arith.constant 640 : i32
    %mul3A_253 = arith.muli %arg1, %mul3A_252 : i32
    %add3A_254 = arith.constant 256 : i32
    %add3A_255 = arith.addi %mul3A_253, %add3A_254 : i32
    %add3A_256 = arith.addi %mul3A_241, %add3A_255 : i32
    "tpu.region"() ({
      %run_scoped3A = tpu.sem_alloc : memref<!tpu.dma_semaphore, #tpu.memory_space<semaphore_mem>>
      %dma_start3A_411 = arith.constant 0 : i32
      %dma_start3A_412 = tpu.memref_slice %arg12[%add3A_256, %dma_start3A_411] : memref<61440x128xf32, #tpu.memory_space<hbm>> -> memref<128x128xf32, #tpu.memory_space<hbm>>
      %dma_start3A_413 = arith.constant 0 : i32
      %dma_start3A_414 = tpu.memref_slice %arg22[%add3A_255, %dma_start3A_413] : memref<10240x128xf32, #tpu.memory_space<vmem_shared>> -> memref<128x128xf32, #tpu.memory_space<vmem_shared>>
      tpu.enqueue_dma source(%dma_start3A_414 : memref<128x128xf32, #tpu.memory_space<vmem_shared>>) target(%dma_start3A_412 : memref<128x128xf32, #tpu.memory_space<hbm>>) target_semaphore(%run_scoped3A : memref<!tpu.dma_semaphore, #tpu.memory_space<semaphore_mem>>)
      %dma_wait3A_415 = arith.constant 0 : i32
      %dma_wait3A_416 = tpu.memref_slice %arg12[%add3A_256, %dma_wait3A_415] : memref<61440x128xf32, #tpu.memory_space<hbm>> -> memref<128x128xf32, #tpu.memory_space<hbm>>
      %dma_wait3A_417 = arith.constant 0 : i32
      %dma_wait3A_418 = tpu.memref_slice %arg22[%add3A_255, %dma_wait3A_417] : memref<10240x128xf32, #tpu.memory_space<vmem_shared>> -> memref<128x128xf32, #tpu.memory_space<vmem_shared>>
      tpu.wait_dma2 semaphore(%run_scoped3A : memref<!tpu.dma_semaphore, #tpu.memory_space<semaphore_mem>>) src(%dma_wait3A_418 : memref<128x128xf32, #tpu.memory_space<vmem_shared>>) dst(%dma_wait3A_416 : memref<128x128xf32, #tpu.memory_space<hbm>>)
      tpu.yield
    }) : () -> ()
    %mul3A_257 = arith.constant 640 : i32
    %mul3A_258 = arith.muli %arg1, %mul3A_257 : i32
    %add3A_259 = arith.constant 384 : i32
    %add3A_260 = arith.addi %mul3A_258, %add3A_259 : i32
    %add3A_261 = arith.addi %mul3A_241, %add3A_260 : i32
    "tpu.region"() ({
      %run_scoped3A = tpu.sem_alloc : memref<!tpu.dma_semaphore, #tpu.memory_space<semaphore_mem>>
      %dma_start3A_411 = arith.constant 0 : i32
      %dma_start3A_412 = tpu.memref_slice %arg12[%add3A_261, %dma_start3A_411] : memref<61440x128xf32, #tpu.memory_space<hbm>> -> memref<128x128xf32, #tpu.memory_space<hbm>>
      %dma_start3A_413 = arith.constant 0 : i32
      %dma_start3A_414 = tpu.memref_slice %arg22[%add3A_260, %dma_start3A_413] : memref<10240x128xf32, #tpu.memory_space<vmem_shared>> -> memref<128x128xf32, #tpu.memory_space<vmem_shared>>
      tpu.enqueue_dma source(%dma_start3A_414 : memref<128x128xf32, #tpu.memory_space<vmem_shared>>) target(%dma_start3A_412 : memref<128x128xf32, #tpu.memory_space<hbm>>) target_semaphore(%run_scoped3A : memref<!tpu.dma_semaphore, #tpu.memory_space<semaphore_mem>>)
      %dma_wait3A_415 = arith.constant 0 : i32
      %dma_wait3A_416 = tpu.memref_slice %arg12[%add3A_261, %dma_wait3A_415] : memref<61440x128xf32, #tpu.memory_space<hbm>> -> memref<128x128xf32, #tpu.memory_space<hbm>>
      %dma_wait3A_417 = arith.constant 0 : i32
      %dma_wait3A_418 = tpu.memref_slice %arg22[%add3A_260, %dma_wait3A_417] : memref<10240x128xf32, #tpu.memory_space<vmem_shared>> -> memref<128x128xf32, #tpu.memory_space<vmem_shared>>
      tpu.wait_dma2 semaphore(%run_scoped3A : memref<!tpu.dma_semaphore, #tpu.memory_space<semaphore_mem>>) src(%dma_wait3A_418 : memref<128x128xf32, #tpu.memory_space<vmem_shared>>) dst(%dma_wait3A_416 : memref<128x128xf32, #tpu.memory_space<hbm>>)
      tpu.yield
    }) : () -> ()
    %mul3A_262 = arith.constant 640 : i32
    %mul3A_263 = arith.muli %arg1, %mul3A_262 : i32
    %add3A_264 = arith.constant 512 : i32
    %add3A_265 = arith.addi %mul3A_263, %add3A_264 : i32
    %add3A_266 = arith.addi %mul3A_241, %add3A_265 : i32
    "tpu.region"() ({
      %run_scoped3A = tpu.sem_alloc : memref<!tpu.dma_semaphore, #tpu.memory_space<semaphore_mem>>
      %dma_start3A_411 = arith.constant 0 : i32
      %dma_start3A_412 = tpu.memref_slice %arg12[%add3A_266, %dma_start3A_411] : memref<61440x128xf32, #tpu.memory_space<hbm>> -> memref<128x128xf32, #tpu.memory_space<hbm>>
      %dma_start3A_413 = arith.constant 0 : i32
      %dma_start3A_414 = tpu.memref_slice %arg22[%add3A_265, %dma_start3A_413] : memref<10240x128xf32, #tpu.memory_space<vmem_shared>> -> memref<128x128xf32, #tpu.memory_space<vmem_shared>>
      tpu.enqueue_dma source(%dma_start3A_414 : memref<128x128xf32, #tpu.memory_space<vmem_shared>>) target(%dma_start3A_412 : memref<128x128xf32, #tpu.memory_space<hbm>>) target_semaphore(%run_scoped3A : memref<!tpu.dma_semaphore, #tpu.memory_space<semaphore_mem>>)
      %dma_wait3A_415 = arith.constant 0 : i32
      %dma_wait3A_416 = tpu.memref_slice %arg12[%add3A_266, %dma_wait3A_415] : memref<61440x128xf32, #tpu.memory_space<hbm>> -> memref<128x128xf32, #tpu.memory_space<hbm>>
      %dma_wait3A_417 = arith.constant 0 : i32
      %dma_wait3A_418 = tpu.memref_slice %arg22[%add3A_265, %dma_wait3A_417] : memref<10240x128xf32, #tpu.memory_space<vmem_shared>> -> memref<128x128xf32, #tpu.memory_space<vmem_shared>>
      tpu.wait_dma2 semaphore(%run_scoped3A : memref<!tpu.dma_semaphore, #tpu.memory_space<semaphore_mem>>) src(%dma_wait3A_418 : memref<128x128xf32, #tpu.memory_space<vmem_shared>>) dst(%dma_wait3A_416 : memref<128x128xf32, #tpu.memory_space<hbm>>)
      tpu.yield
    }) : () -> ()
    %eq3A_267 = arith.constant 0 : i32
    %eq3A_268 = arith.cmpi eq, %arg1, %eq3A_267 : i32
    %convert_element_type3A_269 = arith.extui %eq3A_268 : i1 to i32
    %cond3A_270 = arith.constant 0 : i32
    %cond3A_271 = arith.cmpi ne, %convert_element_type3A_269, %cond3A_270 : i32
    scf.if %cond3A_271 {
      "tpu.region"() ({
        %run_scoped3A = tpu.sem_alloc : memref<!tpu.dma_semaphore, #tpu.memory_space<semaphore_mem>>
        %dma_start3A_411 = tpu.memref_slice %arg13[%mul3A_241] : memref<61440xf32, #tpu.memory_space<hbm>> -> memref<10240xf32, #tpu.memory_space<hbm>>
        tpu.enqueue_dma source(%arg23 : memref<10240xf32, #tpu.memory_space<vmem_shared>>) target(%dma_start3A_411 : memref<10240xf32, #tpu.memory_space<hbm>>) target_semaphore(%run_scoped3A : memref<!tpu.dma_semaphore, #tpu.memory_space<semaphore_mem>>)
        %dma_wait3A_412 = tpu.memref_slice %arg13[%mul3A_241] : memref<61440xf32, #tpu.memory_space<hbm>> -> memref<10240xf32, #tpu.memory_space<hbm>>
        tpu.wait_dma2 semaphore(%run_scoped3A : memref<!tpu.dma_semaphore, #tpu.memory_space<semaphore_mem>>) src(%arg23 : memref<10240xf32, #tpu.memory_space<vmem_shared>>) dst(%dma_wait3A_412 : memref<10240xf32, #tpu.memory_space<hbm>>)
        tpu.yield
      }) : () -> ()
    } else {
    }
    %mul3A_272 = arith.constant 640 : i32
    %mul3A_273 = arith.muli %arg1, %mul3A_272 : i32
    %add3A_274 = arith.constant 0 : i32
    %add3A_275 = arith.addi %mul3A_273, %add3A_274 : i32
    "tpu.region"() ({
      %run_scoped3A = tpu.sem_alloc : memref<!tpu.dma_semaphore, #tpu.memory_space<semaphore_mem>>
      %dma_start3A_411 = arith.constant 0 : i32
      %dma_start3A_412 = tpu.memref_slice %arg22[%add3A_275, %dma_start3A_411] : memref<10240x128xf32, #tpu.memory_space<vmem_shared>> -> memref<128x128xf32, #tpu.memory_space<vmem_shared>>
      tpu.enqueue_dma source(%arg8 : memref<128x128xf32, #tpu.memory_space<hbm>>) target(%dma_start3A_412 : memref<128x128xf32, #tpu.memory_space<vmem_shared>>) target_semaphore(%run_scoped3A : memref<!tpu.dma_semaphore, #tpu.memory_space<semaphore_mem>>)
      %dma_wait3A_413 = arith.constant 0 : i32
      %dma_wait3A_414 = tpu.memref_slice %arg22[%add3A_275, %dma_wait3A_413] : memref<10240x128xf32, #tpu.memory_space<vmem_shared>> -> memref<128x128xf32, #tpu.memory_space<vmem_shared>>
      tpu.wait_dma2 semaphore(%run_scoped3A : memref<!tpu.dma_semaphore, #tpu.memory_space<semaphore_mem>>) src(%arg8 : memref<128x128xf32, #tpu.memory_space<hbm>>) dst(%dma_wait3A_414 : memref<128x128xf32, #tpu.memory_space<vmem_shared>>)
      tpu.yield
    }) : () -> ()
    %mul3A_276 = arith.constant 640 : i32
    %mul3A_277 = arith.muli %arg1, %mul3A_276 : i32
    %add3A_278 = arith.constant 128 : i32
    %add3A_279 = arith.addi %mul3A_277, %add3A_278 : i32
    "tpu.region"() ({
      %run_scoped3A = tpu.sem_alloc : memref<!tpu.dma_semaphore, #tpu.memory_space<semaphore_mem>>
      %dma_start3A_411 = arith.constant 0 : i32
      %dma_start3A_412 = tpu.memref_slice %arg22[%add3A_279, %dma_start3A_411] : memref<10240x128xf32, #tpu.memory_space<vmem_shared>> -> memref<128x128xf32, #tpu.memory_space<vmem_shared>>
      tpu.enqueue_dma source(%arg8 : memref<128x128xf32, #tpu.memory_space<hbm>>) target(%dma_start3A_412 : memref<128x128xf32, #tpu.memory_space<vmem_shared>>) target_semaphore(%run_scoped3A : memref<!tpu.dma_semaphore, #tpu.memory_space<semaphore_mem>>)
      %dma_wait3A_413 = arith.constant 0 : i32
      %dma_wait3A_414 = tpu.memref_slice %arg22[%add3A_279, %dma_wait3A_413] : memref<10240x128xf32, #tpu.memory_space<vmem_shared>> -> memref<128x128xf32, #tpu.memory_space<vmem_shared>>
      tpu.wait_dma2 semaphore(%run_scoped3A : memref<!tpu.dma_semaphore, #tpu.memory_space<semaphore_mem>>) src(%arg8 : memref<128x128xf32, #tpu.memory_space<hbm>>) dst(%dma_wait3A_414 : memref<128x128xf32, #tpu.memory_space<vmem_shared>>)
      tpu.yield
    }) : () -> ()
    %mul3A_280 = arith.constant 640 : i32
    %mul3A_281 = arith.muli %arg1, %mul3A_280 : i32
    %add3A_282 = arith.constant 256 : i32
    %add3A_283 = arith.addi %mul3A_281, %add3A_282 : i32
    "tpu.region"() ({
      %run_scoped3A = tpu.sem_alloc : memref<!tpu.dma_semaphore, #tpu.memory_space<semaphore_mem>>
      %dma_start3A_411 = arith.constant 0 : i32
      %dma_start3A_412 = tpu.memref_slice %arg22[%add3A_283, %dma_start3A_411] : memref<10240x128xf32, #tpu.memory_space<vmem_shared>> -> memref<128x128xf32, #tpu.memory_space<vmem_shared>>
      tpu.enqueue_dma source(%arg8 : memref<128x128xf32, #tpu.memory_space<hbm>>) target(%dma_start3A_412 : memref<128x128xf32, #tpu.memory_space<vmem_shared>>) target_semaphore(%run_scoped3A : memref<!tpu.dma_semaphore, #tpu.memory_space<semaphore_mem>>)
      %dma_wait3A_413 = arith.constant 0 : i32
      %dma_wait3A_414 = tpu.memref_slice %arg22[%add3A_283, %dma_wait3A_413] : memref<10240x128xf32, #tpu.memory_space<vmem_shared>> -> memref<128x128xf32, #tpu.memory_space<vmem_shared>>
      tpu.wait_dma2 semaphore(%run_scoped3A : memref<!tpu.dma_semaphore, #tpu.memory_space<semaphore_mem>>) src(%arg8 : memref<128x128xf32, #tpu.memory_space<hbm>>) dst(%dma_wait3A_414 : memref<128x128xf32, #tpu.memory_space<vmem_shared>>)
      tpu.yield
    }) : () -> ()
    %mul3A_284 = arith.constant 640 : i32
    %mul3A_285 = arith.muli %arg1, %mul3A_284 : i32
    %add3A_286 = arith.constant 384 : i32
    %add3A_287 = arith.addi %mul3A_285, %add3A_286 : i32
    "tpu.region"() ({
      %run_scoped3A = tpu.sem_alloc : memref<!tpu.dma_semaphore, #tpu.memory_space<semaphore_mem>>
      %dma_start3A_411 = arith.constant 0 : i32
      %dma_start3A_412 = tpu.memref_slice %arg22[%add3A_287, %dma_start3A_411] : memref<10240x128xf32, #tpu.memory_space<vmem_shared>> -> memref<128x128xf32, #tpu.memory_space<vmem_shared>>
      tpu.enqueue_dma source(%arg8 : memref<128x128xf32, #tpu.memory_space<hbm>>) target(%dma_start3A_412 : memref<128x128xf32, #tpu.memory_space<vmem_shared>>) target_semaphore(%run_scoped3A : memref<!tpu.dma_semaphore, #tpu.memory_space<semaphore_mem>>)
      %dma_wait3A_413 = arith.constant 0 : i32
      %dma_wait3A_414 = tpu.memref_slice %arg22[%add3A_287, %dma_wait3A_413] : memref<10240x128xf32, #tpu.memory_space<vmem_shared>> -> memref<128x128xf32, #tpu.memory_space<vmem_shared>>
      tpu.wait_dma2 semaphore(%run_scoped3A : memref<!tpu.dma_semaphore, #tpu.memory_space<semaphore_mem>>) src(%arg8 : memref<128x128xf32, #tpu.memory_space<hbm>>) dst(%dma_wait3A_414 : memref<128x128xf32, #tpu.memory_space<vmem_shared>>)
      tpu.yield
    }) : () -> ()
    %mul3A_288 = arith.constant 640 : i32
    %mul3A_289 = arith.muli %arg1, %mul3A_288 : i32
    %add3A_290 = arith.constant 512 : i32
    %add3A_291 = arith.addi %mul3A_289, %add3A_290 : i32
    "tpu.region"() ({
      %run_scoped3A = tpu.sem_alloc : memref<!tpu.dma_semaphore, #tpu.memory_space<semaphore_mem>>
      %dma_start3A_411 = arith.constant 0 : i32
      %dma_start3A_412 = tpu.memref_slice %arg22[%add3A_291, %dma_start3A_411] : memref<10240x128xf32, #tpu.memory_space<vmem_shared>> -> memref<128x128xf32, #tpu.memory_space<vmem_shared>>
      tpu.enqueue_dma source(%arg8 : memref<128x128xf32, #tpu.memory_space<hbm>>) target(%dma_start3A_412 : memref<128x128xf32, #tpu.memory_space<vmem_shared>>) target_semaphore(%run_scoped3A : memref<!tpu.dma_semaphore, #tpu.memory_space<semaphore_mem>>)
      %dma_wait3A_413 = arith.constant 0 : i32
      %dma_wait3A_414 = tpu.memref_slice %arg22[%add3A_291, %dma_wait3A_413] : memref<10240x128xf32, #tpu.memory_space<vmem_shared>> -> memref<128x128xf32, #tpu.memory_space<vmem_shared>>
      tpu.wait_dma2 semaphore(%run_scoped3A : memref<!tpu.dma_semaphore, #tpu.memory_space<semaphore_mem>>) src(%arg8 : memref<128x128xf32, #tpu.memory_space<hbm>>) dst(%dma_wait3A_414 : memref<128x128xf32, #tpu.memory_space<vmem_shared>>)
      tpu.yield
    }) : () -> ()
    %eq3A_292 = arith.constant 0 : i32
    %eq3A_293 = arith.cmpi eq, %arg1, %eq3A_292 : i32
    %convert_element_type3A_294 = arith.extui %eq3A_293 : i1 to i32
    %cond3A_295 = arith.constant 0 : i32
    %cond3A_296 = arith.cmpi ne, %convert_element_type3A_294, %cond3A_295 : i32
    scf.if %cond3A_296 {
      "tpu.region"() ({
        %run_scoped3A = tpu.sem_alloc : memref<!tpu.dma_semaphore, #tpu.memory_space<semaphore_mem>>
        %dma_start3A_411 = arith.constant 0 : i32
        %dma_start3A_412 = tpu.memref_slice %arg23[%dma_start3A_411] : memref<10240xf32, #tpu.memory_space<vmem_shared>> -> memref<2048xf32, #tpu.memory_space<vmem_shared>>
        tpu.enqueue_dma source(%arg9 : memref<2048xf32, #tpu.memory_space<hbm>>) target(%dma_start3A_412 : memref<2048xf32, #tpu.memory_space<vmem_shared>>) target_semaphore(%run_scoped3A : memref<!tpu.dma_semaphore, #tpu.memory_space<semaphore_mem>>)
        %dma_wait3A_413 = arith.constant 0 : i32
        %dma_wait3A_414 = tpu.memref_slice %arg23[%dma_wait3A_413] : memref<10240xf32, #tpu.memory_space<vmem_shared>> -> memref<2048xf32, #tpu.memory_space<vmem_shared>>
        tpu.wait_dma2 semaphore(%run_scoped3A : memref<!tpu.dma_semaphore, #tpu.memory_space<semaphore_mem>>) src(%arg9 : memref<2048xf32, #tpu.memory_space<hbm>>) dst(%dma_wait3A_414 : memref<2048xf32, #tpu.memory_space<vmem_shared>>)
        tpu.yield
      }) : () -> ()
      "tpu.region"() ({
        %run_scoped3A = tpu.sem_alloc : memref<!tpu.dma_semaphore, #tpu.memory_space<semaphore_mem>>
        %dma_start3A_411 = arith.constant 2048 : i32
        %dma_start3A_412 = tpu.memref_slice %arg23[%dma_start3A_411] : memref<10240xf32, #tpu.memory_space<vmem_shared>> -> memref<2048xf32, #tpu.memory_space<vmem_shared>>
        tpu.enqueue_dma source(%arg9 : memref<2048xf32, #tpu.memory_space<hbm>>) target(%dma_start3A_412 : memref<2048xf32, #tpu.memory_space<vmem_shared>>) target_semaphore(%run_scoped3A : memref<!tpu.dma_semaphore, #tpu.memory_space<semaphore_mem>>)
        %dma_wait3A_413 = arith.constant 2048 : i32
        %dma_wait3A_414 = tpu.memref_slice %arg23[%dma_wait3A_413] : memref<10240xf32, #tpu.memory_space<vmem_shared>> -> memref<2048xf32, #tpu.memory_space<vmem_shared>>
        tpu.wait_dma2 semaphore(%run_scoped3A : memref<!tpu.dma_semaphore, #tpu.memory_space<semaphore_mem>>) src(%arg9 : memref<2048xf32, #tpu.memory_space<hbm>>) dst(%dma_wait3A_414 : memref<2048xf32, #tpu.memory_space<vmem_shared>>)
        tpu.yield
      }) : () -> ()
      "tpu.region"() ({
        %run_scoped3A = tpu.sem_alloc : memref<!tpu.dma_semaphore, #tpu.memory_space<semaphore_mem>>
        %dma_start3A_411 = arith.constant 4096 : i32
        %dma_start3A_412 = tpu.memref_slice %arg23[%dma_start3A_411] : memref<10240xf32, #tpu.memory_space<vmem_shared>> -> memref<2048xf32, #tpu.memory_space<vmem_shared>>
        tpu.enqueue_dma source(%arg9 : memref<2048xf32, #tpu.memory_space<hbm>>) target(%dma_start3A_412 : memref<2048xf32, #tpu.memory_space<vmem_shared>>) target_semaphore(%run_scoped3A : memref<!tpu.dma_semaphore, #tpu.memory_space<semaphore_mem>>)
        %dma_wait3A_413 = arith.constant 4096 : i32
        %dma_wait3A_414 = tpu.memref_slice %arg23[%dma_wait3A_413] : memref<10240xf32, #tpu.memory_space<vmem_shared>> -> memref<2048xf32, #tpu.memory_space<vmem_shared>>
        tpu.wait_dma2 semaphore(%run_scoped3A : memref<!tpu.dma_semaphore, #tpu.memory_space<semaphore_mem>>) src(%arg9 : memref<2048xf32, #tpu.memory_space<hbm>>) dst(%dma_wait3A_414 : memref<2048xf32, #tpu.memory_space<vmem_shared>>)
        tpu.yield
      }) : () -> ()
      "tpu.region"() ({
        %run_scoped3A = tpu.sem_alloc : memref<!tpu.dma_semaphore, #tpu.memory_space<semaphore_mem>>
        %dma_start3A_411 = arith.constant 6144 : i32
        %dma_start3A_412 = tpu.memref_slice %arg23[%dma_start3A_411] : memref<10240xf32, #tpu.memory_space<vmem_shared>> -> memref<2048xf32, #tpu.memory_space<vmem_shared>>
        tpu.enqueue_dma source(%arg9 : memref<2048xf32, #tpu.memory_space<hbm>>) target(%dma_start3A_412 : memref<2048xf32, #tpu.memory_space<vmem_shared>>) target_semaphore(%run_scoped3A : memref<!tpu.dma_semaphore, #tpu.memory_space<semaphore_mem>>)
        %dma_wait3A_413 = arith.constant 6144 : i32
        %dma_wait3A_414 = tpu.memref_slice %arg23[%dma_wait3A_413] : memref<10240xf32, #tpu.memory_space<vmem_shared>> -> memref<2048xf32, #tpu.memory_space<vmem_shared>>
        tpu.wait_dma2 semaphore(%run_scoped3A : memref<!tpu.dma_semaphore, #tpu.memory_space<semaphore_mem>>) src(%arg9 : memref<2048xf32, #tpu.memory_space<hbm>>) dst(%dma_wait3A_414 : memref<2048xf32, #tpu.memory_space<vmem_shared>>)
        tpu.yield
      }) : () -> ()
      "tpu.region"() ({
        %run_scoped3A = tpu.sem_alloc : memref<!tpu.dma_semaphore, #tpu.memory_space<semaphore_mem>>
        %dma_start3A_411 = arith.constant 8192 : i32
        %dma_start3A_412 = tpu.memref_slice %arg23[%dma_start3A_411] : memref<10240xf32, #tpu.memory_space<vmem_shared>> -> memref<2048xf32, #tpu.memory_space<vmem_shared>>
        tpu.enqueue_dma source(%arg9 : memref<2048xf32, #tpu.memory_space<hbm>>) target(%dma_start3A_412 : memref<2048xf32, #tpu.memory_space<vmem_shared>>) target_semaphore(%run_scoped3A : memref<!tpu.dma_semaphore, #tpu.memory_space<semaphore_mem>>)
        %dma_wait3A_413 = arith.constant 8192 : i32
        %dma_wait3A_414 = tpu.memref_slice %arg23[%dma_wait3A_413] : memref<10240xf32, #tpu.memory_space<vmem_shared>> -> memref<2048xf32, #tpu.memory_space<vmem_shared>>
        tpu.wait_dma2 semaphore(%run_scoped3A : memref<!tpu.dma_semaphore, #tpu.memory_space<semaphore_mem>>) src(%arg9 : memref<2048xf32, #tpu.memory_space<hbm>>) dst(%dma_wait3A_414 : memref<2048xf32, #tpu.memory_space<vmem_shared>>)
        tpu.yield
      }) : () -> ()
    } else {
    }
    %barrier3A_297 = arith.constant 0 : index
    tpu.barrier barrier_id(%barrier3A_297)
    %dma_start3A_298 = tpu.memref_slice %arg7[%mul3A_2] : memref<320000xi32, #tpu.memory_space<hbm>> -> memref<128xi32, #tpu.memory_space<hbm>>
    %dma_start3A_299 = tpu.memref_slice %arg7[%mul3A_2] : memref<320000xi32, #tpu.memory_space<hbm>> -> memref<128xi32, #tpu.memory_space<hbm>>
    tpu.enqueue_dma source(%dma_start3A_299 : memref<128xi32, #tpu.memory_space<hbm>>) target(%arg14 : memref<128xi32, #tpu.memory_space<vmem>>) target_semaphore(%arg24 : memref<!tpu.dma_semaphore, #tpu.memory_space<semaphore_mem>>)
    %dma_start3A_300 = arith.constant 0 : i32
    %dma_start3A_301 = tpu.memref_slice %arg6[%mul3A_2, %dma_start3A_300] : memref<320000x128xf32, #tpu.memory_space<hbm>> -> memref<128x128xf32, #tpu.memory_space<hbm>>
    %dma_start3A_302 = arith.constant 0 : i32
    %dma_start3A_303 = tpu.memref_slice %arg6[%mul3A_2, %dma_start3A_302] : memref<320000x128xf32, #tpu.memory_space<hbm>> -> memref<128x128xf32, #tpu.memory_space<hbm>>
    tpu.enqueue_dma source(%dma_start3A_303 : memref<128x128xf32, #tpu.memory_space<hbm>>) target(%arg16 : memref<128x128xf32, #tpu.memory_space<vmem>>) target_semaphore(%arg24 : memref<!tpu.dma_semaphore, #tpu.memory_space<semaphore_mem>>)
    %scan3A_304 = arith.constant 0 : i32
    %scan3A_305 = arith.constant 0 : i32
    %scan3A_306 = arith.constant 38 : i32
    %scan3A_307 = arith.addi %scan3A_305, %scan3A_306 : i32
    %scan3A_308 = arith.constant 1 : i32
    scf.for %scan3A_411 = %scan3A_305 to %scan3A_307 step %scan3A_308  : i32 {
      %mul3A_412 = arith.constant 2 : i32
      %mul3A_413 = arith.muli %mul3A_412, %scan3A_411 : i32
      %mul3A_414 = arith.constant 128 : i32
      %mul3A_415 = arith.muli %mul3A_413, %mul3A_414 : i32
      %add3A_416 = arith.addi %mul3A_2, %mul3A_415 : i32
      %ge3A = arith.constant 1 : i32
      %ge3A_417 = arith.cmpi sge, %scan3A_411, %ge3A : i32
      %convert_element_type3A_418 = arith.extui %ge3A_417 : i1 to i32
      %cond3A_419 = arith.constant 0 : i32
      %cond3A_420 = arith.cmpi ne, %convert_element_type3A_418, %cond3A_419 : i32
      scf.if %cond3A_420 {
        %dma_wait3A_466 = arith.constant 0 : i32
        %dma_wait3A_467 = arith.constant 0 : i32
        %dma_wait3A_468 = tpu.memref_slice %arg22[%dma_wait3A_466, %dma_wait3A_467] : memref<10240x128xf32, #tpu.memory_space<vmem_shared>> -> memref<10240x128xf32, #tpu.memory_space<vmem_shared>>
        tpu.wait_indirect_dma semaphore(%arg27 : memref<!tpu.dma_semaphore, #tpu.memory_space<semaphore_mem>>) src(%arg17 : memref<128x128xf32, #tpu.memory_space<vmem>>) dst(%dma_wait3A_468 : memref<10240x128xf32, #tpu.memory_space<vmem_shared>>)
        %dma_wait3A_469 = arith.constant 0 : i32
        %dma_wait3A_470 = tpu.memref_slice %arg23[%dma_wait3A_469] : memref<10240xf32, #tpu.memory_space<vmem_shared>> -> memref<10240xf32, #tpu.memory_space<vmem_shared>>
        tpu.wait_indirect_dma semaphore(%arg27 : memref<!tpu.dma_semaphore, #tpu.memory_space<semaphore_mem>>) src(%arg18 : memref<128xf32, #tpu.memory_space<vmem>>) dst(%dma_wait3A_470 : memref<10240xf32, #tpu.memory_space<vmem_shared>>)
      } else {
      }
      %add3A_421 = arith.constant 128 : i32
      %add3A_422 = arith.addi %add3A_416, %add3A_421 : i32
      %dma_start3A_423 = tpu.memref_slice %arg7[%add3A_422] : memref<320000xi32, #tpu.memory_space<hbm>> -> memref<128xi32, #tpu.memory_space<hbm>>
      %dma_start3A_424 = tpu.memref_slice %arg7[%add3A_422] : memref<320000xi32, #tpu.memory_space<hbm>> -> memref<128xi32, #tpu.memory_space<hbm>>
      tpu.enqueue_dma source(%dma_start3A_424 : memref<128xi32, #tpu.memory_space<hbm>>) target(%arg15 : memref<128xi32, #tpu.memory_space<vmem>>) target_semaphore(%arg25 : memref<!tpu.dma_semaphore, #tpu.memory_space<semaphore_mem>>)
      %dma_start3A_425 = arith.constant 0 : i32
      %dma_start3A_426 = tpu.memref_slice %arg6[%add3A_422, %dma_start3A_425] : memref<320000x128xf32, #tpu.memory_space<hbm>> -> memref<128x128xf32, #tpu.memory_space<hbm>>
      %dma_start3A_427 = arith.constant 0 : i32
      %dma_start3A_428 = tpu.memref_slice %arg6[%add3A_422, %dma_start3A_427] : memref<320000x128xf32, #tpu.memory_space<hbm>> -> memref<128x128xf32, #tpu.memory_space<hbm>>
      tpu.enqueue_dma source(%dma_start3A_428 : memref<128x128xf32, #tpu.memory_space<hbm>>) target(%arg17 : memref<128x128xf32, #tpu.memory_space<vmem>>) target_semaphore(%arg25 : memref<!tpu.dma_semaphore, #tpu.memory_space<semaphore_mem>>)
      %dma_wait3A_429 = tpu.memref_slice %arg7[%add3A_416] : memref<320000xi32, #tpu.memory_space<hbm>> -> memref<128xi32, #tpu.memory_space<hbm>>
      %dma_wait3A_430 = tpu.memref_slice %arg7[%add3A_416] : memref<320000xi32, #tpu.memory_space<hbm>> -> memref<128xi32, #tpu.memory_space<hbm>>
      tpu.wait_dma2 semaphore(%arg24 : memref<!tpu.dma_semaphore, #tpu.memory_space<semaphore_mem>>) src(%dma_wait3A_430 : memref<128xi32, #tpu.memory_space<hbm>>) dst(%arg14 : memref<128xi32, #tpu.memory_space<vmem>>)
      %dma_wait3A_431 = arith.constant 0 : i32
      %dma_wait3A_432 = tpu.memref_slice %arg6[%add3A_416, %dma_wait3A_431] : memref<320000x128xf32, #tpu.memory_space<hbm>> -> memref<128x128xf32, #tpu.memory_space<hbm>>
      %dma_wait3A_433 = arith.constant 0 : i32
      %dma_wait3A_434 = tpu.memref_slice %arg6[%add3A_416, %dma_wait3A_433] : memref<320000x128xf32, #tpu.memory_space<hbm>> -> memref<128x128xf32, #tpu.memory_space<hbm>>
      tpu.wait_dma2 semaphore(%arg24 : memref<!tpu.dma_semaphore, #tpu.memory_space<semaphore_mem>>) src(%dma_wait3A_434 : memref<128x128xf32, #tpu.memory_space<hbm>>) dst(%arg16 : memref<128x128xf32, #tpu.memory_space<vmem>>)
      %dma_start3A_435 = arith.constant 0 : i32
      %dma_start3A_436 = arith.constant 0 : i32
      %dma_start3A_437 = tpu.memref_slice %arg22[%dma_start3A_435, %dma_start3A_436] : memref<10240x128xf32, #tpu.memory_space<vmem_shared>> -> memref<10240x128xf32, #tpu.memory_space<vmem_shared>>
      tpu.enqueue_indirect_dma source(%arg16 : memref<128x128xf32, #tpu.memory_space<vmem>>) target(%dma_start3A_437 : memref<10240x128xf32, #tpu.memory_space<vmem_shared>>) offsets(%arg14 : memref<128xi32, #tpu.memory_space<vmem>>) semaphore(%arg26 : memref<!tpu.dma_semaphore, #tpu.memory_space<semaphore_mem>>) {add = true}
      %dma_start3A_438 = arith.constant 0 : i32
      %dma_start3A_439 = tpu.memref_slice %arg23[%dma_start3A_438] : memref<10240xf32, #tpu.memory_space<vmem_shared>> -> memref<10240xf32, #tpu.memory_space<vmem_shared>>
      tpu.enqueue_indirect_dma source(%arg18 : memref<128xf32, #tpu.memory_space<vmem>>) target(%dma_start3A_439 : memref<10240xf32, #tpu.memory_space<vmem_shared>>) offsets(%arg14 : memref<128xi32, #tpu.memory_space<vmem>>) semaphore(%arg26 : memref<!tpu.dma_semaphore, #tpu.memory_space<semaphore_mem>>) {add = true}
      %dma_wait3A_440 = arith.constant 0 : i32
      %dma_wait3A_441 = arith.constant 0 : i32
      %dma_wait3A_442 = tpu.memref_slice %arg22[%dma_wait3A_440, %dma_wait3A_441] : memref<10240x128xf32, #tpu.memory_space<vmem_shared>> -> memref<10240x128xf32, #tpu.memory_space<vmem_shared>>
      tpu.wait_indirect_dma semaphore(%arg26 : memref<!tpu.dma_semaphore, #tpu.memory_space<semaphore_mem>>) src(%arg16 : memref<128x128xf32, #tpu.memory_space<vmem>>) dst(%dma_wait3A_442 : memref<10240x128xf32, #tpu.memory_space<vmem_shared>>)
      %dma_wait3A_443 = arith.constant 0 : i32
      %dma_wait3A_444 = tpu.memref_slice %arg23[%dma_wait3A_443] : memref<10240xf32, #tpu.memory_space<vmem_shared>> -> memref<10240xf32, #tpu.memory_space<vmem_shared>>
      tpu.wait_indirect_dma semaphore(%arg26 : memref<!tpu.dma_semaphore, #tpu.memory_space<semaphore_mem>>) src(%arg18 : memref<128xf32, #tpu.memory_space<vmem>>) dst(%dma_wait3A_444 : memref<10240xf32, #tpu.memory_space<vmem_shared>>)
      %add3A_445 = arith.constant 256 : i32
      %add3A_446 = arith.addi %add3A_416, %add3A_445 : i32
      %dma_start3A_447 = tpu.memref_slice %arg7[%add3A_446] : memref<320000xi32, #tpu.memory_space<hbm>> -> memref<128xi32, #tpu.memory_space<hbm>>
      %dma_start3A_448 = tpu.memref_slice %arg7[%add3A_446] : memref<320000xi32, #tpu.memory_space<hbm>> -> memref<128xi32, #tpu.memory_space<hbm>>
      tpu.enqueue_dma source(%dma_start3A_448 : memref<128xi32, #tpu.memory_space<hbm>>) target(%arg14 : memref<128xi32, #tpu.memory_space<vmem>>) target_semaphore(%arg24 : memref<!tpu.dma_semaphore, #tpu.memory_space<semaphore_mem>>)
      %dma_start3A_449 = arith.constant 0 : i32
      %dma_start3A_450 = tpu.memref_slice %arg6[%add3A_446, %dma_start3A_449] : memref<320000x128xf32, #tpu.memory_space<hbm>> -> memref<128x128xf32, #tpu.memory_space<hbm>>
      %dma_start3A_451 = arith.constant 0 : i32
      %dma_start3A_452 = tpu.memref_slice %arg6[%add3A_446, %dma_start3A_451] : memref<320000x128xf32, #tpu.memory_space<hbm>> -> memref<128x128xf32, #tpu.memory_space<hbm>>
      tpu.enqueue_dma source(%dma_start3A_452 : memref<128x128xf32, #tpu.memory_space<hbm>>) target(%arg16 : memref<128x128xf32, #tpu.memory_space<vmem>>) target_semaphore(%arg24 : memref<!tpu.dma_semaphore, #tpu.memory_space<semaphore_mem>>)
      %add3A_453 = arith.constant 128 : i32
      %add3A_454 = arith.addi %add3A_416, %add3A_453 : i32
      %dma_wait3A_455 = tpu.memref_slice %arg7[%add3A_454] : memref<320000xi32, #tpu.memory_space<hbm>> -> memref<128xi32, #tpu.memory_space<hbm>>
      %dma_wait3A_456 = tpu.memref_slice %arg7[%add3A_454] : memref<320000xi32, #tpu.memory_space<hbm>> -> memref<128xi32, #tpu.memory_space<hbm>>
      tpu.wait_dma2 semaphore(%arg25 : memref<!tpu.dma_semaphore, #tpu.memory_space<semaphore_mem>>) src(%dma_wait3A_456 : memref<128xi32, #tpu.memory_space<hbm>>) dst(%arg15 : memref<128xi32, #tpu.memory_space<vmem>>)
      %dma_wait3A_457 = arith.constant 0 : i32
      %dma_wait3A_458 = tpu.memref_slice %arg6[%add3A_454, %dma_wait3A_457] : memref<320000x128xf32, #tpu.memory_space<hbm>> -> memref<128x128xf32, #tpu.memory_space<hbm>>
      %dma_wait3A_459 = arith.constant 0 : i32
      %dma_wait3A_460 = tpu.memref_slice %arg6[%add3A_454, %dma_wait3A_459] : memref<320000x128xf32, #tpu.memory_space<hbm>> -> memref<128x128xf32, #tpu.memory_space<hbm>>
      tpu.wait_dma2 semaphore(%arg25 : memref<!tpu.dma_semaphore, #tpu.memory_space<semaphore_mem>>) src(%dma_wait3A_460 : memref<128x128xf32, #tpu.memory_space<hbm>>) dst(%arg17 : memref<128x128xf32, #tpu.memory_space<vmem>>)
      %dma_start3A_461 = arith.constant 0 : i32
      %dma_start3A_462 = arith.constant 0 : i32
      %dma_start3A_463 = tpu.memref_slice %arg22[%dma_start3A_461, %dma_start3A_462] : memref<10240x128xf32, #tpu.memory_space<vmem_shared>> -> memref<10240x128xf32, #tpu.memory_space<vmem_shared>>
      tpu.enqueue_indirect_dma source(%arg17 : memref<128x128xf32, #tpu.memory_space<vmem>>) target(%dma_start3A_463 : memref<10240x128xf32, #tpu.memory_space<vmem_shared>>) offsets(%arg15 : memref<128xi32, #tpu.memory_space<vmem>>) semaphore(%arg27 : memref<!tpu.dma_semaphore, #tpu.memory_space<semaphore_mem>>) {add = true}
      %dma_start3A_464 = arith.constant 0 : i32
      %dma_start3A_465 = tpu.memref_slice %arg23[%dma_start3A_464] : memref<10240xf32, #tpu.memory_space<vmem_shared>> -> memref<10240xf32, #tpu.memory_space<vmem_shared>>
      tpu.enqueue_indirect_dma source(%arg18 : memref<128xf32, #tpu.memory_space<vmem>>) target(%dma_start3A_465 : memref<10240xf32, #tpu.memory_space<vmem_shared>>) offsets(%arg15 : memref<128xi32, #tpu.memory_space<vmem>>) semaphore(%arg27 : memref<!tpu.dma_semaphore, #tpu.memory_space<semaphore_mem>>) {add = true}
    }
    %scan3A_309 = arith.constant 38 : i32
    %dma_wait3A_310 = arith.constant 0 : i32
    %dma_wait3A_311 = arith.constant 0 : i32
    %dma_wait3A_312 = tpu.memref_slice %arg22[%dma_wait3A_310, %dma_wait3A_311] : memref<10240x128xf32, #tpu.memory_space<vmem_shared>> -> memref<10240x128xf32, #tpu.memory_space<vmem_shared>>
    tpu.wait_indirect_dma semaphore(%arg27 : memref<!tpu.dma_semaphore, #tpu.memory_space<semaphore_mem>>) src(%arg17 : memref<128x128xf32, #tpu.memory_space<vmem>>) dst(%dma_wait3A_312 : memref<10240x128xf32, #tpu.memory_space<vmem_shared>>)
    %dma_wait3A_313 = arith.constant 0 : i32
    %dma_wait3A_314 = tpu.memref_slice %arg23[%dma_wait3A_313] : memref<10240xf32, #tpu.memory_space<vmem_shared>> -> memref<10240xf32, #tpu.memory_space<vmem_shared>>
    tpu.wait_indirect_dma semaphore(%arg27 : memref<!tpu.dma_semaphore, #tpu.memory_space<semaphore_mem>>) src(%arg18 : memref<128xf32, #tpu.memory_space<vmem>>) dst(%dma_wait3A_314 : memref<10240xf32, #tpu.memory_space<vmem_shared>>)
    %add3A_315 = arith.constant 9856 : i32
    %add3A_316 = arith.addi %mul3A_2, %add3A_315 : i32
    %dma_start3A_317 = tpu.memref_slice %arg7[%add3A_316] : memref<320000xi32, #tpu.memory_space<hbm>> -> memref<128xi32, #tpu.memory_space<hbm>>
    %dma_start3A_318 = tpu.memref_slice %arg7[%add3A_316] : memref<320000xi32, #tpu.memory_space<hbm>> -> memref<128xi32, #tpu.memory_space<hbm>>
    tpu.enqueue_dma source(%dma_start3A_318 : memref<128xi32, #tpu.memory_space<hbm>>) target(%arg15 : memref<128xi32, #tpu.memory_space<vmem>>) target_semaphore(%arg25 : memref<!tpu.dma_semaphore, #tpu.memory_space<semaphore_mem>>)
    %dma_start3A_319 = arith.constant 0 : i32
    %dma_start3A_320 = tpu.memref_slice %arg6[%add3A_316, %dma_start3A_319] : memref<320000x128xf32, #tpu.memory_space<hbm>> -> memref<128x128xf32, #tpu.memory_space<hbm>>
    %dma_start3A_321 = arith.constant 0 : i32
    %dma_start3A_322 = tpu.memref_slice %arg6[%add3A_316, %dma_start3A_321] : memref<320000x128xf32, #tpu.memory_space<hbm>> -> memref<128x128xf32, #tpu.memory_space<hbm>>
    tpu.enqueue_dma source(%dma_start3A_322 : memref<128x128xf32, #tpu.memory_space<hbm>>) target(%arg17 : memref<128x128xf32, #tpu.memory_space<vmem>>) target_semaphore(%arg25 : memref<!tpu.dma_semaphore, #tpu.memory_space<semaphore_mem>>)
    %add3A_323 = arith.constant 9728 : i32
    %add3A_324 = arith.addi %mul3A_2, %add3A_323 : i32
    %dma_wait3A_325 = tpu.memref_slice %arg7[%add3A_324] : memref<320000xi32, #tpu.memory_space<hbm>> -> memref<128xi32, #tpu.memory_space<hbm>>
    %dma_wait3A_326 = tpu.memref_slice %arg7[%add3A_324] : memref<320000xi32, #tpu.memory_space<hbm>> -> memref<128xi32, #tpu.memory_space<hbm>>
    tpu.wait_dma2 semaphore(%arg24 : memref<!tpu.dma_semaphore, #tpu.memory_space<semaphore_mem>>) src(%dma_wait3A_326 : memref<128xi32, #tpu.memory_space<hbm>>) dst(%arg14 : memref<128xi32, #tpu.memory_space<vmem>>)
    %dma_wait3A_327 = arith.constant 0 : i32
    %dma_wait3A_328 = tpu.memref_slice %arg6[%add3A_324, %dma_wait3A_327] : memref<320000x128xf32, #tpu.memory_space<hbm>> -> memref<128x128xf32, #tpu.memory_space<hbm>>
    %dma_wait3A_329 = arith.constant 0 : i32
    %dma_wait3A_330 = tpu.memref_slice %arg6[%add3A_324, %dma_wait3A_329] : memref<320000x128xf32, #tpu.memory_space<hbm>> -> memref<128x128xf32, #tpu.memory_space<hbm>>
    tpu.wait_dma2 semaphore(%arg24 : memref<!tpu.dma_semaphore, #tpu.memory_space<semaphore_mem>>) src(%dma_wait3A_330 : memref<128x128xf32, #tpu.memory_space<hbm>>) dst(%arg16 : memref<128x128xf32, #tpu.memory_space<vmem>>)
    %dma_start3A_331 = arith.constant 0 : i32
    %dma_start3A_332 = arith.constant 0 : i32
    %dma_start3A_333 = tpu.memref_slice %arg22[%dma_start3A_331, %dma_start3A_332] : memref<10240x128xf32, #tpu.memory_space<vmem_shared>> -> memref<10240x128xf32, #tpu.memory_space<vmem_shared>>
    tpu.enqueue_indirect_dma source(%arg16 : memref<128x128xf32, #tpu.memory_space<vmem>>) target(%dma_start3A_333 : memref<10240x128xf32, #tpu.memory_space<vmem_shared>>) offsets(%arg14 : memref<128xi32, #tpu.memory_space<vmem>>) semaphore(%arg26 : memref<!tpu.dma_semaphore, #tpu.memory_space<semaphore_mem>>) {add = true}
    %dma_start3A_334 = arith.constant 0 : i32
    %dma_start3A_335 = tpu.memref_slice %arg23[%dma_start3A_334] : memref<10240xf32, #tpu.memory_space<vmem_shared>> -> memref<10240xf32, #tpu.memory_space<vmem_shared>>
    tpu.enqueue_indirect_dma source(%arg18 : memref<128xf32, #tpu.memory_space<vmem>>) target(%dma_start3A_335 : memref<10240xf32, #tpu.memory_space<vmem_shared>>) offsets(%arg14 : memref<128xi32, #tpu.memory_space<vmem>>) semaphore(%arg26 : memref<!tpu.dma_semaphore, #tpu.memory_space<semaphore_mem>>) {add = true}
    %add3A_336 = arith.constant 9984 : i32
    %add3A_337 = arith.addi %mul3A_2, %add3A_336 : i32
    %dma_start3A_338 = tpu.memref_slice %arg7[%add3A_337] : memref<320000xi32, #tpu.memory_space<hbm>> -> memref<16xi32, #tpu.memory_space<hbm>>
    %dma_start3A_339 = tpu.memref_slice %arg7[%add3A_337] : memref<320000xi32, #tpu.memory_space<hbm>> -> memref<16xi32, #tpu.memory_space<hbm>>
    tpu.enqueue_dma source(%dma_start3A_339 : memref<16xi32, #tpu.memory_space<hbm>>) target(%arg19 : memref<16xi32, #tpu.memory_space<vmem>>) target_semaphore(%arg24 : memref<!tpu.dma_semaphore, #tpu.memory_space<semaphore_mem>>)
    %dma_start3A_340 = arith.constant 0 : i32
    %dma_start3A_341 = tpu.memref_slice %arg6[%add3A_337, %dma_start3A_340] : memref<320000x128xf32, #tpu.memory_space<hbm>> -> memref<16x128xf32, #tpu.memory_space<hbm>>
    %dma_start3A_342 = arith.constant 0 : i32
    %dma_start3A_343 = tpu.memref_slice %arg6[%add3A_337, %dma_start3A_342] : memref<320000x128xf32, #tpu.memory_space<hbm>> -> memref<16x128xf32, #tpu.memory_space<hbm>>
    tpu.enqueue_dma source(%dma_start3A_343 : memref<16x128xf32, #tpu.memory_space<hbm>>) target(%arg20 : memref<16x128xf32, #tpu.memory_space<vmem>>) target_semaphore(%arg24 : memref<!tpu.dma_semaphore, #tpu.memory_space<semaphore_mem>>)
    %dma_wait3A_344 = arith.constant 0 : i32
    %dma_wait3A_345 = arith.constant 0 : i32
    %dma_wait3A_346 = tpu.memref_slice %arg22[%dma_wait3A_344, %dma_wait3A_345] : memref<10240x128xf32, #tpu.memory_space<vmem_shared>> -> memref<10240x128xf32, #tpu.memory_space<vmem_shared>>
    tpu.wait_indirect_dma semaphore(%arg26 : memref<!tpu.dma_semaphore, #tpu.memory_space<semaphore_mem>>) src(%arg16 : memref<128x128xf32, #tpu.memory_space<vmem>>) dst(%dma_wait3A_346 : memref<10240x128xf32, #tpu.memory_space<vmem_shared>>)
    %dma_wait3A_347 = arith.constant 0 : i32
    %dma_wait3A_348 = tpu.memref_slice %arg23[%dma_wait3A_347] : memref<10240xf32, #tpu.memory_space<vmem_shared>> -> memref<10240xf32, #tpu.memory_space<vmem_shared>>
    tpu.wait_indirect_dma semaphore(%arg26 : memref<!tpu.dma_semaphore, #tpu.memory_space<semaphore_mem>>) src(%arg18 : memref<128xf32, #tpu.memory_space<vmem>>) dst(%dma_wait3A_348 : memref<10240xf32, #tpu.memory_space<vmem_shared>>)
    %add3A_349 = arith.constant 9856 : i32
    %add3A_350 = arith.addi %mul3A_2, %add3A_349 : i32
    %dma_wait3A_351 = tpu.memref_slice %arg7[%add3A_350] : memref<320000xi32, #tpu.memory_space<hbm>> -> memref<128xi32, #tpu.memory_space<hbm>>
    %dma_wait3A_352 = tpu.memref_slice %arg7[%add3A_350] : memref<320000xi32, #tpu.memory_space<hbm>> -> memref<128xi32, #tpu.memory_space<hbm>>
    tpu.wait_dma2 semaphore(%arg25 : memref<!tpu.dma_semaphore, #tpu.memory_space<semaphore_mem>>) src(%dma_wait3A_352 : memref<128xi32, #tpu.memory_space<hbm>>) dst(%arg15 : memref<128xi32, #tpu.memory_space<vmem>>)
    %dma_wait3A_353 = arith.constant 0 : i32
    %dma_wait3A_354 = tpu.memref_slice %arg6[%add3A_350, %dma_wait3A_353] : memref<320000x128xf32, #tpu.memory_space<hbm>> -> memref<128x128xf32, #tpu.memory_space<hbm>>
    %dma_wait3A_355 = arith.constant 0 : i32
    %dma_wait3A_356 = tpu.memref_slice %arg6[%add3A_350, %dma_wait3A_355] : memref<320000x128xf32, #tpu.memory_space<hbm>> -> memref<128x128xf32, #tpu.memory_space<hbm>>
    tpu.wait_dma2 semaphore(%arg25 : memref<!tpu.dma_semaphore, #tpu.memory_space<semaphore_mem>>) src(%dma_wait3A_356 : memref<128x128xf32, #tpu.memory_space<hbm>>) dst(%arg17 : memref<128x128xf32, #tpu.memory_space<vmem>>)
    %dma_start3A_357 = arith.constant 0 : i32
    %dma_start3A_358 = arith.constant 0 : i32
    %dma_start3A_359 = tpu.memref_slice %arg22[%dma_start3A_357, %dma_start3A_358] : memref<10240x128xf32, #tpu.memory_space<vmem_shared>> -> memref<10240x128xf32, #tpu.memory_space<vmem_shared>>
    tpu.enqueue_indirect_dma source(%arg17 : memref<128x128xf32, #tpu.memory_space<vmem>>) target(%dma_start3A_359 : memref<10240x128xf32, #tpu.memory_space<vmem_shared>>) offsets(%arg15 : memref<128xi32, #tpu.memory_space<vmem>>) semaphore(%arg27 : memref<!tpu.dma_semaphore, #tpu.memory_space<semaphore_mem>>) {add = true}
    %dma_start3A_360 = arith.constant 0 : i32
    %dma_start3A_361 = tpu.memref_slice %arg23[%dma_start3A_360] : memref<10240xf32, #tpu.memory_space<vmem_shared>> -> memref<10240xf32, #tpu.memory_space<vmem_shared>>
    tpu.enqueue_indirect_dma source(%arg18 : memref<128xf32, #tpu.memory_space<vmem>>) target(%dma_start3A_361 : memref<10240xf32, #tpu.memory_space<vmem_shared>>) offsets(%arg15 : memref<128xi32, #tpu.memory_space<vmem>>) semaphore(%arg27 : memref<!tpu.dma_semaphore, #tpu.memory_space<semaphore_mem>>) {add = true}
    %dma_wait3A_362 = arith.constant 0 : i32
    %dma_wait3A_363 = arith.constant 0 : i32
    %dma_wait3A_364 = tpu.memref_slice %arg22[%dma_wait3A_362, %dma_wait3A_363] : memref<10240x128xf32, #tpu.memory_space<vmem_shared>> -> memref<10240x128xf32, #tpu.memory_space<vmem_shared>>
    tpu.wait_indirect_dma semaphore(%arg27 : memref<!tpu.dma_semaphore, #tpu.memory_space<semaphore_mem>>) src(%arg17 : memref<128x128xf32, #tpu.memory_space<vmem>>) dst(%dma_wait3A_364 : memref<10240x128xf32, #tpu.memory_space<vmem_shared>>)
    %dma_wait3A_365 = arith.constant 0 : i32
    %dma_wait3A_366 = tpu.memref_slice %arg23[%dma_wait3A_365] : memref<10240xf32, #tpu.memory_space<vmem_shared>> -> memref<10240xf32, #tpu.memory_space<vmem_shared>>
    tpu.wait_indirect_dma semaphore(%arg27 : memref<!tpu.dma_semaphore, #tpu.memory_space<semaphore_mem>>) src(%arg18 : memref<128xf32, #tpu.memory_space<vmem>>) dst(%dma_wait3A_366 : memref<10240xf32, #tpu.memory_space<vmem_shared>>)
    %dma_wait3A_367 = tpu.memref_slice %arg7[%add3A_337] : memref<320000xi32, #tpu.memory_space<hbm>> -> memref<16xi32, #tpu.memory_space<hbm>>
    %dma_wait3A_368 = tpu.memref_slice %arg7[%add3A_337] : memref<320000xi32, #tpu.memory_space<hbm>> -> memref<16xi32, #tpu.memory_space<hbm>>
    tpu.wait_dma2 semaphore(%arg24 : memref<!tpu.dma_semaphore, #tpu.memory_space<semaphore_mem>>) src(%dma_wait3A_368 : memref<16xi32, #tpu.memory_space<hbm>>) dst(%arg19 : memref<16xi32, #tpu.memory_space<vmem>>)
    %dma_wait3A_369 = arith.constant 0 : i32
    %dma_wait3A_370 = tpu.memref_slice %arg6[%add3A_337, %dma_wait3A_369] : memref<320000x128xf32, #tpu.memory_space<hbm>> -> memref<16x128xf32, #tpu.memory_space<hbm>>
    %dma_wait3A_371 = arith.constant 0 : i32
    %dma_wait3A_372 = tpu.memref_slice %arg6[%add3A_337, %dma_wait3A_371] : memref<320000x128xf32, #tpu.memory_space<hbm>> -> memref<16x128xf32, #tpu.memory_space<hbm>>
    tpu.wait_dma2 semaphore(%arg24 : memref<!tpu.dma_semaphore, #tpu.memory_space<semaphore_mem>>) src(%dma_wait3A_372 : memref<16x128xf32, #tpu.memory_space<hbm>>) dst(%arg20 : memref<16x128xf32, #tpu.memory_space<vmem>>)
    "tpu.region"() ({
      %run_scoped3A = tpu.sem_alloc : memref<!tpu.dma_semaphore, #tpu.memory_space<semaphore_mem>>
      %dma_start3A_411 = arith.constant 0 : i32
      %dma_start3A_412 = arith.constant 0 : i32
      %dma_start3A_413 = tpu.memref_slice %arg22[%dma_start3A_411, %dma_start3A_412] : memref<10240x128xf32, #tpu.memory_space<vmem_shared>> -> memref<10240x128xf32, #tpu.memory_space<vmem_shared>>
      tpu.enqueue_indirect_dma source(%arg20 : memref<16x128xf32, #tpu.memory_space<vmem>>) target(%dma_start3A_413 : memref<10240x128xf32, #tpu.memory_space<vmem_shared>>) offsets(%arg19 : memref<16xi32, #tpu.memory_space<vmem>>) semaphore(%run_scoped3A : memref<!tpu.dma_semaphore, #tpu.memory_space<semaphore_mem>>) {add = true}
      %dma_wait3A_414 = arith.constant 0 : i32
      %dma_wait3A_415 = arith.constant 0 : i32
      %dma_wait3A_416 = tpu.memref_slice %arg22[%dma_wait3A_414, %dma_wait3A_415] : memref<10240x128xf32, #tpu.memory_space<vmem_shared>> -> memref<10240x128xf32, #tpu.memory_space<vmem_shared>>
      tpu.wait_indirect_dma semaphore(%run_scoped3A : memref<!tpu.dma_semaphore, #tpu.memory_space<semaphore_mem>>) src(%arg20 : memref<16x128xf32, #tpu.memory_space<vmem>>) dst(%dma_wait3A_416 : memref<10240x128xf32, #tpu.memory_space<vmem_shared>>)
      tpu.yield
    }) : () -> ()
    "tpu.region"() ({
      %run_scoped3A = tpu.sem_alloc : memref<!tpu.dma_semaphore, #tpu.memory_space<semaphore_mem>>
      %dma_start3A_411 = arith.constant 0 : i32
      %dma_start3A_412 = tpu.memref_slice %arg23[%dma_start3A_411] : memref<10240xf32, #tpu.memory_space<vmem_shared>> -> memref<10240xf32, #tpu.memory_space<vmem_shared>>
      tpu.enqueue_indirect_dma source(%arg21 : memref<16xf32, #tpu.memory_space<vmem>>) target(%dma_start3A_412 : memref<10240xf32, #tpu.memory_space<vmem_shared>>) offsets(%arg19 : memref<16xi32, #tpu.memory_space<vmem>>) semaphore(%run_scoped3A : memref<!tpu.dma_semaphore, #tpu.memory_space<semaphore_mem>>) {add = true}
      %dma_wait3A_413 = arith.constant 0 : i32
      %dma_wait3A_414 = tpu.memref_slice %arg23[%dma_wait3A_413] : memref<10240xf32, #tpu.memory_space<vmem_shared>> -> memref<10240xf32, #tpu.memory_space<vmem_shared>>
      tpu.wait_indirect_dma semaphore(%run_scoped3A : memref<!tpu.dma_semaphore, #tpu.memory_space<semaphore_mem>>) src(%arg21 : memref<16xf32, #tpu.memory_space<vmem>>) dst(%dma_wait3A_414 : memref<10240xf32, #tpu.memory_space<vmem_shared>>)
      tpu.yield
    }) : () -> ()
    %barrier3A_373 = arith.constant 0 : index
    tpu.barrier barrier_id(%barrier3A_373)
    %mul3A_374 = arith.constant 3 : i32
    %mul3A_375 = arith.muli %arg0, %mul3A_374 : i32
    %add3A_376 = arith.constant 2 : i32
    %add3A_377 = arith.addi %mul3A_375, %add3A_376 : i32
    %mul3A_378 = arith.constant 10240 : i32
    %mul3A_379 = arith.muli %add3A_377, %mul3A_378 : i32
    %mul3A_380 = arith.constant 640 : i32
    %mul3A_381 = arith.muli %arg1, %mul3A_380 : i32
    %add3A_382 = arith.constant 0 : i32
    %add3A_383 = arith.addi %mul3A_381, %add3A_382 : i32
    %add3A_384 = arith.addi %mul3A_379, %add3A_383 : i32
    "tpu.region"() ({
      %run_scoped3A = tpu.sem_alloc : memref<!tpu.dma_semaphore, #tpu.memory_space<semaphore_mem>>
      %dma_start3A_411 = arith.constant 0 : i32
      %dma_start3A_412 = tpu.memref_slice %arg12[%add3A_384, %dma_start3A_411] : memref<61440x128xf32, #tpu.memory_space<hbm>> -> memref<128x128xf32, #tpu.memory_space<hbm>>
      %dma_start3A_413 = arith.constant 0 : i32
      %dma_start3A_414 = tpu.memref_slice %arg22[%add3A_383, %dma_start3A_413] : memref<10240x128xf32, #tpu.memory_space<vmem_shared>> -> memref<128x128xf32, #tpu.memory_space<vmem_shared>>
      tpu.enqueue_dma source(%dma_start3A_414 : memref<128x128xf32, #tpu.memory_space<vmem_shared>>) target(%dma_start3A_412 : memref<128x128xf32, #tpu.memory_space<hbm>>) target_semaphore(%run_scoped3A : memref<!tpu.dma_semaphore, #tpu.memory_space<semaphore_mem>>)
      %dma_wait3A_415 = arith.constant 0 : i32
      %dma_wait3A_416 = tpu.memref_slice %arg12[%add3A_384, %dma_wait3A_415] : memref<61440x128xf32, #tpu.memory_space<hbm>> -> memref<128x128xf32, #tpu.memory_space<hbm>>
      %dma_wait3A_417 = arith.constant 0 : i32
      %dma_wait3A_418 = tpu.memref_slice %arg22[%add3A_383, %dma_wait3A_417] : memref<10240x128xf32, #tpu.memory_space<vmem_shared>> -> memref<128x128xf32, #tpu.memory_space<vmem_shared>>
      tpu.wait_dma2 semaphore(%run_scoped3A : memref<!tpu.dma_semaphore, #tpu.memory_space<semaphore_mem>>) src(%dma_wait3A_418 : memref<128x128xf32, #tpu.memory_space<vmem_shared>>) dst(%dma_wait3A_416 : memref<128x128xf32, #tpu.memory_space<hbm>>)
      tpu.yield
    }) : () -> ()
    %mul3A_385 = arith.constant 640 : i32
    %mul3A_386 = arith.muli %arg1, %mul3A_385 : i32
    %add3A_387 = arith.constant 128 : i32
    %add3A_388 = arith.addi %mul3A_386, %add3A_387 : i32
    %add3A_389 = arith.addi %mul3A_379, %add3A_388 : i32
    "tpu.region"() ({
      %run_scoped3A = tpu.sem_alloc : memref<!tpu.dma_semaphore, #tpu.memory_space<semaphore_mem>>
      %dma_start3A_411 = arith.constant 0 : i32
      %dma_start3A_412 = tpu.memref_slice %arg12[%add3A_389, %dma_start3A_411] : memref<61440x128xf32, #tpu.memory_space<hbm>> -> memref<128x128xf32, #tpu.memory_space<hbm>>
      %dma_start3A_413 = arith.constant 0 : i32
      %dma_start3A_414 = tpu.memref_slice %arg22[%add3A_388, %dma_start3A_413] : memref<10240x128xf32, #tpu.memory_space<vmem_shared>> -> memref<128x128xf32, #tpu.memory_space<vmem_shared>>
      tpu.enqueue_dma source(%dma_start3A_414 : memref<128x128xf32, #tpu.memory_space<vmem_shared>>) target(%dma_start3A_412 : memref<128x128xf32, #tpu.memory_space<hbm>>) target_semaphore(%run_scoped3A : memref<!tpu.dma_semaphore, #tpu.memory_space<semaphore_mem>>)
      %dma_wait3A_415 = arith.constant 0 : i32
      %dma_wait3A_416 = tpu.memref_slice %arg12[%add3A_389, %dma_wait3A_415] : memref<61440x128xf32, #tpu.memory_space<hbm>> -> memref<128x128xf32, #tpu.memory_space<hbm>>
      %dma_wait3A_417 = arith.constant 0 : i32
      %dma_wait3A_418 = tpu.memref_slice %arg22[%add3A_388, %dma_wait3A_417] : memref<10240x128xf32, #tpu.memory_space<vmem_shared>> -> memref<128x128xf32, #tpu.memory_space<vmem_shared>>
      tpu.wait_dma2 semaphore(%run_scoped3A : memref<!tpu.dma_semaphore, #tpu.memory_space<semaphore_mem>>) src(%dma_wait3A_418 : memref<128x128xf32, #tpu.memory_space<vmem_shared>>) dst(%dma_wait3A_416 : memref<128x128xf32, #tpu.memory_space<hbm>>)
      tpu.yield
    }) : () -> ()
    %mul3A_390 = arith.constant 640 : i32
    %mul3A_391 = arith.muli %arg1, %mul3A_390 : i32
    %add3A_392 = arith.constant 256 : i32
    %add3A_393 = arith.addi %mul3A_391, %add3A_392 : i32
    %add3A_394 = arith.addi %mul3A_379, %add3A_393 : i32
    "tpu.region"() ({
      %run_scoped3A = tpu.sem_alloc : memref<!tpu.dma_semaphore, #tpu.memory_space<semaphore_mem>>
      %dma_start3A_411 = arith.constant 0 : i32
      %dma_start3A_412 = tpu.memref_slice %arg12[%add3A_394, %dma_start3A_411] : memref<61440x128xf32, #tpu.memory_space<hbm>> -> memref<128x128xf32, #tpu.memory_space<hbm>>
      %dma_start3A_413 = arith.constant 0 : i32
      %dma_start3A_414 = tpu.memref_slice %arg22[%add3A_393, %dma_start3A_413] : memref<10240x128xf32, #tpu.memory_space<vmem_shared>> -> memref<128x128xf32, #tpu.memory_space<vmem_shared>>
      tpu.enqueue_dma source(%dma_start3A_414 : memref<128x128xf32, #tpu.memory_space<vmem_shared>>) target(%dma_start3A_412 : memref<128x128xf32, #tpu.memory_space<hbm>>) target_semaphore(%run_scoped3A : memref<!tpu.dma_semaphore, #tpu.memory_space<semaphore_mem>>)
      %dma_wait3A_415 = arith.constant 0 : i32
      %dma_wait3A_416 = tpu.memref_slice %arg12[%add3A_394, %dma_wait3A_415] : memref<61440x128xf32, #tpu.memory_space<hbm>> -> memref<128x128xf32, #tpu.memory_space<hbm>>
      %dma_wait3A_417 = arith.constant 0 : i32
      %dma_wait3A_418 = tpu.memref_slice %arg22[%add3A_393, %dma_wait3A_417] : memref<10240x128xf32, #tpu.memory_space<vmem_shared>> -> memref<128x128xf32, #tpu.memory_space<vmem_shared>>
      tpu.wait_dma2 semaphore(%run_scoped3A : memref<!tpu.dma_semaphore, #tpu.memory_space<semaphore_mem>>) src(%dma_wait3A_418 : memref<128x128xf32, #tpu.memory_space<vmem_shared>>) dst(%dma_wait3A_416 : memref<128x128xf32, #tpu.memory_space<hbm>>)
      tpu.yield
    }) : () -> ()
    %mul3A_395 = arith.constant 640 : i32
    %mul3A_396 = arith.muli %arg1, %mul3A_395 : i32
    %add3A_397 = arith.constant 384 : i32
    %add3A_398 = arith.addi %mul3A_396, %add3A_397 : i32
    %add3A_399 = arith.addi %mul3A_379, %add3A_398 : i32
    "tpu.region"() ({
      %run_scoped3A = tpu.sem_alloc : memref<!tpu.dma_semaphore, #tpu.memory_space<semaphore_mem>>
      %dma_start3A_411 = arith.constant 0 : i32
      %dma_start3A_412 = tpu.memref_slice %arg12[%add3A_399, %dma_start3A_411] : memref<61440x128xf32, #tpu.memory_space<hbm>> -> memref<128x128xf32, #tpu.memory_space<hbm>>
      %dma_start3A_413 = arith.constant 0 : i32
      %dma_start3A_414 = tpu.memref_slice %arg22[%add3A_398, %dma_start3A_413] : memref<10240x128xf32, #tpu.memory_space<vmem_shared>> -> memref<128x128xf32, #tpu.memory_space<vmem_shared>>
      tpu.enqueue_dma source(%dma_start3A_414 : memref<128x128xf32, #tpu.memory_space<vmem_shared>>) target(%dma_start3A_412 : memref<128x128xf32, #tpu.memory_space<hbm>>) target_semaphore(%run_scoped3A : memref<!tpu.dma_semaphore, #tpu.memory_space<semaphore_mem>>)
      %dma_wait3A_415 = arith.constant 0 : i32
      %dma_wait3A_416 = tpu.memref_slice %arg12[%add3A_399, %dma_wait3A_415] : memref<61440x128xf32, #tpu.memory_space<hbm>> -> memref<128x128xf32, #tpu.memory_space<hbm>>
      %dma_wait3A_417 = arith.constant 0 : i32
      %dma_wait3A_418 = tpu.memref_slice %arg22[%add3A_398, %dma_wait3A_417] : memref<10240x128xf32, #tpu.memory_space<vmem_shared>> -> memref<128x128xf32, #tpu.memory_space<vmem_shared>>
      tpu.wait_dma2 semaphore(%run_scoped3A : memref<!tpu.dma_semaphore, #tpu.memory_space<semaphore_mem>>) src(%dma_wait3A_418 : memref<128x128xf32, #tpu.memory_space<vmem_shared>>) dst(%dma_wait3A_416 : memref<128x128xf32, #tpu.memory_space<hbm>>)
      tpu.yield
    }) : () -> ()
    %mul3A_400 = arith.constant 640 : i32
    %mul3A_401 = arith.muli %arg1, %mul3A_400 : i32
    %add3A_402 = arith.constant 512 : i32
    %add3A_403 = arith.addi %mul3A_401, %add3A_402 : i32
    %add3A_404 = arith.addi %mul3A_379, %add3A_403 : i32
    "tpu.region"() ({
      %run_scoped3A = tpu.sem_alloc : memref<!tpu.dma_semaphore, #tpu.memory_space<semaphore_mem>>
      %dma_start3A_411 = arith.constant 0 : i32
      %dma_start3A_412 = tpu.memref_slice %arg12[%add3A_404, %dma_start3A_411] : memref<61440x128xf32, #tpu.memory_space<hbm>> -> memref<128x128xf32, #tpu.memory_space<hbm>>
      %dma_start3A_413 = arith.constant 0 : i32
      %dma_start3A_414 = tpu.memref_slice %arg22[%add3A_403, %dma_start3A_413] : memref<10240x128xf32, #tpu.memory_space<vmem_shared>> -> memref<128x128xf32, #tpu.memory_space<vmem_shared>>
      tpu.enqueue_dma source(%dma_start3A_414 : memref<128x128xf32, #tpu.memory_space<vmem_shared>>) target(%dma_start3A_412 : memref<128x128xf32, #tpu.memory_space<hbm>>) target_semaphore(%run_scoped3A : memref<!tpu.dma_semaphore, #tpu.memory_space<semaphore_mem>>)
      %dma_wait3A_415 = arith.constant 0 : i32
      %dma_wait3A_416 = tpu.memref_slice %arg12[%add3A_404, %dma_wait3A_415] : memref<61440x128xf32, #tpu.memory_space<hbm>> -> memref<128x128xf32, #tpu.memory_space<hbm>>
      %dma_wait3A_417 = arith.constant 0 : i32
      %dma_wait3A_418 = tpu.memref_slice %arg22[%add3A_403, %dma_wait3A_417] : memref<10240x128xf32, #tpu.memory_space<vmem_shared>> -> memref<128x128xf32, #tpu.memory_space<vmem_shared>>
      tpu.wait_dma2 semaphore(%run_scoped3A : memref<!tpu.dma_semaphore, #tpu.memory_space<semaphore_mem>>) src(%dma_wait3A_418 : memref<128x128xf32, #tpu.memory_space<vmem_shared>>) dst(%dma_wait3A_416 : memref<128x128xf32, #tpu.memory_space<hbm>>)
      tpu.yield
    }) : () -> ()
    %eq3A_405 = arith.constant 0 : i32
    %eq3A_406 = arith.cmpi eq, %arg1, %eq3A_405 : i32
    %convert_element_type3A_407 = arith.extui %eq3A_406 : i1 to i32
    %cond3A_408 = arith.constant 0 : i32
    %cond3A_409 = arith.cmpi ne, %convert_element_type3A_407, %cond3A_408 : i32
    scf.if %cond3A_409 {
      "tpu.region"() ({
        %run_scoped3A = tpu.sem_alloc : memref<!tpu.dma_semaphore, #tpu.memory_space<semaphore_mem>>
        %dma_start3A_411 = tpu.memref_slice %arg13[%mul3A_379] : memref<61440xf32, #tpu.memory_space<hbm>> -> memref<10240xf32, #tpu.memory_space<hbm>>
        tpu.enqueue_dma source(%arg23 : memref<10240xf32, #tpu.memory_space<vmem_shared>>) target(%dma_start3A_411 : memref<10240xf32, #tpu.memory_space<hbm>>) target_semaphore(%run_scoped3A : memref<!tpu.dma_semaphore, #tpu.memory_space<semaphore_mem>>)
        %dma_wait3A_412 = tpu.memref_slice %arg13[%mul3A_379] : memref<61440xf32, #tpu.memory_space<hbm>> -> memref<10240xf32, #tpu.memory_space<hbm>>
        tpu.wait_dma2 semaphore(%run_scoped3A : memref<!tpu.dma_semaphore, #tpu.memory_space<semaphore_mem>>) src(%arg23 : memref<10240xf32, #tpu.memory_space<vmem_shared>>) dst(%dma_wait3A_412 : memref<10240xf32, #tpu.memory_space<hbm>>)
        tpu.yield
      }) : () -> ()
    } else {
    }
    %barrier3A_410 = arith.constant 0 : index
    tpu.barrier barrier_id(%barrier3A_410)
    return
  }
}

module attributes {stable_mosaic.version = 14 : i64} {
  func.func @_merge_body(%arg0: i32, %arg1: memref<2x3x1000x128xf32, #tpu.memory_space<vmem>>, %arg2: memref<2x3x1000x1xf32, #tpu.memory_space<vmem>>, %arg3: memref<1000x128xf32, #tpu.memory_space<vmem>>, %arg4: memref<1000x128xf32, #tpu.memory_space<vmem>>, %arg5: memref<1000x128xf32, #tpu.memory_space<vmem>>, %arg6: memref<1000x128xf32, #tpu.memory_space<vmem>>) attributes {dimension_semantics = [#tpu.dimension_semantics<arbitrary>], iteration_bounds = array<i64: 10>, scalar_prefetch = 0 : i64, scratch_operands = 0 : i64, tpu.core_type = #tpu.core_type<tc>, window_params = [{transform_indices = @transform_0, window_bounds = array<i64: 2, 3, 1000, 128>}, {transform_indices = @transform_1, window_bounds = array<i64: 2, 3, 1000, 1>}, {transform_indices = @transform_2, window_bounds = array<i64: 1000, 128>}, {transform_indices = @transform_3, window_bounds = array<i64: 1000, 128>}, {transform_indices = @transform_4, window_bounds = array<i64: 1000, 128>}, {transform_indices = @transform_5, window_bounds = array<i64: 1000, 128>}]} {
    %get3A = arith.constant 0 : index
    %get3A_0 = arith.constant 0 : index
    %get3A_1 = arith.constant 0 : index
    %get3A_2 = arith.constant 0 : index
    %get3A_3 = vector.load %arg1[%get3A, %get3A_0, %get3A_1, %get3A_2] : memref<2x3x1000x128xf32, #tpu.memory_space<vmem>>, vector<1x1x1000x128xf32>
    %get3A_4 = vector.shape_cast %get3A_3 : vector<1x1x1000x128xf32> to vector<1000x128xf32>
    %get3A_5 = arith.constant 1 : index
    %get3A_6 = arith.constant 0 : index
    %get3A_7 = arith.constant 0 : index
    %get3A_8 = arith.constant 0 : index
    %get3A_9 = vector.load %arg1[%get3A_5, %get3A_6, %get3A_7, %get3A_8] : memref<2x3x1000x128xf32, #tpu.memory_space<vmem>>, vector<1x1x1000x128xf32>
    %get3A_10 = vector.shape_cast %get3A_9 : vector<1x1x1000x128xf32> to vector<1000x128xf32>
    %add3A = arith.addf %get3A_4, %get3A_10 : vector<1000x128xf32>
    %get3A_11 = arith.constant 0 : index
    %get3A_12 = arith.constant 1 : index
    %get3A_13 = arith.constant 0 : index
    %get3A_14 = arith.constant 0 : index
    %get3A_15 = vector.load %arg1[%get3A_11, %get3A_12, %get3A_13, %get3A_14] : memref<2x3x1000x128xf32, #tpu.memory_space<vmem>>, vector<1x1x1000x128xf32>
    %get3A_16 = vector.shape_cast %get3A_15 : vector<1x1x1000x128xf32> to vector<1000x128xf32>
    %get3A_17 = arith.constant 1 : index
    %get3A_18 = arith.constant 1 : index
    %get3A_19 = arith.constant 0 : index
    %get3A_20 = arith.constant 0 : index
    %get3A_21 = vector.load %arg1[%get3A_17, %get3A_18, %get3A_19, %get3A_20] : memref<2x3x1000x128xf32, #tpu.memory_space<vmem>>, vector<1x1x1000x128xf32>
    %get3A_22 = vector.shape_cast %get3A_21 : vector<1x1x1000x128xf32> to vector<1000x128xf32>
    %add3A_23 = arith.addf %get3A_16, %get3A_22 : vector<1000x128xf32>
    %get3A_24 = arith.constant 0 : index
    %get3A_25 = arith.constant 2 : index
    %get3A_26 = arith.constant 0 : index
    %get3A_27 = arith.constant 0 : index
    %get3A_28 = vector.load %arg1[%get3A_24, %get3A_25, %get3A_26, %get3A_27] : memref<2x3x1000x128xf32, #tpu.memory_space<vmem>>, vector<1x1x1000x128xf32>
    %get3A_29 = vector.shape_cast %get3A_28 : vector<1x1x1000x128xf32> to vector<1000x128xf32>
    %get3A_30 = arith.constant 1 : index
    %get3A_31 = arith.constant 2 : index
    %get3A_32 = arith.constant 0 : index
    %get3A_33 = arith.constant 0 : index
    %get3A_34 = vector.load %arg1[%get3A_30, %get3A_31, %get3A_32, %get3A_33] : memref<2x3x1000x128xf32, #tpu.memory_space<vmem>>, vector<1x1x1000x128xf32>
    %get3A_35 = vector.shape_cast %get3A_34 : vector<1x1x1000x128xf32> to vector<1000x128xf32>
    %add3A_36 = arith.addf %get3A_29, %get3A_35 : vector<1000x128xf32>
    %get3A_37 = arith.constant 0 : index
    %get3A_38 = arith.constant 0 : index
    %get3A_39 = arith.constant 0 : index
    %get3A_40 = arith.constant 0 : index
    %get3A_41 = vector.load %arg2[%get3A_37, %get3A_38, %get3A_39, %get3A_40] : memref<2x3x1000x1xf32, #tpu.memory_space<vmem>>, vector<1x1x1000x1xf32>
    %get3A_42 = vector.shape_cast %get3A_41 : vector<1x1x1000x1xf32> to vector<1000x1xf32>
    %get3A_43 = arith.constant 1 : index
    %get3A_44 = arith.constant 0 : index
    %get3A_45 = arith.constant 0 : index
    %get3A_46 = arith.constant 0 : index
    %get3A_47 = vector.load %arg2[%get3A_43, %get3A_44, %get3A_45, %get3A_46] : memref<2x3x1000x1xf32, #tpu.memory_space<vmem>>, vector<1x1x1000x1xf32>
    %get3A_48 = vector.shape_cast %get3A_47 : vector<1x1x1000x1xf32> to vector<1000x1xf32>
    %add3A_49 = arith.addf %get3A_42, %get3A_48 : vector<1000x1xf32>
    %get3A_50 = arith.constant 0 : index
    %get3A_51 = arith.constant 1 : index
    %get3A_52 = arith.constant 0 : index
    %get3A_53 = arith.constant 0 : index
    %get3A_54 = vector.load %arg2[%get3A_50, %get3A_51, %get3A_52, %get3A_53] : memref<2x3x1000x1xf32, #tpu.memory_space<vmem>>, vector<1x1x1000x1xf32>
    %get3A_55 = vector.shape_cast %get3A_54 : vector<1x1x1000x1xf32> to vector<1000x1xf32>
    %get3A_56 = arith.constant 1 : index
    %get3A_57 = arith.constant 1 : index
    %get3A_58 = arith.constant 0 : index
    %get3A_59 = arith.constant 0 : index
    %get3A_60 = vector.load %arg2[%get3A_56, %get3A_57, %get3A_58, %get3A_59] : memref<2x3x1000x1xf32, #tpu.memory_space<vmem>>, vector<1x1x1000x1xf32>
    %get3A_61 = vector.shape_cast %get3A_60 : vector<1x1x1000x1xf32> to vector<1000x1xf32>
    %add3A_62 = arith.addf %get3A_55, %get3A_61 : vector<1000x1xf32>
    %get3A_63 = arith.constant 0 : index
    %get3A_64 = arith.constant 2 : index
    %get3A_65 = arith.constant 0 : index
    %get3A_66 = arith.constant 0 : index
    %get3A_67 = vector.load %arg2[%get3A_63, %get3A_64, %get3A_65, %get3A_66] : memref<2x3x1000x1xf32, #tpu.memory_space<vmem>>, vector<1x1x1000x1xf32>
    %get3A_68 = vector.shape_cast %get3A_67 : vector<1x1x1000x1xf32> to vector<1000x1xf32>
    %get3A_69 = arith.constant 1 : index
    %get3A_70 = arith.constant 2 : index
    %get3A_71 = arith.constant 0 : index
    %get3A_72 = arith.constant 0 : index
    %get3A_73 = vector.load %arg2[%get3A_69, %get3A_70, %get3A_71, %get3A_72] : memref<2x3x1000x1xf32, #tpu.memory_space<vmem>>, vector<1x1x1000x1xf32>
    %get3A_74 = vector.shape_cast %get3A_73 : vector<1x1x1000x1xf32> to vector<1000x1xf32>
    %add3A_75 = arith.addf %get3A_68, %get3A_74 : vector<1000x1xf32>
    %max3A = arith.constant 1.000000e+00 : f32
    %max3A_76 = vector.broadcast %max3A : f32 to vector<1000x1xf32>
    %max3A_77 = arith.maximumf %add3A_49, %max3A_76 : vector<1000x1xf32>
    %div3A = vector.broadcast %max3A_77 : vector<1000x1xf32> to vector<1000x128xf32>
    %div3A_78 = arith.divf %add3A, %div3A : vector<1000x128xf32>
    %swap3A = arith.constant 0 : index
    %swap3A_79 = arith.constant 0 : index
    %swap3A_80 = vector.load %arg3[%swap3A, %swap3A_79] : memref<1000x128xf32, #tpu.memory_space<vmem>>, vector<1000x128xf32>
    tpu.vector_store %arg3[%swap3A, %swap3A_79], %div3A_78 {strides = array<i32>} : memref<1000x128xf32, #tpu.memory_space<vmem>>, vector<1000x128xf32>,
    %max3A_81 = arith.constant 1.000000e+00 : f32
    %max3A_82 = vector.broadcast %max3A_81 : f32 to vector<1000x1xf32>
    %max3A_83 = arith.maximumf %add3A_62, %max3A_82 : vector<1000x1xf32>
    %div3A_84 = vector.broadcast %max3A_83 : vector<1000x1xf32> to vector<1000x128xf32>
    %div3A_85 = arith.divf %add3A_23, %div3A_84 : vector<1000x128xf32>
    %swap3A_86 = arith.constant 0 : index
    %swap3A_87 = arith.constant 0 : index
    %swap3A_88 = vector.load %arg4[%swap3A_86, %swap3A_87] : memref<1000x128xf32, #tpu.memory_space<vmem>>, vector<1000x128xf32>
    tpu.vector_store %arg4[%swap3A_86, %swap3A_87], %div3A_85 {strides = array<i32>} : memref<1000x128xf32, #tpu.memory_space<vmem>>, vector<1000x128xf32>,
    %add3A_89 = arith.addf %add3A, %add3A_23 : vector<1000x128xf32>
    %mul3A = arith.constant 9.99999974E-5 : f32
    %mul3A_90 = vector.broadcast %mul3A : f32 to vector<1000x128xf32>
    %mul3A_91 = arith.mulf %add3A_89, %mul3A_90 : vector<1000x128xf32>
    %swap3A_92 = arith.constant 0 : index
    %swap3A_93 = arith.constant 0 : index
    %swap3A_94 = vector.load %arg5[%swap3A_92, %swap3A_93] : memref<1000x128xf32, #tpu.memory_space<vmem>>, vector<1000x128xf32>
    tpu.vector_store %arg5[%swap3A_92, %swap3A_93], %mul3A_91 {strides = array<i32>} : memref<1000x128xf32, #tpu.memory_space<vmem>>, vector<1000x128xf32>,
    %max3A_95 = arith.constant 1.000000e+00 : f32
    %max3A_96 = vector.broadcast %max3A_95 : f32 to vector<1000x1xf32>
    %max3A_97 = arith.maximumf %add3A_75, %max3A_96 : vector<1000x1xf32>
    %div3A_98 = vector.broadcast %max3A_97 : vector<1000x1xf32> to vector<1000x128xf32>
    %div3A_99 = arith.divf %add3A_36, %div3A_98 : vector<1000x128xf32>
    %swap3A_100 = arith.constant 0 : index
    %swap3A_101 = arith.constant 0 : index
    %swap3A_102 = vector.load %arg6[%swap3A_100, %swap3A_101] : memref<1000x128xf32, #tpu.memory_space<vmem>>, vector<1000x128xf32>
    tpu.vector_store %arg6[%swap3A_100, %swap3A_101], %div3A_99 {strides = array<i32>} : memref<1000x128xf32, #tpu.memory_space<vmem>>, vector<1000x128xf32>,
    return
  }
  func.func @transform_0(%arg0: i32) -> (i32, i32, i32, i32) {
    %c0_i32 = arith.constant 0 : i32
    %c0_i32_0 = arith.constant 0 : i32
    %c0_i32_1 = arith.constant 0 : i32
    %c0_i32_2 = arith.constant 0 : i32
    return %c0_i32, %c0_i32_0, %arg0, %c0_i32_1 : i32, i32, i32, i32
  }
  func.func @transform_1(%arg0: i32) -> (i32, i32, i32, i32) {
    %c0_i32 = arith.constant 0 : i32
    %c0_i32_0 = arith.constant 0 : i32
    %c0_i32_1 = arith.constant 0 : i32
    %c0_i32_2 = arith.constant 0 : i32
    return %c0_i32, %c0_i32_0, %arg0, %c0_i32_1 : i32, i32, i32, i32
  }
  func.func @transform_2(%arg0: i32) -> (i32, i32) {
    %c0_i32 = arith.constant 0 : i32
    %c0_i32_0 = arith.constant 0 : i32
    return %arg0, %c0_i32 : i32, i32
  }
  func.func @transform_3(%arg0: i32) -> (i32, i32) {
    %c0_i32 = arith.constant 0 : i32
    %c0_i32_0 = arith.constant 0 : i32
    return %arg0, %c0_i32 : i32, i32
  }
  func.func @transform_4(%arg0: i32) -> (i32, i32) {
    %c0_i32 = arith.constant 0 : i32
    %c0_i32_0 = arith.constant 0 : i32
    return %arg0, %c0_i32 : i32, i32
  }
  func.func @transform_5(%arg0: i32) -> (i32, i32) {
    %c0_i32 = arith.constant 0 : i32
    %c0_i32_0 = arith.constant 0 : i32
    return %arg0, %c0_i32 : i32, i32
  }
}

</mosaic_0001>

<sc_bundles>
// kernel: kernel.4.cloned.1.call-start
scs
__scs_entry_jumppad:
0x0: {  	(pc) =	sbr.rel $0x88, $3  }
0x1: {  	(tag) =	ssettag $0x0;
	lr =	simm.s32 $0x1  }
0x2: {  	[smem:$0x3F9B] =	sst lr;
	_ =	strace $0xD0000000  }
0x3: {  	_ = 	snop  }
0x4: {  	_ = 	snop  }
0x5: {  	_ = 	snop  }
0x6: {  	_ = 	snop  }
0x7: {  	_ = 	snop  }
__scs_overlays_trampoline_lowered:
0x8: {  	[smem:$0x3FAA] =	sst s0  }
0x9: {  	[smem:$0x3FAB] =	sst s1  }
0xa: {  	[smem:$0x3FAC] =	sst s2  }
0xb: {  	[smem:$0x3FAD] =	sst s3  }
0xc: {  	[smem:$0x3FAE] =	sst s4  }
0xd: {  	[smem:$0x3FAF] =	sst s5  }
0xe: {  	[smem:$0x3FB0] =	sst s6  }
0xf: {  	[smem:$0x3FB1] =	sst s7  }
0x10: {  	[smem:$0x3FB2] =	sst s8  }
0x11: {  	[smem:$0x3FB3] =	sst s9;
	s0 =	simm.s32 @!p0 $0x0  }
0x12: {  	s1 =	sld [smem:$0x3F99];
	s0 =	simm.s32 @p0 $0x1  }
0x13: {  	[smem:$0x3FB4] =	sst s0;
	s0 =	simm.s32 @!p1 $0x0  }
0x14: {  	s2 =	sld [smem:$0x3F98];
	s0 =	simm.s32 @p1 $0x1  }
0x15: {  	[smem:$0x3FB5] =	sst s0;
	s0 =	simm.s32 @!p2 $0x0  }
0x16: {  	s3 =	sld [smem:$0x3FDB];
	s0 =	simm.s32 @p2 $0x1  }
0x17: {  	s4 =	simm.s32 $0x1BF5;
	[smem:$0x3FB7] =	sst s0  }
0x18: {  	s0 =	sld [smem:$0x3F9A];
	_ =	swait.ge [sflag:s4], $0x0  }
0x19: {  	s7 =	sld [smem:$0x3F9B]  }
0x1a: {  	s8 =	sadd.s32 $0xFFFFE003, lr  }
0x1b: {  	s9 =	sadd.s32 $0xFFFFFEF7, lr;
	s5 =	simm.s32 $0xFFFFFFFF;
	p2 =	slt.u32 s8, $0xFFFFF086  }
0x1c: {  	p1 =	slt.u32 s9, $0xF7A;
	s5 =	simm.s32 @!p2 $0x0  }
0x1d: {  	s5 =	simm.s32 @p1 $0x1;
	p0 =	seq.s32 s7, s2  }
0x1e: {  	s7 =	smul.u32 @!p0 $0xF7A, s2;
	p2 =	seq.s32 @!p0 s5, $0x0  }
0x1f: {  	s9 =	smul.u32 $0xF7A, s1;
	s8 =	simm.s32 @!p0 $0x1BF5;
	p2 =	por !p2, p0  }
0x20: {  	[sflag:s8] =	ssyncset.s32 @!p0 $0xFFFFF086;
	s6 =	sadd.s32 @!p0 s3, s7;
	s7 =	simm.s32 @!p0 $0x108  }
0x21: {  	s3 =	sadd.s32 s3, s9;
	s6 =	sadd.s32 @!p0 $0x88, s6;
	s7 =	simm.s32 @p2 $0x1082  }
0x22: {  	[simem:s7], [sflag:s8] =	dma.local @!p0 [hbm:s6], $0xF7A  }
0x23: {  	s9 =	sor.u32 $0xD0000000, s2;
	s6 =	simm.s32 $0x108;
	_ =	swait.ge @!p0 [sflag:s8], $0x0  }
0x24: {  	s3 =	sadd.s32 $0x88, s3;
	s6 =	simm.s32 @!p1 $0x1082;
	[sflag:s4] =	ssyncset.s32 $0xFFFFF086  }
0x25: {  	[simem:s6], [sflag:s4] =	dma.local [hbm:s3], $0xF7A  }
0x26: {  	[smem:$0x3F9B] =	sst s1;
	(tag) =	ssettag s2;
	_ =	strace s9  }
0x27: {  	s1 =	sld [smem:$0x3FAB]  }
0x28: {  	s2 =	sld [smem:$0x3FAC]  }
0x29: {  	s4 =	sld [smem:$0x3FAE]  }
0x2a: {  	p0 =	seq.s32 s5, $0x0;
	s5 =	sld [smem:$0x3FAF]  }
0x2b: {  	s6 =	sld [smem:$0x3FB0]  }
0x2c: {  	s7 =	sld [smem:$0x3FB1]  }
0x2d: {  	s3 =	simm.s32 $0x108;
	s8 =	sld [smem:$0x3FB2]  }
0x2e: {  	s3 =	simm.s32 @!p0 $0x1082;
	s9 =	sld [smem:$0x3FB3]  }
0x2f: {  	lr =	sadd.s32 s0, s3;
	s0 =	sld [smem:$0x3FAA]  }
0x30: {  	s3 =	sld [smem:$0x3FAD]  }
0x31: {  	[smem:$0x3FB6] =	sst s10  }
0x32: {  	s10 =	sld [smem:$0x3FB4];
	_ =	sdelay $0x3  }
0x33: {  	p0 =	seq.s32 s10, $0x1;
	s10 =	sld [smem:$0x3FB6];
	_ =	sdelay $0x3  }
0x34: {  	[smem:$0x3FB6] =	sst s10  }
0x35: {  	s10 =	sld [smem:$0x3FB5];
	_ =	sdelay $0x3  }
0x36: {  	p1 =	seq.s32 s10, $0x1;
	s10 =	sld [smem:$0x3FB6];
	_ =	sdelay $0x3  }
0x37: {  	[smem:$0x3FB6] =	sst s10  }
0x38: {  	s10 =	sld [smem:$0x3FB7]  }
0x39: {  	_ = 	snop;
	(pc) =	sbr.ind lr, $3  }
0x3a: {  	_ = 	snop  }
0x3b: {  	_ = 	snop  }
0x3c: {  	p2 =	seq.s32 s10, $0x1;
	s10 =	sld [smem:$0x3FB6]  }
0x3d: {  	_ =	shalt  }
0x3e: {  	_ =	shalt  }
0x3f: {  	_ =	shalt  }
0x40: {  	_ =	shalt  }
0x41: {  	_ =	shalt  }
0x42: {  	_ =	shalt  }
0x43: {  	_ =	shalt  }
0x44: {  	_ =	shalt  }
0x45: {  	_ =	shalt  }
0x46: {  	_ =	shalt  }
0x47: {  	_ =	shalt  }
0x48: {  	_ =	shalt  }
0x49: {  	_ =	shalt  }
0x4a: {  	_ =	shalt  }
0x4b: {  	_ =	shalt  }
0x4c: {  	_ =	shalt  }
0x4d: {  	_ =	shalt  }
0x4e: {  	_ =	shalt  }
0x4f: {  	_ =	shalt  }
0x50: {  	_ =	shalt  }
0x51: {  	_ =	shalt  }
0x52: {  	_ =	shalt  }
0x53: {  	_ =	shalt  }
0x54: {  	_ =	shalt  }
0x55: {  	_ =	shalt  }
0x56: {  	_ =	shalt  }
0x57: {  	_ =	shalt  }
0x58: {  	_ =	shalt  }
0x59: {  	_ =	shalt  }
0x5a: {  	_ =	shalt  }
0x5b: {  	_ =	shalt  }
0x5c: {  	_ =	shalt  }
0x5d: {  	_ =	shalt  }
0x5e: {  	_ =	shalt  }
0x5f: {  	_ =	shalt  }
0x60: {  	_ =	shalt  }
0x61: {  	_ =	shalt  }
0x62: {  	_ =	shalt  }
0x63: {  	_ =	shalt  }
0x64: {  	_ =	shalt  }
0x65: {  	_ =	shalt  }
0x66: {  	_ =	shalt  }
0x67: {  	_ =	shalt  }
0x68: {  	_ =	shalt  }
0x69: {  	_ =	shalt  }
0x6a: {  	_ =	shalt  }
0x6b: {  	_ =	shalt  }
0x6c: {  	_ =	shalt  }
0x6d: {  	_ =	shalt  }
0x6e: {  	_ =	shalt  }
0x6f: {  	_ =	shalt  }
0x70: {  	_ =	shalt  }
0x71: {  	_ =	shalt  }
0x72: {  	_ =	shalt  }
0x73: {  	_ =	shalt  }
0x74: {  	_ =	shalt  }
0x75: {  	_ =	shalt  }
0x76: {  	_ =	shalt  }
0x77: {  	_ =	shalt  }
0x78: {  	_ =	shalt  }
0x79: {  	_ =	shalt  }
0x7a: {  	_ =	shalt  }
0x7b: {  	_ =	shalt  }
0x7c: {  	_ =	shalt  }
0x7d: {  	_ =	shalt  }
0x7e: {  	_ =	shalt  }
0x7f: {  	_ =	shalt  }
0x80: {  	_ =	shalt  }
0x81: {  	_ =	shalt  }
0x82: {  	_ =	shalt  }
0x83: {  	_ =	shalt  }
0x84: {  	_ =	shalt  }
0x85: {  	_ =	shalt  }
0x86: {  	_ =	shalt  }
0x87: {  	_ =	shalt  }
.Lfunc_end0:
.L_simem_size_0:
called_computation_lowered:
.L_overlay_start_0:
0x88: {  	s2 =	sld [smem:$0x3FD9]  }
0x89: {  	s3 =	sld [smem:$0x3FFE];
	_ =	sdelay $0x1  }
0x8a: {  	s1 =	srdreg.scid  }
0x8b: {  	s0 =	sand.u32 $0x1, s1  }
0x8c: {  	s29 =	sshll.u32 s0, $0xA;
	s2 =	sadd.s32 s3, s2  }
0x8d: {  	s2 =	sadd.s32 s2, s29  }
0x8e: {  	[smem:$0x3FC2] =	sst s2  }
0x8f: {  	_ = 	snop  }
0x90: {  	s2 =	sld [smem:$0x3FC9]  }
0x91: {  	s30 =	sld [smem:$0x3FC8]  }
0x92: {  	s4 =	sld [smem:$0x3FC7]  }
0x93: {  	s5 =	sld [smem:$0x3FD0]  }
0x94: {  	s6 =	sld [smem:$0x3FC6]  }
0x95: {  	s7 =	sld [smem:$0x3FC5]  }
0x96: {  	s9 =	simm.s32 $0xA;
	s10 =	simm.s32 $0x10;
	s8 =	sld [smem:$0x3FC4]  }
0x97: {  	[smem:s10], [sflag:s9] =	dma.local [hbm:s5], $0x1  }
0x98: {  	_ =	swait.eq [sflag:s9], $0x1  }
0x99: {  	s31 =	sld [smem:$0x10]  }
0x9a: {  	s17 =	sld [smem:$0x11];
	[sflag:s9] =	ssyncset.done $0x0  }
0x9b: {  	s11 =	sld [smem:$0x12];
	[sflag:s9] =	ssyncadd.s32 $0xFFFFFFFF  }
0x9c: {  	s18 =	sld [smem:$0x13];
	(tm) =	ssettm $0x1  }
0x9d: {  	s12 =	sld [smem:$0x3FFB];
	_ =	sdelay $0x3  }
0x9e: {  	_ =	strace s12  }
0x9f: {  	s12 =	sld [smem:$0x3FFC];
	_ =	sdelay $0x3  }
0xa0: {  	_ =	strace s12  }
0xa1: {  	s12 =	sld [smem:$0x3FFD];
	_ =	sdelay $0x3  }
0xa2: {  	_ =	strace s12  }
0xa3: {  	_ =	strace $0x8FFFFFFF  }
0xa4: {  	s19 =	sld [smem:$0x3FDB];
	_ =	sdelay $0x1  }
0xa5: {  	s13 =	simm.s32 $_scs_section_size  }
0xa6: {  	s14 =	simm.s32 $_size__tile_overlayer_lowered;
	s15 =	simm.s32 $_tile_overlayer_lowered  }
0xa7: {  	s22 =	simm.s32 $0x1BFF;
	s21 =	sshll.u32 s15, $0x1;
	s12 =	sadd.s32 s13, s19  }
0xa8: {  	s16 =	simm.s32 $0x0;
	s20 =	sshll.u32 s14, $0x1;
	s14 =	sadd.s32 s21, s12  }
0xa9: {  	[timem:s16], [sflag:s22] =	dma.local [hbm:s14], s20  }
0xaa: {  	_ =	swait.ge [sflag:s22], s20  }
0xab: {  	s13 =	ssub.s32 $0x0, s20;
	[sflag:s22] =	ssyncset.done $0x0  }
0xac: {  	[sflag:s22] =	ssyncadd.s32 s13;
	_ =	sdelay $0x1  }
0xad: {  	s23 =	simm.s32 $0x1B8B  }
0xae: {  	_ =	swait.ge [sflag:s23], $0x1  }
0xaf: {  	[sflag:s23] =	ssyncset.done $0x0  }
0xb0: {  	s25 =	simm.s32 $0x1B8E;
	s24 =	sld [smem:$0x3FFE];
	[sflag:s23] =	ssyncadd.s32 $0xFFFFFFFF  }
0xb1: {  	s26 =	simm.s32 $execute0_lowered;
	[smem:$0x3FD2] =	sst s25  }
0xb2: {  	s14 =	sshll.u32 s26, $0x1;
	_ =	strace $0x80000046;
	[dreg:$0x1] =	wrdreg $0xFFFFFFFF  }
0xb3: {  	s28 =	simm.s32 $_size_execute0_lowered;
	s12 =	sadd.s32 s12, s14;
	[dreg:$0x0] =	wrdreg $0x0  }
0xb4: {  	s14 =	sshll.u32 s28, $0x1;
	[dreg:$0x2] =	wrdreg s12  }
0xb5: {  	[dreg:$0x3] =	wrdreg s14  }
0xb6: {  	[dreg:$0x4] =	wrdreg $0xC0  }
0xb7: {  	_ =	task [dreg:s16], $0x5FFFF  }
0xb8: {  	[dreg:$0x1] =	wrdreg $0xFFFFFFFF  }
0xb9: {  	[dreg:$0x0] =	wrdreg $0x60  }
0xba: {  	[dreg:$0x2] =	wrdreg s2  }
0xbb: {  	[dreg:$0x3] =	wrdreg s30  }
0xbc: {  	[dreg:$0x4] =	wrdreg s4  }
0xbd: {  	[dreg:$0x5] =	wrdreg s6  }
0xbe: {  	[dreg:$0x6] =	wrdreg s7  }
0xbf: {  	[dreg:$0x7] =	wrdreg s8  }
0xc0: {  	[dreg:$0x8] =	wrdreg s11  }
0xc1: {  	[dreg:$0x9] =	wrdreg s17  }
0xc2: {  	[dreg:$0xa] =	wrdreg s31  }
0xc3: {  	[dreg:$0xb] =	wrdreg s24  }
0xc4: {  	[dreg:$0xc] =	wrdreg s18  }
0xc5: {  	[dreg:$0xd] =	wrdreg $0x8A800  }
0xc6: {  	[dreg:$0xe] =	wrdreg $0x1CA800  }
0xc7: {  	[dreg:$0xf] =	wrdreg $0x9  }
0xc8: {  	_ =	task.clear_ibuf [dreg:s16], $0x10FFFF;
	_ =	strace $0x90000046  }
0xc9: {  	s29 =	simm.s32 $0x9;
	_ =	strace $0x80000048  }
0xca: {  	_ =	swait.ge [sflag:s29], $0x1  }
0xcb: {  	[sflag:s29] =	ssyncadd.s32 $0xFFFFFFFF  }
0xcc: {  	_ =	strace $0x90000048  }
0xcd: {  	_ =	sfence  }
0xce: {  	s30 =	sld [smem:$0x0];
	_ =	sdelay $0x2  }
0xcf: {  	s31 =	sshll.u32 s1, $0xD;
	s1 =	sshrl.u32 s1, $0x2  }
0xd0: {  	s3 =	sand.u32 $0x4000, s31;
	s1 =	sadd.s32 s1, s30  }
0xd1: {  	s0 =	sor.u32 s3, s0;
	s1 =	sshll.u32 s1, $0x11  }
0xd2: {  	s0 =	sor.u32 s1, s0  }
0xd3: {  	s0 =	sadd.s32 $0x8F2B, s0  }
0xd4: {  	[sflag:s0] =	ssyncadd.remote.s32 $0x1  }
0xd5: {  	_ =	sfence.sel $0xFFFF  }
0xd6: {  	[dreg:$0x0] =	wrdreg $0xFFFFFFFF;
	(pc) =	sbr.abs _section_cstart, $3  }
0xd7: {  	[dreg:$0x1] =	wrdreg $0xFFFFFFFF  }
0xd8: {  	_ =	task.clear_ibuf [dreg:s16], $0x2FFFF;
	_ =	strace $0x9FFFFFFF  }
0xd9: {  	(tm) =	ssettm $0x7FFFFFFF  }
tec
execute0_lowered:
.L_overlay_start_1:
0x0: {  	(tag) =	ssettag $0x1  }
0x1: {  	s0 =	srdreg.scid  }
0x2: {  	s1 =	rddreg [dreg:$0x9];
	s30 =	stileid.u32  }
0x3: {  	s3 =	sand.u32 $0x1, s0;
	s8 =	sadd.s32 $0xA00, s1;
	s10 =	smul.u32 $0x280, s30  }
0x4: {  	s0 =	ssub.s32 $0x2, s3;
	s4 =	sshll.u32 s3, $0x4;
	s11 =	smul.u32 $0x7800, s3  }
0x5: {  	s2 =	sshrl.u32 s0, $0x1;
	s9 =	sor.u32 s30, s4;
	s6 =	sadd.s32 $0x80, s10  }
0x6: {  	s4 =	sadd.s32 $0x100, s10;
	s5 =	sadd.s32 $0x180, s10;
	s0 =	ssub.s32 s0, s2  }
0x7: {  	s7 =	smul.u32 $0x2710, s9;
	s2 =	sadd.s32 $0x200, s10;
	s12 =	sadd.s32 s10, s11  }
0x8: {  	s9 =	smul.u32 $0x27100, s9;
	s13 =	sadd.s32 s11, s6;
	s14 =	sadd.s32 s11, s4  }
0x9: {  	s16 =	sadd.s32 s11, s5;
	s12 =	sshll.u32 s12, $0x4;
	s13 =	sshll.u32 s13, $0x4  }
0xa: {  	s15 =	sshll.u32 s14, $0x4;
	s17 =	sshll.u32 s16, $0x4;
	s12 =	sadd.s32 s8, s12  }
0xb: {  	s18 =	sadd.s32 s11, s2;
	[dreg:$0xe] =	wrdreg s12;
	s12 =	sadd.s32 s8, s13  }
0xc: {  	s19 =	sshll.u32 s18, $0x4;
	s13 =	sadd.s32 $0x2800, s11;
	[dreg:$0xf] =	wrdreg s12  }
0xd: {  	s12 =	sadd.s32 s8, s15;
	s14 =	sadd.s32 s10, s13;
	s15 =	sadd.s32 s6, s13  }
0xe: {  	s16 =	sadd.s32 s4, s13;
	[dreg:$0x10] =	wrdreg s12;
	s12 =	sadd.s32 s8, s17  }
0xf: {  	s14 =	sshll.u32 s14, $0x4;
	[dreg:$0x11] =	wrdreg s12;
	s12 =	sadd.s32 s8, s19  }
0x10: {  	s21 =	sshll.u32 s16, $0x4;
	s14 =	sadd.s32 s8, s14;
	[dreg:$0x12] =	wrdreg s12  }
0x11: {  	s23 =	sadd.s32 s5, s13;
	s22 =	sadd.s32 s8, s21;
	[dreg:$0x13] =	wrdreg s14  }
0x12: {  	s24 =	sadd.s32 s2, s13;
	s20 =	sshll.u32 s15, $0x4;
	[dreg:$0x15] =	wrdreg s22  }
0x13: {  	s25 =	sshll.u32 s24, $0x4;
	s14 =	sadd.s32 s8, s20;
	s22 =	rddreg [dreg:$0xa]  }
0x14: {  	s12 =	sshrl.u32 s11, $0x3;
	s11 =	sadd.s32 $0x5000, s11;
	[dreg:$0x14] =	wrdreg s14  }
0x15: {  	s14 =	sshll.u32 s23, $0x4;
	s10 =	sadd.s32 s10, s11;
	s26 =	sadd.s32 s6, s11  }
0x16: {  	s16 =	sadd.s32 s4, s11;
	s23 =	sadd.s32 s22, s12;
	s12 =	rddreg [dreg:$0x0]  }
0x17: {  	s18 =	sadd.s32 s5, s11;
	s14 =	sadd.s32 s8, s14;
	[dreg:$0x1d] =	wrdreg s23  }
0x18: {  	s17 =	sshll.u32 s16, $0x4;
	s16 =	sadd.s32 s12, s9;
	[dreg:$0x16] =	wrdreg s14  }
0x19: {  	s10 =	sshll.u32 s10, $0x4;
	s14 =	sadd.s32 s8, s25;
	[smem:$0x7D2] =	sst s16  }
0x1a: {  	s20 =	sadd.s32 s2, s11;
	s10 =	sadd.s32 s8, s10;
	[dreg:$0x17] =	wrdreg s14  }
0x1b: {  	s15 =	sshll.u32 s26, $0x4;
	s19 =	sshll.u32 s18, $0x4;
	[dreg:$0x18] =	wrdreg s10  }
0x1c: {  	s10 =	sadd.s32 s8, s15;
	s15 =	sshrl.u32 s11, $0x3;
	s11 =	rddreg [dreg:$0x2]  }
0x1d: {  	s21 =	sshll.u32 s20, $0x4;
	[dreg:$0x19] =	wrdreg s10;
	s10 =	sadd.s32 s8, s17  }
0x1e: {  	s25 =	sshrl.u32 s13, $0x3;
	s17 =	sadd.s32 s11, s9;
	[dreg:$0x1a] =	wrdreg s10  }
0x1f: {  	s13 =	sadd.s32 $0x2680, s7;
	s10 =	sadd.s32 s8, s19;
	[smem:$0x7D3] =	sst s17  }
0x20: {  	s18 =	sshll.u32 s13, $0x4;
	s8 =	sadd.s32 s8, s21;
	[dreg:$0x1b] =	wrdreg s10  }
0x21: {  	s14 =	sadd.s32 $0x2700, s7;
	s19 =	sadd.s32 s12, s18;
	[dreg:$0x1c] =	wrdreg s8  }
0x22: {  	s20 =	sshll.u32 s14, $0x4;
	s21 =	sadd.s32 s11, s18;
	[smem:$0x7D5] =	sst s19  }
0x23: {  	s23 =	sadd.s32 s11, s20;
	[smem:$0x7D6] =	sst s21  }
0x24: {  	s10 =	sadd.s32 s22, s25;
	[smem:$0x7D9] =	sst s23  }
0x25: {  	[dreg:$0x1e] =	wrdreg s10;
	s10 =	sadd.s32 s22, s15  }
0x26: {  	s24 =	smul.u32 $0x27100, s3;
	[dreg:$0x1f] =	wrdreg s10  }
0x27: {  	s26 =	smul.u32 $0x2710, s30;
	s22 =	sadd.s32 s12, s20;
	s10 =	rddreg [dreg:$0x4]  }
0x28: {  	s16 =	sadd.s32 $0x100, s7;
	[smem:$0x7D8] =	sst s22;
	s9 =	sadd.s32 s10, s9  }
0x29: {  	s8 =	sadd.s32 s26, s24;
	s15 =	sadd.s32 s10, s20;
	[smem:$0x7D4] =	sst s9  }
0x2a: {  	s9 =	sadd.s32 s10, s18;
	[smem:$0x7DA] =	sst s15;
	s18 =	sshll.u32 s16, $0x4  }
0x2b: {  	s26 =	smul.u32 $0x271000, s3;
	[smem:$0x7D7] =	sst s9;
	s19 =	sadd.s32 s12, s18  }
0x2c: {  	s20 =	sadd.s32 s11, s18;
	s3 =	sadd.s32 s10, s18;
	s18 =	rddreg [dreg:$0x5]  }
0x2d: {  	[smem:$0x7DE] =	sst s19  }
0x2e: {  	s13 =	sshrl.u32 s13, $0x3;
	s9 =	sadd.s32 $0x80, s7;
	[smem:$0x7DF] =	sst s20  }
0x2f: {  	s24 =	sshll.u32 s9, $0x4;
	[smem:$0x7E0] =	sst s3;
	s3 =	simm.s32 $0x0  }
0x30: {  	s14 =	sshrl.u32 s14, $0x3;
	s25 =	sadd.s32 s12, s24;
	[smem:$0x7FF] =	sst s3  }
0x31: {  	s21 =	smul.u32 $0x27100, s30;
	s17 =	sadd.s32 s11, s24;
	[smem:$0x7DB] =	sst s25  }
0x32: {  	s7 =	sshrl.u32 s7, $0x3;
	s15 =	sadd.s32 s10, s24;
	[smem:$0x7DC] =	sst s17  }
0x33: {  	s12 =	sadd.s32 s26, s12;
	s11 =	sadd.s32 s26, s11;
	[smem:$0x7DD] =	sst s15  }
0x34: {  	s10 =	sadd.s32 s26, s10;
	s12 =	sadd.s32 s21, s12;
	s15 =	rddreg [dreg:$0x1]  }
0x35: {  	s11 =	sadd.s32 s21, s11;
	s17 =	rddreg [dreg:$0x3];
	s25 =	sadd.s32 s18, s13  }
0x36: {  	s10 =	sadd.s32 s21, s10;
	s21 =	sadd.s32 s18, s14;
	[smem:$0x7E6] =	sst s25  }
0x37: {  	s19 =	sadd.s32 s15, s7;
	[smem:$0x7E9] =	sst s21  }
0x38: {  	s22 =	sadd.s32 s17, s7;
	[smem:$0x7E1] =	sst s19  }
0x39: {  	s7 =	sadd.s32 s18, s7;
	[smem:$0x7E2] =	sst s22  }
0x3a: {  	s23 =	sadd.s32 s15, s13;
	[smem:$0x7E3] =	sst s7  }
0x3b: {  	s24 =	sadd.s32 s17, s13;
	[smem:$0x7E4] =	sst s23  }
0x3c: {  	s20 =	sadd.s32 s17, s14;
	[smem:$0x7E5] =	sst s24  }
0x3d: {  	[smem:$0x7E8] =	sst s20  }
0x3e: {  	s26 =	sshrl.u32 s9, $0x3;
	s19 =	sadd.s32 s15, s14;
	s20 =	rddreg [dreg:$0x7]  }
0x3f: {  	s23 =	sadd.s32 s15, s26;
	[smem:$0x7E7] =	sst s19  }
0x40: {  	s31 =	simm.s32 $0x3;
	s24 =	sadd.s32 s17, s26;
	[smem:$0x7EA] =	sst s23  }
0x41: {  	s1 =	sadd.s32 $0x800, s1;
	s7 =	sadd.s32 s18, s26;
	[smem:$0x7EB] =	sst s24  }
0x42: {  	p0 =	sne.s32 s30, $0x0;
	s0 =	smax.u32 s0, $0x1;
	[smem:$0x7EC] =	sst s7  }
0x43: {  	s9 =	sshll.u32 s2, $0x7;
	s12 =	sadd.s32 $0x2000, s12;
	s19 =	rddreg [dreg:$0x6]  }
0x44: {  	s22 =	sshrl.u32 s16, $0x3;
	s14 =	sadd.s32 $0x200, s8;
	s23 =	rddreg [dreg:$0xb]  }
0x45: {  	s8 =	sadd.s32 $0x180, s8;
	s25 =	sadd.s32 s15, s22;
	s24 =	rddreg [dreg:$0xc]  }
0x46: {  	s26 =	sadd.s32 s17, s22;
	s13 =	sadd.s32 s18, s22;
	[smem:$0x7ED] =	sst s25  }
0x47: {  	s7 =	sshrl.u32 s14, $0x3;
	s8 =	sshrl.u32 s8, $0x3;
	[smem:$0x7EE] =	sst s26  }
0x48: {  	s14 =	sadd.s32 $0x2000, s10;
	[smem:$0x7EF] =	sst s13;
	s21 =	sadd.s32 s7, s15  }
0x49: {  	s22 =	sadd.s32 s8, s15;
	s15 =	smul.u32 $0x50000, s30;
	s25 =	sadd.s32 s7, s17  }
0x4a: {  	s26 =	sadd.s32 s8, s17;
	_ =	strace $0x80000047;
	[smem:$0x7F0] =	sst s1  }
0x4b: {  	s28 =	sadd.s32 s7, s18;
	s29 =	sadd.s32 s8, s18;
	[smem:$0x7F6] =	sst s0  }
0x4c: {  	s18 =	sshll.u32 s6, $0x7;
	s13 =	sadd.s32 $0x2000, s11;
	[smem:$0x7F7] =	sst s12  }
0x4d: {  	s6 =	sshll.u32 s4, $0x7;
	s7 =	sshll.u32 s5, $0x7;
	[smem:$0x7F8] =	sst s13  }
0x4e: {  	s4 =	simm.s32 $0x8A00;
	s1 =	sadd.s32 s18, s23;
	[smem:$0x7F9] =	sst s14  }
0x4f: {  	s30 =	simm.s32 $0x1;
	s8 =	sadd.s32 s7, s23;
	[smem:$0x7F2] =	sst s1  }
0x50: {  	s5 =	simm.s32 $0x0;
	s18 =	sadd.s32 $0x2000, s24;
	[smem:$0x7F4] =	sst s8  }
0x51: {  	s13 =	simm.s32 $0x8100;
	s1 =	sadd.s32 s6, s23;
	[smem:$0x7FD] =	sst s18  }
0x52: {  	s16 =	sshrl.u32 s15, $0x2;
	s15 =	sadd.s32 $0x800, s24;
	[smem:$0x7F3] =	sst s1  }
0x53: {  	s14 =	simm.s32 $0x5;
	s17 =	sadd.s32 s16, s23;
	[smem:$0x7FA] =	sst s15  }
0x54: {  	s0 =	simm.s32 $0x2;
	s1 =	sadd.s32 s9, s23;
	[smem:$0x7F1] =	sst s17  }
0x55: {  	s18 =	simm.s32 $0x4100;
	s16 =	sadd.s32 $0x1000, s24;
	[smem:$0x7F5] =	sst s1  }
0x56: {  	[smem:$0x7FB] =	sst s16;
	s17 =	sadd.s32 $0x1800, s24;
	s16 =	simm.s32 $0x100  }
0x57: {  	s1 =	simm.s32 $0x4;
	[smem:$0x7FC] =	sst s17;
	s17 =	simm.s32 $0x80  }
.LBB2_1:
0x58: {  	[smem:$0x7CD] =	sst s5  }
0x59: {  	s2 =	rddreg [dreg:$0x8]  }
0x5a: {  	[tilespmem:s13], [sflag:$0x5] =	stream.linear.gather [hbm4b:s2+s3], $0x80, $0x38;
	[tilespmem:$0x1CD00] =	vst v63  }
0x5b: {  	_ =	swait.ge [sflag:s14], $0x80  }
0x5c: {  	s15 =	sld [smem:$0x7F0]  }
0x5d: {  	[sflag:s14] =	ssyncset.done $0x0  }
0x5e: {  	[sflag:s14] =	ssyncadd.s32 $0xFFFFFF80  }
0x5f: {  	[tilespmem:s4], [sflag:$0x5] =	stream.linear.gather [hbm4b:s15+s3], $0x80, $0x38;
	[tilespmem:$0x1CD00] =	vst v63  }
0x60: {  	_ =	swait.ge [sflag:s14], $0x80  }
0x61: {  	s5 =	sld [smem:$0x7F1]  }
0x62: {  	s4 =	stileid.u32  }
0x63: {  	s2 =	sshll.u32 s4, $0x6;
	[sflag:s14] =	ssyncset.done $0x0  }
0x64: {  	s10 =	sor.u32 $0x1C05, s2;
	[sflag:s14] =	ssyncadd.s32 $0xFFFFFF80;
	s11 =	sshrl.u32 s5, $0x3  }
0x65: {  	[spmem:s11], [sflag:s10] =	dma.local [hbm:s19], $0x800  }
0x66: {  	_ =	swait.ge [sflag:s14], $0x800  }
0x67: {  	s6 =	sld [smem:$0x7F2];
	_ =	sdelay $0x1  }
0x68: {  	[sflag:s14] =	ssyncset.done $0x0  }
0x69: {  	[sflag:s14] =	ssyncadd.s32 $0xFFFFF800;
	s12 =	sshrl.u32 s6, $0x3  }
0x6a: {  	[spmem:s12], [sflag:s10] =	dma.local [hbm:s19], $0x800  }
0x6b: {  	_ =	swait.ge [sflag:s14], $0x800  }
0x6c: {  	s7 =	sld [smem:$0x7F3];
	_ =	sdelay $0x1  }
0x6d: {  	[sflag:s14] =	ssyncset.done $0x0  }
0x6e: {  	[sflag:s14] =	ssyncadd.s32 $0xFFFFF800;
	s15 =	sshrl.u32 s7, $0x3  }
0x6f: {  	[spmem:s15], [sflag:s10] =	dma.local [hbm:s19], $0x800  }
0x70: {  	_ =	swait.ge [sflag:s14], $0x800  }
0x71: {  	s8 =	sld [smem:$0x7F4];
	_ =	sdelay $0x1  }
0x72: {  	[sflag:s14] =	ssyncset.done $0x0  }
0x73: {  	[sflag:s14] =	ssyncadd.s32 $0xFFFFF800;
	s6 =	sshrl.u32 s8, $0x3  }
0x74: {  	[spmem:s6], [sflag:s10] =	dma.local [hbm:s19], $0x800  }
0x75: {  	_ =	swait.ge [sflag:s14], $0x800  }
0x76: {  	s9 =	sld [smem:$0x7F5];
	_ =	sdelay $0x1  }
0x77: {  	[sflag:s14] =	ssyncset.done $0x0  }
0x78: {  	[sflag:s14] =	ssyncadd.s32 $0xFFFFF800;
	s7 =	sshrl.u32 s9, $0x3  }
0x79: {  	[spmem:s7], [sflag:s10] =	dma.local [hbm:s19], $0x800  }
0x7a: {  	_ =	swait.ge [sflag:s14], $0x800  }
0x7b: {  	[sflag:s14] =	ssyncset.done $0x0  }
0x7c: {  	s2 =	simm.s32 @!p0 $0x5;
	s8 =	sshrl.u32 @!p0 s24, $0x3;
	[sflag:s14] =	ssyncadd.s32 $0xFFFFF800  }
0x7d: {  	[spmem:s8], [sflag:s10] =	dma.local @!p0 [hbm:s20], $0x100  }
0x7e: {  	_ =	swait.ge @!p0 [sflag:s2], $0x100  }
0x7f: {  	s4 =	sld [smem:$0x7FA];
	_ =	sdelay $0x2  }
0x80: {  	[sflag:s2] =	ssyncset.done @!p0 $0x0;
	s4 =	sshrl.u32 @!p0 s4, $0x3  }
0x81: {  	[sflag:s2] =	ssyncadd.s32 @!p0 $0xFFFFFF00;
	[smem:$0x7CE] =	sst s4  }
0x82: {  	[spmem:s4], [sflag:s10] =	dma.local @!p0 [hbm:s20], $0x100  }
0x83: {  	_ =	swait.ge @!p0 [sflag:s2], $0x100  }
0x84: {  	s4 =	sld [smem:$0x7FB];
	_ =	sdelay $0x2  }
0x85: {  	[sflag:s2] =	ssyncset.done @!p0 $0x0;
	s4 =	sshrl.u32 @!p0 s4, $0x3  }
0x86: {  	[sflag:s2] =	ssyncadd.s32 @!p0 $0xFFFFFF00;
	[smem:$0x7CF] =	sst s4  }
0x87: {  	[spmem:s4], [sflag:s10] =	dma.local @!p0 [hbm:s20], $0x100  }
0x88: {  	_ =	swait.ge @!p0 [sflag:s2], $0x100  }
0x89: {  	s4 =	sld [smem:$0x7FC];
	_ =	sdelay $0x2  }
0x8a: {  	[sflag:s2] =	ssyncset.done @!p0 $0x0;
	s4 =	sshrl.u32 @!p0 s4, $0x3  }
0x8b: {  	[sflag:s2] =	ssyncadd.s32 @!p0 $0xFFFFFF00;
	[smem:$0x7D0] =	sst s4  }
0x8c: {  	[spmem:s4], [sflag:s10] =	dma.local @!p0 [hbm:s20], $0x100  }
0x8d: {  	_ =	swait.ge @!p0 [sflag:s2], $0x100  }
0x8e: {  	s4 =	sld [smem:$0x7FD];
	_ =	sdelay $0x2  }
0x8f: {  	[sflag:s2] =	ssyncset.done @!p0 $0x0;
	s4 =	sshrl.u32 @!p0 s4, $0x3  }
0x90: {  	[sflag:s2] =	ssyncadd.s32 @!p0 $0xFFFFFF00;
	[smem:$0x7D1] =	sst s4  }
0x91: {  	[spmem:s4], [sflag:s10] =	dma.local @!p0 [hbm:s20], $0x100  }
0x92: {  	_ =	swait.ge @!p0 [sflag:s2], $0x100  }
0x93: {  	[sflag:s2] =	ssyncset.done @!p0 $0x0  }
0x94: {  	[sflag:s2] =	ssyncadd.s32 @!p0 $0xFFFFFF00  }
0x95: {  	[bflag:$0x0] =	sbarrier.arrive $0xFFFF  }
0x96: {  	s4 =	sld [smem:$0x7E1];
	_ =	sdelay $0x1  }
0x97: {  	s5 =	sld [smem:$0x7D2]  }
0x98: {  	[tilespmem:s3], [sflag:$0x1] =	stream.linear.gather [hbm4b:s4+s3], $0x80, $0x38;
	[tilespmem:$0x1CD00] =	vst v63  }
0x99: {  	s9 =	sld [smem:$0x7EA]  }
0x9a: {  	[tilespmem:s16], [sflag:$0x1] =	stream.linear.gather [hbm4b:s5+s3], $0x4000, $0x38;
	[tilespmem:$0x1CD00] =	vst v63  }
0x9b: {  	s4 =	sld [smem:$0x7DB]  }
0x9c: {  	[tilespmem:s17], [sflag:$0x2] =	stream.linear.gather [hbm4b:s9+s3], $0x80, $0x38;
	[tilespmem:$0x1CD00] =	vst v63  }
0x9d: {  	_ = 	snop  }
0x9e: {  	[tilespmem:s18], [sflag:$0x2] =	stream.linear.gather [hbm4b:s4+s3], $0x4000, $0x38;
	[tilespmem:$0x1CD00] =	vst v63  }
0x9f: {  	_ =	swait.ge [sflag:s30], $0x80  }
0xa0: {  	[sflag:s30] =	ssyncset.done $0x0  }
0xa1: {  	[sflag:s30] =	ssyncadd.s32 $0xFFFFFF80  }
0xa2: {  	_ =	swait.ge [sflag:s30], $0x4000  }
0xa3: {  	[sflag:s30] =	ssyncset.done $0x0  }
0xa4: {  	[sflag:s30] =	ssyncadd.s32 $0xFFFFC000  }
0xa5: {  	[spmem:s23] =	stream.indirect.scatter.add.f32 [tilespmem:s16], [sflag:$0x3], $0x80, s3, s17, $0xb8;
	[tilespmem:$0x1CD00] =	vst v63  }
0xa6: {  	_ = 	snop  }
0xa7: {  	[spmem:s24] =	stream.indirect.scatter.add.f32 [tilespmem:s13], [sflag:$0x3], $0x1, s3, s17, $0xb8;
	[tilespmem:$0x1CD00] =	vst v63  }
0xa8: {  	_ =	swait.ge [sflag:s31], $0x4000  }
0xa9: {  	[sflag:s31] =	ssyncset.done $0x0  }
0xaa: {  	[sflag:s31] =	ssyncadd.s32 $0xFFFFC000  }
0xab: {  	_ =	swait.ge [sflag:s31], $0x80  }
0xac: {  	s5 =	sld [smem:$0x7ED]  }
0xad: {  	[sflag:s31] =	ssyncset.done $0x0  }
0xae: {  	s9 =	sld [smem:$0x7DE];
	[sflag:s31] =	ssyncadd.s32 $0xFFFFFF80  }
0xaf: {  	[tilespmem:s3], [sflag:$0x1] =	stream.linear.gather [hbm4b:s5+s3], $0x80, $0x38;
	[tilespmem:$0x1CD00] =	vst v63  }
0xb0: {  	_ = 	snop  }
0xb1: {  	[tilespmem:s16], [sflag:$0x1] =	stream.linear.gather [hbm4b:s9+s3], $0x4000, $0x38;
	[tilespmem:$0x1CD00] =	vst v63  }
0xb2: {  	_ =	swait.ge [sflag:s0], $0x80  }
0xb3: {  	[sflag:s0] =	ssyncset.done $0x0  }
0xb4: {  	[sflag:s0] =	ssyncadd.s32 $0xFFFFFF80  }
0xb5: {  	_ =	swait.ge [sflag:s0], $0x4000  }
0xb6: {  	[sflag:s0] =	ssyncset.done $0x0  }
0xb7: {  	[sflag:s0] =	ssyncadd.s32 $0xFFFFC000  }
0xb8: {  	[spmem:s23] =	stream.indirect.scatter.add.f32 [tilespmem:s18], [sflag:$0x4], $0x80, s17, s17, $0xb8;
	[tilespmem:$0x1CD00] =	vst v63  }
0xb9: {  	_ = 	snop  }
0xba: {  	[spmem:s24] =	stream.indirect.scatter.add.f32 [tilespmem:s13], [sflag:$0x4], $0x1, s17, s17, $0xb8;
	[tilespmem:$0x1CD00] =	vst v63  }
0xbb: {  	_ =	swait.ge [sflag:s1], $0x4000  }
0xbc: {  	[sflag:s1] =	ssyncset.done $0x0  }
0xbd: {  	[sflag:s1] =	ssyncadd.s32 $0xFFFFC000  }
0xbe: {  	_ =	swait.ge [sflag:s1], $0x80  }
0xbf: {  	[sflag:s1] =	ssyncset.done $0x0  }
0xc0: {  	s4 =	sadd.s32 $0x0, s22;
	[sflag:s1] =	ssyncadd.s32 $0xFFFFFF80  }
0xc1: {  	[tilespmem:s17], [sflag:$0x2] =	stream.linear.gather [hbm4b:s4+s3], $0x80, $0x38;
	[tilespmem:$0x1CD00] =	vst v63  }
0xc2: {  	s4 =	sld [smem:$0x7F7];
	_ =	sdelay $0x2  }
0xc3: {  	s5 =	sadd.s32 $0xFFFFF800, s4  }
0xc4: {  	[tilespmem:s18], [sflag:$0x2] =	stream.linear.gather [hbm4b:s5+s3], $0x4000, $0x38;
	[tilespmem:$0x1CD00] =	vst v63  }
0xc5: {  	_ =	swait.ge [sflag:s30], $0x80  }
0xc6: {  	[sflag:s30] =	ssyncset.done $0x0  }
0xc7: {  	[sflag:s30] =	ssyncadd.s32 $0xFFFFFF80  }
0xc8: {  	_ =	swait.ge [sflag:s30], $0x4000  }
0xc9: {  	[sflag:s30] =	ssyncset.done $0x0  }
0xca: {  	[sflag:s30] =	ssyncadd.s32 $0xFFFFC000  }
0xcb: {  	[spmem:s23] =	stream.indirect.scatter.add.f32 [tilespmem:s16], [sflag:$0x3], $0x80, s3, s17, $0xb8;
	[tilespmem:$0x1CD00] =	vst v63  }
0xcc: {  	_ = 	snop  }
0xcd: {  	[spmem:s24] =	stream.indirect.scatter.add.f32 [tilespmem:s13], [sflag:$0x3], $0x1, s3, s17, $0xb8;
	[tilespmem:$0x1CD00] =	vst v63  }
0xce: {  	_ =	swait.ge [sflag:s31], $0x4000  }
0xcf: {  	[sflag:s31] =	ssyncset.done $0x0  }
0xd0: {  	[sflag:s31] =	ssyncadd.s32 $0xFFFFC000  }
0xd1: {  	_ =	swait.ge [sflag:s31], $0x80  }
0xd2: {  	[sflag:s31] =	ssyncset.done $0x0  }
0xd3: {  	s9 =	sadd.s32 $0x0, s21;
	[sflag:s31] =	ssyncadd.s32 $0xFFFFFF80  }
0xd4: {  	[tilespmem:s3], [sflag:$0x1] =	stream.linear.gather [hbm4b:s9+s3], $0x80, $0x38;
	[tilespmem:$0x1CD00] =	vst v63  }
0xd5: {  	_ = 	snop  }
0xd6: {  	[tilespmem:s16], [sflag:$0x1] =	stream.linear.gather [hbm4b:s4+s3], $0x4000, $0x38;
	[tilespmem:$0x1CD00] =	vst v63  }
0xd7: {  	_ =	swait.ge [sflag:s0], $0x80  }
0xd8: {  	[sflag:s0] =	ssyncset.done $0x0  }
0xd9: {  	[sflag:s0] =	ssyncadd.s32 $0xFFFFFF80  }
0xda: {  	_ =	swait.ge [sflag:s0], $0x4000  }
0xdb: {  	[sflag:s0] =	ssyncset.done $0x0  }
0xdc: {  	s2 =	sadd.s32 $0x1000, s4;
	s5 =	simm.s32 $0x20;
	[sflag:s0] =	ssyncadd.s32 $0xFFFFC000  }
0xdd: {  	[spmem:s23] =	stream.indirect.scatter.add.f32 [tilespmem:s18], [sflag:$0x4], $0x80, s17, s17, $0xb8;
	[tilespmem:$0x1CD00] =	vst v63  }
.LBB2_2:
0xde: {  	[spmem:s24] =	stream.indirect.scatter.add.f32 [tilespmem:s13], [sflag:$0x4], $0x1, s17, s17, $0xb8;
	[tilespmem:$0x1CD00] =	vst v63  }
0xdf: {  	s4 =	smov.u32 s5  }
0xe0: {  	p1 =	sne.s32 s5, $0x480;
	s5 =	sadd.s32 $0x20, s5;
	_ =	swait.ge [sflag:s1], $0x4000  }
0xe1: {  	[sflag:s1] =	ssyncset.done $0x0  }
0xe2: {  	[sflag:s1] =	ssyncadd.s32 $0xFFFFC000  }
0xe3: {  	_ =	swait.ge [sflag:s1], $0x80  }
0xe4: {  	[sflag:s1] =	ssyncset.done $0x0  }
0xe5: {  	s9 =	sadd.s32 s4, s22;
	[sflag:s1] =	ssyncadd.s32 $0xFFFFFF80  }
0xe6: {  	[tilespmem:s17], [sflag:$0x2] =	stream.linear.gather [hbm4b:s9+s3], $0x80, $0x38;
	[tilespmem:$0x1CD00] =	vst v63  }
0xe7: {  	s9 =	sadd.s32 $0xFFFFF800, s2  }
0xe8: {  	[tilespmem:s18], [sflag:$0x2] =	stream.linear.gather [hbm4b:s9+s3], $0x4000, $0x38;
	[tilespmem:$0x1CD00] =	vst v63  }
0xe9: {  	_ =	swait.ge [sflag:s30], $0x80  }
0xea: {  	[sflag:s30] =	ssyncset.done $0x0  }
0xeb: {  	[sflag:s30] =	ssyncadd.s32 $0xFFFFFF80  }
0xec: {  	_ =	swait.ge [sflag:s30], $0x4000  }
0xed: {  	[sflag:s30] =	ssyncset.done $0x0  }
0xee: {  	[sflag:s30] =	ssyncadd.s32 $0xFFFFC000  }
0xef: {  	[spmem:s23] =	stream.indirect.scatter.add.f32 [tilespmem:s16], [sflag:$0x3], $0x80, s3, s17, $0xb8;
	[tilespmem:$0x1CD00] =	vst v63  }
0xf0: {  	_ = 	snop  }
0xf1: {  	[spmem:s24] =	stream.indirect.scatter.add.f32 [tilespmem:s13], [sflag:$0x3], $0x1, s3, s17, $0xb8;
	[tilespmem:$0x1CD00] =	vst v63  }
0xf2: {  	_ =	swait.ge [sflag:s31], $0x4000  }
0xf3: {  	[sflag:s31] =	ssyncset.done $0x0  }
0xf4: {  	[sflag:s31] =	ssyncadd.s32 $0xFFFFC000  }
0xf5: {  	_ =	swait.ge [sflag:s31], $0x80  }
0xf6: {  	[sflag:s31] =	ssyncset.done $0x0  }
0xf7: {  	s4 =	sadd.s32 s4, s21;
	[sflag:s31] =	ssyncadd.s32 $0xFFFFFF80  }
0xf8: {  	[tilespmem:s3], [sflag:$0x1] =	stream.linear.gather [hbm4b:s4+s3], $0x80, $0x38;
	[tilespmem:$0x1CD00] =	vst v63  }
0xf9: {  	_ = 	snop  }
0xfa: {  	[tilespmem:s16], [sflag:$0x1] =	stream.linear.gather [hbm4b:s2+s3], $0x4000, $0x38;
	[tilespmem:$0x1CD00] =	vst v63  }
0xfb: {  	_ =	swait.ge [sflag:s0], $0x80  }
0xfc: {  	[sflag:s0] =	ssyncset.done $0x0  }
0xfd: {  	[sflag:s0] =	ssyncadd.s32 $0xFFFFFF80  }
.Ltmp0:
0xfe: {  	_ =	swait.ge [sflag:s0], $0x4000;
	(pc) =	sbr.rel @p1 .LBB2_2-.Ltmp0, $4  }
0xff: {  	[sflag:s0] =	ssyncset.done $0x0  }
0x100: {  	[sflag:s0] =	ssyncadd.s32 $0xFFFFC000  }
0x101: {  	[spmem:s23] =	stream.indirect.scatter.add.f32 [tilespmem:s18], [sflag:$0x4], $0x80, s17, s17, $0xb8;
	[tilespmem:$0x1CD00] =	vst v63  }
0x102: {  	s2 =	sadd.s32 $0x1000, s2  }
0x103: {  	[spmem:s24] =	stream.indirect.scatter.add.f32 [tilespmem:s13], [sflag:$0x4], $0x1, s17, s17, $0xb8;
	[tilespmem:$0x1CD00] =	vst v63  }
0x104: {  	_ =	swait.ge [sflag:s1], $0x4000  }
0x105: {  	[sflag:s1] =	ssyncset.done $0x0  }
0x106: {  	[sflag:s1] =	ssyncadd.s32 $0xFFFFC000  }
0x107: {  	_ =	swait.ge [sflag:s1], $0x80  }
0x108: {  	s2 =	sld [smem:$0x7E4]  }
0x109: {  	[sflag:s1] =	ssyncset.done $0x0  }
0x10a: {  	s4 =	sld [smem:$0x7D5];
	[sflag:s1] =	ssyncadd.s32 $0xFFFFFF80  }
0x10b: {  	[tilespmem:s17], [sflag:$0x2] =	stream.linear.gather [hbm4b:s2+s3], $0x80, $0x38;
	[tilespmem:$0x1CD00] =	vst v63  }
0x10c: {  	_ = 	snop  }
0x10d: {  	[tilespmem:s18], [sflag:$0x2] =	stream.linear.gather [hbm4b:s4+s3], $0x4000, $0x38;
	[tilespmem:$0x1CD00] =	vst v63  }
0x10e: {  	_ =	swait.ge [sflag:s30], $0x80  }
0x10f: {  	[sflag:s30] =	ssyncset.done $0x0  }
0x110: {  	[sflag:s30] =	ssyncadd.s32 $0xFFFFFF80  }
0x111: {  	_ =	swait.ge [sflag:s30], $0x4000  }
0x112: {  	[sflag:s30] =	ssyncset.done $0x0  }
0x113: {  	[sflag:s30] =	ssyncadd.s32 $0xFFFFC000  }
0x114: {  	[spmem:s23] =	stream.indirect.scatter.add.f32 [tilespmem:s16], [sflag:$0x3], $0x80, s3, s17, $0xb8;
	[tilespmem:$0x1CD00] =	vst v63  }
0x115: {  	s5 =	sld [smem:$0x7E7]  }
0x116: {  	[spmem:s24] =	stream.indirect.scatter.add.f32 [tilespmem:s13], [sflag:$0x3], $0x1, s3, s17, $0xb8;
	[tilespmem:$0x1CD00] =	vst v63  }
0x117: {  	s4 =	simm.s32 $0x8180;
	s9 =	sld [smem:$0x7D8]  }
0x118: {  	[tilespmem:s4], [sflag:$0x1] =	stream.linear.gather [hbm4b:s5+s3], $0x10, $0x38;
	[tilespmem:$0x1CD00] =	vst v63  }
0x119: {  	s5 =	simm.s32 $0x8200  }
0x11a: {  	[tilespmem:s5], [sflag:$0x1] =	stream.linear.gather [hbm4b:s9+s3], $0x800, $0x38;
	[tilespmem:$0x1CD00] =	vst v63  }
0x11b: {  	_ =	swait.ge [sflag:s31], $0x4000  }
0x11c: {  	[sflag:s31] =	ssyncset.done $0x0  }
0x11d: {  	[sflag:s31] =	ssyncadd.s32 $0xFFFFC000  }
0x11e: {  	_ =	swait.ge [sflag:s31], $0x80  }
0x11f: {  	[sflag:s31] =	ssyncset.done $0x0  }
0x120: {  	[sflag:s31] =	ssyncadd.s32 $0xFFFFFF80  }
0x121: {  	_ =	swait.ge [sflag:s0], $0x80  }
0x122: {  	[sflag:s0] =	ssyncset.done $0x0  }
0x123: {  	[sflag:s0] =	ssyncadd.s32 $0xFFFFFF80  }
0x124: {  	_ =	swait.ge [sflag:s0], $0x4000  }
0x125: {  	[sflag:s0] =	ssyncset.done $0x0  }
0x126: {  	[sflag:s0] =	ssyncadd.s32 $0xFFFFC000  }
0x127: {  	[spmem:s23] =	stream.indirect.scatter.add.f32 [tilespmem:s18], [sflag:$0x4], $0x80, s17, s17, $0xb8;
	[tilespmem:$0x1CD00] =	vst v63  }
0x128: {  	_ = 	snop  }
0x129: {  	[spmem:s24] =	stream.indirect.scatter.add.f32 [tilespmem:s13], [sflag:$0x4], $0x1, s17, s17, $0xb8;
	[tilespmem:$0x1CD00] =	vst v63  }
0x12a: {  	_ =	swait.ge [sflag:s1], $0x4000  }
0x12b: {  	[sflag:s1] =	ssyncset.done $0x0  }
0x12c: {  	[sflag:s1] =	ssyncadd.s32 $0xFFFFC000  }
0x12d: {  	_ =	swait.ge [sflag:s1], $0x80  }
0x12e: {  	[sflag:s1] =	ssyncset.done $0x0  }
0x12f: {  	[sflag:s1] =	ssyncadd.s32 $0xFFFFFF80  }
0x130: {  	_ =	swait.ge [sflag:s30], $0x10  }
0x131: {  	[sflag:s30] =	ssyncset.done $0x0  }
0x132: {  	[sflag:s30] =	ssyncadd.s32 $0xFFFFFFF0  }
0x133: {  	_ =	swait.ge [sflag:s30], $0x800  }
0x134: {  	[sflag:s30] =	ssyncset.done $0x0  }
0x135: {  	s9 =	simm.s32 $0x10;
	[sflag:s30] =	ssyncadd.s32 $0xFFFFF800  }
0x136: {  	[spmem:s23] =	stream.indirect.scatter.add.f32 [tilespmem:s5], [sflag:$0x5], $0x80, s4, s9, $0xb8;
	[tilespmem:$0x1CD00] =	vst v63  }
0x137: {  	_ =	swait.ge [sflag:s14], $0x800  }
0x138: {  	[sflag:s14] =	ssyncset.done $0x0  }
0x139: {  	s5 =	simm.s32 $0x8A00;
	[sflag:s14] =	ssyncadd.s32 $0xFFFFF800  }
0x13a: {  	[spmem:s24] =	stream.indirect.scatter.add.f32 [tilespmem:s5], [sflag:$0x5], $0x1, s4, s9, $0xb8;
	[tilespmem:$0x1CD00] =	vst v63  }
0x13b: {  	_ =	swait.ge [sflag:s14], $0x10  }
0x13c: {  	[sflag:s14] =	ssyncset.done $0x0  }
0x13d: {  	[sflag:s14] =	ssyncadd.s32 $0xFFFFFFF0  }
0x13e: {  	[bflag:$0x0] =	sbarrier.arrive $0xFFFF  }
0x13f: {  	s9 =	rddreg [dreg:$0xe]  }
0x140: {  	[hbm:s9], [sflag:s10] =	dma.local [spmem:s11], $0x800  }
0x141: {  	_ =	swait.ge [sflag:s14], $0x800  }
0x142: {  	[sflag:s14] =	ssyncset.done $0x0  }
0x143: {  	s4 =	rddreg [dreg:$0xf];
	[sflag:s14] =	ssyncadd.s32 $0xFFFFF800  }
0x144: {  	[hbm:s4], [sflag:s10] =	dma.local [spmem:s12], $0x800  }
0x145: {  	_ =	swait.ge [sflag:s14], $0x800  }
0x146: {  	[sflag:s14] =	ssyncset.done $0x0  }
0x147: {  	s5 =	rddreg [dreg:$0x10];
	[sflag:s14] =	ssyncadd.s32 $0xFFFFF800  }
0x148: {  	[hbm:s5], [sflag:s10] =	dma.local [spmem:s15], $0x800  }
0x149: {  	_ =	swait.ge [sflag:s14], $0x800  }
0x14a: {  	[sflag:s14] =	ssyncset.done $0x0  }
0x14b: {  	s9 =	rddreg [dreg:$0x11];
	[sflag:s14] =	ssyncadd.s32 $0xFFFFF800  }
0x14c: {  	[hbm:s9], [sflag:s10] =	dma.local [spmem:s6], $0x800  }
0x14d: {  	_ =	swait.ge [sflag:s14], $0x800  }
0x14e: {  	[sflag:s14] =	ssyncset.done $0x0  }
0x14f: {  	s4 =	rddreg [dreg:$0x12];
	[sflag:s14] =	ssyncadd.s32 $0xFFFFF800  }
0x150: {  	[hbm:s4], [sflag:s10] =	dma.local [spmem:s7], $0x800  }
0x151: {  	_ =	swait.ge [sflag:s14], $0x800  }
0x152: {  	[sflag:s14] =	ssyncset.done $0x0  }
0x153: {  	s2 =	rddreg [dreg:$0x1d];
	[sflag:s14] =	ssyncadd.s32 $0xFFFFF800  }
0x154: {  	[hbm:s2], [sflag:s10] =	dma.local @!p0 [spmem:s8], $0x500  }
0x155: {  	s2 =	simm.s32 @!p0 $0x5  }
0x156: {  	_ =	swait.ge @!p0 [sflag:s2], $0x500  }
0x157: {  	[sflag:s2] =	ssyncset.done @!p0 $0x0  }
0x158: {  	[sflag:s2] =	ssyncadd.s32 @!p0 $0xFFFFFB00  }
0x159: {  	[spmem:s11], [sflag:s10] =	dma.local [hbm:s19], $0x800  }
0x15a: {  	_ =	swait.ge [sflag:s14], $0x800  }
0x15b: {  	[sflag:s14] =	ssyncset.done $0x0  }
0x15c: {  	[sflag:s14] =	ssyncadd.s32 $0xFFFFF800  }
0x15d: {  	[spmem:s12], [sflag:s10] =	dma.local [hbm:s19], $0x800  }
0x15e: {  	_ =	swait.ge [sflag:s14], $0x800  }
0x15f: {  	[sflag:s14] =	ssyncset.done $0x0  }
0x160: {  	[sflag:s14] =	ssyncadd.s32 $0xFFFFF800  }
0x161: {  	[spmem:s15], [sflag:s10] =	dma.local [hbm:s19], $0x800  }
0x162: {  	_ =	swait.ge [sflag:s14], $0x800  }
0x163: {  	[sflag:s14] =	ssyncset.done $0x0  }
0x164: {  	[sflag:s14] =	ssyncadd.s32 $0xFFFFF800  }
0x165: {  	[spmem:s6], [sflag:s10] =	dma.local [hbm:s19], $0x800  }
0x166: {  	_ =	swait.ge [sflag:s14], $0x800  }
0x167: {  	[sflag:s14] =	ssyncset.done $0x0  }
0x168: {  	[sflag:s14] =	ssyncadd.s32 $0xFFFFF800  }
0x169: {  	[spmem:s7], [sflag:s10] =	dma.local [hbm:s19], $0x800  }
0x16a: {  	_ =	swait.ge [sflag:s14], $0x800  }
0x16b: {  	[sflag:s14] =	ssyncset.done $0x0  }
0x16c: {  	[sflag:s14] =	ssyncadd.s32 $0xFFFFF800  }
0x16d: {  	[spmem:s8], [sflag:s10] =	dma.local @!p0 [hbm:s20], $0x100  }
0x16e: {  	_ =	swait.ge @!p0 [sflag:s2], $0x100  }
0x16f: {  	s4 =	sld [smem:$0x7CE]  }
0x170: {  	[sflag:s2] =	ssyncset.done @!p0 $0x0  }
0x171: {  	[sflag:s2] =	ssyncadd.s32 @!p0 $0xFFFFFF00  }
0x172: {  	[spmem:s4], [sflag:s10] =	dma.local @!p0 [hbm:s20], $0x100  }
0x173: {  	_ =	swait.ge @!p0 [sflag:s2], $0x100  }
0x174: {  	s4 =	sld [smem:$0x7CF]  }
0x175: {  	[sflag:s2] =	ssyncset.done @!p0 $0x0  }
0x176: {  	[sflag:s2] =	ssyncadd.s32 @!p0 $0xFFFFFF00  }
0x177: {  	[spmem:s4], [sflag:s10] =	dma.local @!p0 [hbm:s20], $0x100  }
0x178: {  	_ =	swait.ge @!p0 [sflag:s2], $0x100  }
0x179: {  	s4 =	sld [smem:$0x7D0]  }
0x17a: {  	[sflag:s2] =	ssyncset.done @!p0 $0x0  }
0x17b: {  	[sflag:s2] =	ssyncadd.s32 @!p0 $0xFFFFFF00  }
0x17c: {  	[spmem:s4], [sflag:s10] =	dma.local @!p0 [hbm:s20], $0x100  }
0x17d: {  	_ =	swait.ge @!p0 [sflag:s2], $0x100  }
0x17e: {  	s4 =	sld [smem:$0x7D1]  }
0x17f: {  	[sflag:s2] =	ssyncset.done @!p0 $0x0  }
0x180: {  	[sflag:s2] =	ssyncadd.s32 @!p0 $0xFFFFFF00  }
0x181: {  	[spmem:s4], [sflag:s10] =	dma.local @!p0 [hbm:s20], $0x100  }
0x182: {  	_ =	swait.ge @!p0 [sflag:s2], $0x100  }
0x183: {  	[sflag:s2] =	ssyncset.done @!p0 $0x0  }
0x184: {  	[sflag:s2] =	ssyncadd.s32 @!p0 $0xFFFFFF00  }
0x185: {  	[bflag:$0x0] =	sbarrier.arrive $0xFFFF  }
0x186: {  	s5 =	sld [smem:$0x7E2];
	_ =	sdelay $0x1  }
0x187: {  	s2 =	simm.s32 $0x0;
	s9 =	sld [smem:$0x7D3]  }
0x188: {  	[tilespmem:s2], [sflag:$0x1] =	stream.linear.gather [hbm4b:s5+s2], $0x80, $0x38;
	[tilespmem:$0x1CD00] =	vst v63  }
0x189: {  	s5 =	sld [smem:$0x7EB]  }
0x18a: {  	[tilespmem:s16], [sflag:$0x1] =	stream.linear.gather [hbm4b:s9+s2], $0x4000, $0x38;
	[tilespmem:$0x1CD00] =	vst v63  }
0x18b: {  	s9 =	sld [smem:$0x7DC]  }
0x18c: {  	[tilespmem:s17], [sflag:$0x2] =	stream.linear.gather [hbm4b:s5+s2], $0x80, $0x38;
	[tilespmem:$0x1CD00] =	vst v63  }
0x18d: {  	_ = 	snop  }
0x18e: {  	[tilespmem:s18], [sflag:$0x2] =	stream.linear.gather [hbm4b:s9+s2], $0x4000, $0x38;
	[tilespmem:$0x1CD00] =	vst v63  }
0x18f: {  	_ =	swait.ge [sflag:s30], $0x80  }
0x190: {  	[sflag:s30] =	ssyncset.done $0x0  }
0x191: {  	[sflag:s30] =	ssyncadd.s32 $0xFFFFFF80  }
0x192: {  	_ =	swait.ge [sflag:s30], $0x4000  }
0x193: {  	[sflag:s30] =	ssyncset.done $0x0  }
0x194: {  	[sflag:s30] =	ssyncadd.s32 $0xFFFFC000  }
0x195: {  	[spmem:s23] =	stream.indirect.scatter.add.f32 [tilespmem:s16], [sflag:$0x3], $0x80, s2, s17, $0xb8;
	[tilespmem:$0x1CD00] =	vst v63  }
0x196: {  	_ = 	snop  }
0x197: {  	[spmem:s24] =	stream.indirect.scatter.add.f32 [tilespmem:s13], [sflag:$0x3], $0x1, s2, s17, $0xb8;
	[tilespmem:$0x1CD00] =	vst v63  }
0x198: {  	_ =	swait.ge [sflag:s31], $0x4000  }
0x199: {  	[sflag:s31] =	ssyncset.done $0x0  }
0x19a: {  	[sflag:s31] =	ssyncadd.s32 $0xFFFFC000  }
0x19b: {  	_ =	swait.ge [sflag:s31], $0x80  }
0x19c: {  	s5 =	sld [smem:$0x7EE]  }
0x19d: {  	[sflag:s31] =	ssyncset.done $0x0  }
0x19e: {  	s9 =	sld [smem:$0x7DF];
	[sflag:s31] =	ssyncadd.s32 $0xFFFFFF80  }
0x19f: {  	[tilespmem:s2], [sflag:$0x1] =	stream.linear.gather [hbm4b:s5+s2], $0x80, $0x38;
	[tilespmem:$0x1CD00] =	vst v63  }
0x1a0: {  	_ = 	snop  }
0x1a1: {  	[tilespmem:s16], [sflag:$0x1] =	stream.linear.gather [hbm4b:s9+s2], $0x4000, $0x38;
	[tilespmem:$0x1CD00] =	vst v63  }
0x1a2: {  	_ =	swait.ge [sflag:s0], $0x80  }
0x1a3: {  	[sflag:s0] =	ssyncset.done $0x0  }
0x1a4: {  	[sflag:s0] =	ssyncadd.s32 $0xFFFFFF80  }
0x1a5: {  	_ =	swait.ge [sflag:s0], $0x4000  }
0x1a6: {  	[sflag:s0] =	ssyncset.done $0x0  }
0x1a7: {  	[sflag:s0] =	ssyncadd.s32 $0xFFFFC000  }
0x1a8: {  	[spmem:s23] =	stream.indirect.scatter.add.f32 [tilespmem:s18], [sflag:$0x4], $0x80, s17, s17, $0xb8;
	[tilespmem:$0x1CD00] =	vst v63  }
0x1a9: {  	_ = 	snop  }
0x1aa: {  	[spmem:s24] =	stream.indirect.scatter.add.f32 [tilespmem:s13], [sflag:$0x4], $0x1, s17, s17, $0xb8;
	[tilespmem:$0x1CD00] =	vst v63  }
0x1ab: {  	_ =	swait.ge [sflag:s1], $0x4000  }
0x1ac: {  	[sflag:s1] =	ssyncset.done $0x0  }
0x1ad: {  	[sflag:s1] =	ssyncadd.s32 $0xFFFFC000  }
0x1ae: {  	_ =	swait.ge [sflag:s1], $0x80  }
0x1af: {  	[sflag:s1] =	ssyncset.done $0x0  }
0x1b0: {  	s4 =	sadd.s32 $0x0, s26;
	[sflag:s1] =	ssyncadd.s32 $0xFFFFFF80  }
0x1b1: {  	[tilespmem:s17], [sflag:$0x2] =	stream.linear.gather [hbm4b:s4+s3], $0x80, $0x38;
	[tilespmem:$0x1CD00] =	vst v63  }
0x1b2: {  	s4 =	sld [smem:$0x7F8];
	_ =	sdelay $0x2  }
0x1b3: {  	s5 =	sadd.s32 $0xFFFFF800, s4  }
0x1b4: {  	[tilespmem:s18], [sflag:$0x2] =	stream.linear.gather [hbm4b:s5+s3], $0x4000, $0x38;
	[tilespmem:$0x1CD00] =	vst v63  }
0x1b5: {  	_ =	swait.ge [sflag:s30], $0x80  }
0x1b6: {  	[sflag:s30] =	ssyncset.done $0x0  }
0x1b7: {  	[sflag:s30] =	ssyncadd.s32 $0xFFFFFF80  }
0x1b8: {  	_ =	swait.ge [sflag:s30], $0x4000  }
0x1b9: {  	[sflag:s30] =	ssyncset.done $0x0  }
0x1ba: {  	[sflag:s30] =	ssyncadd.s32 $0xFFFFC000  }
0x1bb: {  	[spmem:s23] =	stream.indirect.scatter.add.f32 [tilespmem:s16], [sflag:$0x3], $0x80, s3, s17, $0xb8;
	[tilespmem:$0x1CD00] =	vst v63  }
0x1bc: {  	_ = 	snop  }
0x1bd: {  	[spmem:s24] =	stream.indirect.scatter.add.f32 [tilespmem:s13], [sflag:$0x3], $0x1, s3, s17, $0xb8;
	[tilespmem:$0x1CD00] =	vst v63  }
0x1be: {  	_ =	swait.ge [sflag:s31], $0x4000  }
0x1bf: {  	[sflag:s31] =	ssyncset.done $0x0  }
0x1c0: {  	[sflag:s31] =	ssyncadd.s32 $0xFFFFC000  }
0x1c1: {  	_ =	swait.ge [sflag:s31], $0x80  }
0x1c2: {  	[sflag:s31] =	ssyncset.done $0x0  }
0x1c3: {  	s9 =	sadd.s32 $0x0, s25;
	[sflag:s31] =	ssyncadd.s32 $0xFFFFFF80  }
0x1c4: {  	[tilespmem:s3], [sflag:$0x1] =	stream.linear.gather [hbm4b:s9+s3], $0x80, $0x38;
	[tilespmem:$0x1CD00] =	vst v63  }
0x1c5: {  	_ = 	snop  }
0x1c6: {  	[tilespmem:s16], [sflag:$0x1] =	stream.linear.gather [hbm4b:s4+s3], $0x4000, $0x38;
	[tilespmem:$0x1CD00] =	vst v63  }
0x1c7: {  	_ =	swait.ge [sflag:s0], $0x80  }
0x1c8: {  	[sflag:s0] =	ssyncset.done $0x0  }
0x1c9: {  	[sflag:s0] =	ssyncadd.s32 $0xFFFFFF80  }
0x1ca: {  	_ =	swait.ge [sflag:s0], $0x4000  }
0x1cb: {  	[sflag:s0] =	ssyncset.done $0x0  }
0x1cc: {  	s2 =	sadd.s32 $0x1000, s4;
	s5 =	simm.s32 $0x20;
	[sflag:s0] =	ssyncadd.s32 $0xFFFFC000  }
0x1cd: {  	[spmem:s23] =	stream.indirect.scatter.add.f32 [tilespmem:s18], [sflag:$0x4], $0x80, s17, s17, $0xb8;
	[tilespmem:$0x1CD00] =	vst v63  }
.LBB2_4:
0x1ce: {  	[spmem:s24] =	stream.indirect.scatter.add.f32 [tilespmem:s13], [sflag:$0x4], $0x1, s17, s17, $0xb8;
	[tilespmem:$0x1CD00] =	vst v63  }
0x1cf: {  	s4 =	smov.u32 s5  }
0x1d0: {  	p1 =	sne.s32 s5, $0x480;
	s5 =	sadd.s32 $0x20, s5;
	_ =	swait.ge [sflag:s1], $0x4000  }
0x1d1: {  	[sflag:s1] =	ssyncset.done $0x0  }
0x1d2: {  	[sflag:s1] =	ssyncadd.s32 $0xFFFFC000  }
0x1d3: {  	_ =	swait.ge [sflag:s1], $0x80  }
0x1d4: {  	[sflag:s1] =	ssyncset.done $0x0  }
0x1d5: {  	s9 =	sadd.s32 s4, s26;
	[sflag:s1] =	ssyncadd.s32 $0xFFFFFF80  }
0x1d6: {  	[tilespmem:s17], [sflag:$0x2] =	stream.linear.gather [hbm4b:s9+s3], $0x80, $0x38;
	[tilespmem:$0x1CD00] =	vst v63  }
0x1d7: {  	s9 =	sadd.s32 $0xFFFFF800, s2  }
0x1d8: {  	[tilespmem:s18], [sflag:$0x2] =	stream.linear.gather [hbm4b:s9+s3], $0x4000, $0x38;
	[tilespmem:$0x1CD00] =	vst v63  }
0x1d9: {  	_ =	swait.ge [sflag:s30], $0x80  }
0x1da: {  	[sflag:s30] =	ssyncset.done $0x0  }
0x1db: {  	[sflag:s30] =	ssyncadd.s32 $0xFFFFFF80  }
0x1dc: {  	_ =	swait.ge [sflag:s30], $0x4000  }
0x1dd: {  	[sflag:s30] =	ssyncset.done $0x0  }
0x1de: {  	[sflag:s30] =	ssyncadd.s32 $0xFFFFC000  }
0x1df: {  	[spmem:s23] =	stream.indirect.scatter.add.f32 [tilespmem:s16], [sflag:$0x3], $0x80, s3, s17, $0xb8;
	[tilespmem:$0x1CD00] =	vst v63  }
0x1e0: {  	_ = 	snop  }
0x1e1: {  	[spmem:s24] =	stream.indirect.scatter.add.f32 [tilespmem:s13], [sflag:$0x3], $0x1, s3, s17, $0xb8;
	[tilespmem:$0x1CD00] =	vst v63  }
0x1e2: {  	_ =	swait.ge [sflag:s31], $0x4000  }
0x1e3: {  	[sflag:s31] =	ssyncset.done $0x0  }
0x1e4: {  	[sflag:s31] =	ssyncadd.s32 $0xFFFFC000  }
0x1e5: {  	_ =	swait.ge [sflag:s31], $0x80  }
0x1e6: {  	[sflag:s31] =	ssyncset.done $0x0  }
0x1e7: {  	s4 =	sadd.s32 s4, s25;
	[sflag:s31] =	ssyncadd.s32 $0xFFFFFF80  }
0x1e8: {  	[tilespmem:s3], [sflag:$0x1] =	stream.linear.gather [hbm4b:s4+s3], $0x80, $0x38;
	[tilespmem:$0x1CD00] =	vst v63  }
0x1e9: {  	_ = 	snop  }
0x1ea: {  	[tilespmem:s16], [sflag:$0x1] =	stream.linear.gather [hbm4b:s2+s3], $0x4000, $0x38;
	[tilespmem:$0x1CD00] =	vst v63  }
0x1eb: {  	_ =	swait.ge [sflag:s0], $0x80  }
0x1ec: {  	[sflag:s0] =	ssyncset.done $0x0  }
0x1ed: {  	[sflag:s0] =	ssyncadd.s32 $0xFFFFFF80  }
.Ltmp1:
0x1ee: {  	_ =	swait.ge [sflag:s0], $0x4000;
	(pc) =	sbr.rel @p1 .LBB2_4-.Ltmp1, $4  }
0x1ef: {  	[sflag:s0] =	ssyncset.done $0x0  }
0x1f0: {  	[sflag:s0] =	ssyncadd.s32 $0xFFFFC000  }
0x1f1: {  	[spmem:s23] =	stream.indirect.scatter.add.f32 [tilespmem:s18], [sflag:$0x4], $0x80, s17, s17, $0xb8;
	[tilespmem:$0x1CD00] =	vst v63  }
0x1f2: {  	s2 =	sadd.s32 $0x1000, s2  }
0x1f3: {  	[spmem:s24] =	stream.indirect.scatter.add.f32 [tilespmem:s13], [sflag:$0x4], $0x1, s17, s17, $0xb8;
	[tilespmem:$0x1CD00] =	vst v63  }
0x1f4: {  	_ =	swait.ge [sflag:s1], $0x4000  }
0x1f5: {  	[sflag:s1] =	ssyncset.done $0x0  }
0x1f6: {  	[sflag:s1] =	ssyncadd.s32 $0xFFFFC000  }
0x1f7: {  	_ =	swait.ge [sflag:s1], $0x80  }
0x1f8: {  	s2 =	sld [smem:$0x7E5]  }
0x1f9: {  	[sflag:s1] =	ssyncset.done $0x0  }
0x1fa: {  	s4 =	sld [smem:$0x7D6];
	[sflag:s1] =	ssyncadd.s32 $0xFFFFFF80  }
0x1fb: {  	[tilespmem:s17], [sflag:$0x2] =	stream.linear.gather [hbm4b:s2+s3], $0x80, $0x38;
	[tilespmem:$0x1CD00] =	vst v63  }
0x1fc: {  	_ = 	snop  }
0x1fd: {  	[tilespmem:s18], [sflag:$0x2] =	stream.linear.gather [hbm4b:s4+s3], $0x4000, $0x38;
	[tilespmem:$0x1CD00] =	vst v63  }
0x1fe: {  	_ =	swait.ge [sflag:s30], $0x80  }
0x1ff: {  	[sflag:s30] =	ssyncset.done $0x0  }
0x200: {  	[sflag:s30] =	ssyncadd.s32 $0xFFFFFF80  }
0x201: {  	_ =	swait.ge [sflag:s30], $0x4000  }
0x202: {  	[sflag:s30] =	ssyncset.done $0x0  }
0x203: {  	[sflag:s30] =	ssyncadd.s32 $0xFFFFC000  }
0x204: {  	[spmem:s23] =	stream.indirect.scatter.add.f32 [tilespmem:s16], [sflag:$0x3], $0x80, s3, s17, $0xb8;
	[tilespmem:$0x1CD00] =	vst v63  }
0x205: {  	s5 =	sld [smem:$0x7E8]  }
0x206: {  	[spmem:s24] =	stream.indirect.scatter.add.f32 [tilespmem:s13], [sflag:$0x3], $0x1, s3, s17, $0xb8;
	[tilespmem:$0x1CD00] =	vst v63  }
0x207: {  	s4 =	simm.s32 $0x8180;
	s9 =	sld [smem:$0x7D9]  }
0x208: {  	[tilespmem:s4], [sflag:$0x1] =	stream.linear.gather [hbm4b:s5+s3], $0x10, $0x38;
	[tilespmem:$0x1CD00] =	vst v63  }
0x209: {  	s5 =	simm.s32 $0x8200  }
0x20a: {  	[tilespmem:s5], [sflag:$0x1] =	stream.linear.gather [hbm4b:s9+s3], $0x800, $0x38;
	[tilespmem:$0x1CD00] =	vst v63  }
0x20b: {  	_ =	swait.ge [sflag:s31], $0x4000  }
0x20c: {  	[sflag:s31] =	ssyncset.done $0x0  }
0x20d: {  	[sflag:s31] =	ssyncadd.s32 $0xFFFFC000  }
0x20e: {  	_ =	swait.ge [sflag:s31], $0x80  }
0x20f: {  	[sflag:s31] =	ssyncset.done $0x0  }
0x210: {  	[sflag:s31] =	ssyncadd.s32 $0xFFFFFF80  }
0x211: {  	_ =	swait.ge [sflag:s0], $0x80  }
0x212: {  	[sflag:s0] =	ssyncset.done $0x0  }
0x213: {  	[sflag:s0] =	ssyncadd.s32 $0xFFFFFF80  }
0x214: {  	_ =	swait.ge [sflag:s0], $0x4000  }
0x215: {  	[sflag:s0] =	ssyncset.done $0x0  }
0x216: {  	[sflag:s0] =	ssyncadd.s32 $0xFFFFC000  }
0x217: {  	[spmem:s23] =	stream.indirect.scatter.add.f32 [tilespmem:s18], [sflag:$0x4], $0x80, s17, s17, $0xb8;
	[tilespmem:$0x1CD00] =	vst v63  }
0x218: {  	_ = 	snop  }
0x219: {  	[spmem:s24] =	stream.indirect.scatter.add.f32 [tilespmem:s13], [sflag:$0x4], $0x1, s17, s17, $0xb8;
	[tilespmem:$0x1CD00] =	vst v63  }
0x21a: {  	_ =	swait.ge [sflag:s1], $0x4000  }
0x21b: {  	[sflag:s1] =	ssyncset.done $0x0  }
0x21c: {  	[sflag:s1] =	ssyncadd.s32 $0xFFFFC000  }
0x21d: {  	_ =	swait.ge [sflag:s1], $0x80  }
0x21e: {  	[sflag:s1] =	ssyncset.done $0x0  }
0x21f: {  	[sflag:s1] =	ssyncadd.s32 $0xFFFFFF80  }
0x220: {  	_ =	swait.ge [sflag:s30], $0x10  }
0x221: {  	[sflag:s30] =	ssyncset.done $0x0  }
0x222: {  	[sflag:s30] =	ssyncadd.s32 $0xFFFFFFF0  }
0x223: {  	_ =	swait.ge [sflag:s30], $0x800  }
0x224: {  	[sflag:s30] =	ssyncset.done $0x0  }
0x225: {  	s9 =	simm.s32 $0x10;
	[sflag:s30] =	ssyncadd.s32 $0xFFFFF800  }
0x226: {  	[spmem:s23] =	stream.indirect.scatter.add.f32 [tilespmem:s5], [sflag:$0x5], $0x80, s4, s9, $0xb8;
	[tilespmem:$0x1CD00] =	vst v63  }
0x227: {  	_ =	swait.ge [sflag:s14], $0x800  }
0x228: {  	[sflag:s14] =	ssyncset.done $0x0  }
0x229: {  	s5 =	simm.s32 $0x8A00;
	[sflag:s14] =	ssyncadd.s32 $0xFFFFF800  }
0x22a: {  	[spmem:s24] =	stream.indirect.scatter.add.f32 [tilespmem:s5], [sflag:$0x5], $0x1, s4, s9, $0xb8;
	[tilespmem:$0x1CD00] =	vst v63  }
0x22b: {  	_ =	swait.ge [sflag:s14], $0x10  }
0x22c: {  	[sflag:s14] =	ssyncset.done $0x0  }
0x22d: {  	[sflag:s14] =	ssyncadd.s32 $0xFFFFFFF0  }
0x22e: {  	[bflag:$0x0] =	sbarrier.arrive $0xFFFF  }
0x22f: {  	s9 =	rddreg [dreg:$0x13]  }
0x230: {  	[hbm:s9], [sflag:s10] =	dma.local [spmem:s11], $0x800  }
0x231: {  	_ =	swait.ge [sflag:s14], $0x800  }
0x232: {  	[sflag:s14] =	ssyncset.done $0x0  }
0x233: {  	s4 =	rddreg [dreg:$0x14];
	[sflag:s14] =	ssyncadd.s32 $0xFFFFF800  }
0x234: {  	[hbm:s4], [sflag:s10] =	dma.local [spmem:s12], $0x800  }
0x235: {  	_ =	swait.ge [sflag:s14], $0x800  }
0x236: {  	[sflag:s14] =	ssyncset.done $0x0  }
0x237: {  	s5 =	rddreg [dreg:$0x15];
	[sflag:s14] =	ssyncadd.s32 $0xFFFFF800  }
0x238: {  	[hbm:s5], [sflag:s10] =	dma.local [spmem:s15], $0x800  }
0x239: {  	_ =	swait.ge [sflag:s14], $0x800  }
0x23a: {  	[sflag:s14] =	ssyncset.done $0x0  }
0x23b: {  	s9 =	rddreg [dreg:$0x16];
	[sflag:s14] =	ssyncadd.s32 $0xFFFFF800  }
0x23c: {  	[hbm:s9], [sflag:s10] =	dma.local [spmem:s6], $0x800  }
0x23d: {  	_ =	swait.ge [sflag:s14], $0x800  }
0x23e: {  	[sflag:s14] =	ssyncset.done $0x0  }
0x23f: {  	s4 =	rddreg [dreg:$0x17];
	[sflag:s14] =	ssyncadd.s32 $0xFFFFF800  }
0x240: {  	[hbm:s4], [sflag:s10] =	dma.local [spmem:s7], $0x800  }
0x241: {  	_ =	swait.ge [sflag:s14], $0x800  }
0x242: {  	[sflag:s14] =	ssyncset.done $0x0  }
0x243: {  	s2 =	rddreg [dreg:$0x1e];
	[sflag:s14] =	ssyncadd.s32 $0xFFFFF800  }
0x244: {  	[hbm:s2], [sflag:s10] =	dma.local @!p0 [spmem:s8], $0x500  }
0x245: {  	s2 =	simm.s32 @!p0 $0x5  }
0x246: {  	_ =	swait.ge @!p0 [sflag:s2], $0x500  }
0x247: {  	[sflag:s2] =	ssyncset.done @!p0 $0x0  }
0x248: {  	[sflag:s2] =	ssyncadd.s32 @!p0 $0xFFFFFB00  }
0x249: {  	[spmem:s11], [sflag:s10] =	dma.local [hbm:s19], $0x800  }
0x24a: {  	_ =	swait.ge [sflag:s14], $0x800  }
0x24b: {  	[sflag:s14] =	ssyncset.done $0x0  }
0x24c: {  	[sflag:s14] =	ssyncadd.s32 $0xFFFFF800  }
0x24d: {  	[spmem:s12], [sflag:s10] =	dma.local [hbm:s19], $0x800  }
0x24e: {  	_ =	swait.ge [sflag:s14], $0x800  }
0x24f: {  	[sflag:s14] =	ssyncset.done $0x0  }
0x250: {  	[sflag:s14] =	ssyncadd.s32 $0xFFFFF800  }
0x251: {  	[spmem:s15], [sflag:s10] =	dma.local [hbm:s19], $0x800  }
0x252: {  	_ =	swait.ge [sflag:s14], $0x800  }
0x253: {  	[sflag:s14] =	ssyncset.done $0x0  }
0x254: {  	[sflag:s14] =	ssyncadd.s32 $0xFFFFF800  }
0x255: {  	[spmem:s6], [sflag:s10] =	dma.local [hbm:s19], $0x800  }
0x256: {  	_ =	swait.ge [sflag:s14], $0x800  }
0x257: {  	[sflag:s14] =	ssyncset.done $0x0  }
0x258: {  	[sflag:s14] =	ssyncadd.s32 $0xFFFFF800  }
0x259: {  	[spmem:s7], [sflag:s10] =	dma.local [hbm:s19], $0x800  }
0x25a: {  	_ =	swait.ge [sflag:s14], $0x800  }
0x25b: {  	[sflag:s14] =	ssyncset.done $0x0  }
0x25c: {  	[sflag:s14] =	ssyncadd.s32 $0xFFFFF800  }
0x25d: {  	[spmem:s8], [sflag:s10] =	dma.local @!p0 [hbm:s20], $0x100  }
0x25e: {  	_ =	swait.ge @!p0 [sflag:s2], $0x100  }
0x25f: {  	s4 =	sld [smem:$0x7CE]  }
0x260: {  	[sflag:s2] =	ssyncset.done @!p0 $0x0  }
0x261: {  	[sflag:s2] =	ssyncadd.s32 @!p0 $0xFFFFFF00  }
0x262: {  	[spmem:s4], [sflag:s10] =	dma.local @!p0 [hbm:s20], $0x100  }
0x263: {  	_ =	swait.ge @!p0 [sflag:s2], $0x100  }
0x264: {  	s4 =	sld [smem:$0x7CF]  }
0x265: {  	[sflag:s2] =	ssyncset.done @!p0 $0x0  }
0x266: {  	[sflag:s2] =	ssyncadd.s32 @!p0 $0xFFFFFF00  }
0x267: {  	[spmem:s4], [sflag:s10] =	dma.local @!p0 [hbm:s20], $0x100  }
0x268: {  	_ =	swait.ge @!p0 [sflag:s2], $0x100  }
0x269: {  	s4 =	sld [smem:$0x7D0]  }
0x26a: {  	[sflag:s2] =	ssyncset.done @!p0 $0x0  }
0x26b: {  	[sflag:s2] =	ssyncadd.s32 @!p0 $0xFFFFFF00  }
0x26c: {  	[spmem:s4], [sflag:s10] =	dma.local @!p0 [hbm:s20], $0x100  }
0x26d: {  	_ =	swait.ge @!p0 [sflag:s2], $0x100  }
0x26e: {  	s4 =	sld [smem:$0x7D1]  }
0x26f: {  	[sflag:s2] =	ssyncset.done @!p0 $0x0  }
0x270: {  	[sflag:s2] =	ssyncadd.s32 @!p0 $0xFFFFFF00  }
0x271: {  	[spmem:s4], [sflag:s10] =	dma.local @!p0 [hbm:s20], $0x100  }
0x272: {  	_ =	swait.ge @!p0 [sflag:s2], $0x100  }
0x273: {  	[sflag:s2] =	ssyncset.done @!p0 $0x0  }
0x274: {  	[sflag:s2] =	ssyncadd.s32 @!p0 $0xFFFFFF00  }
0x275: {  	[bflag:$0x0] =	sbarrier.arrive $0xFFFF  }
0x276: {  	s5 =	sld [smem:$0x7E3];
	_ =	sdelay $0x1  }
0x277: {  	s2 =	simm.s32 $0x0;
	s9 =	sld [smem:$0x7D4]  }
0x278: {  	[tilespmem:s2], [sflag:$0x1] =	stream.linear.gather [hbm4b:s5+s2], $0x80, $0x38;
	[tilespmem:$0x1CD00] =	vst v63  }
0x279: {  	s5 =	sld [smem:$0x7EC]  }
0x27a: {  	[tilespmem:s16], [sflag:$0x1] =	stream.linear.gather [hbm4b:s9+s2], $0x4000, $0x38;
	[tilespmem:$0x1CD00] =	vst v63  }
0x27b: {  	s9 =	sld [smem:$0x7DD]  }
0x27c: {  	[tilespmem:s17], [sflag:$0x2] =	stream.linear.gather [hbm4b:s5+s2], $0x80, $0x38;
	[tilespmem:$0x1CD00] =	vst v63  }
0x27d: {  	_ = 	snop  }
0x27e: {  	[tilespmem:s18], [sflag:$0x2] =	stream.linear.gather [hbm4b:s9+s2], $0x4000, $0x38;
	[tilespmem:$0x1CD00] =	vst v63  }
0x27f: {  	_ =	swait.ge [sflag:s30], $0x80  }
0x280: {  	[sflag:s30] =	ssyncset.done $0x0  }
0x281: {  	[sflag:s30] =	ssyncadd.s32 $0xFFFFFF80  }
0x282: {  	_ =	swait.ge [sflag:s30], $0x4000  }
0x283: {  	[sflag:s30] =	ssyncset.done $0x0  }
0x284: {  	[sflag:s30] =	ssyncadd.s32 $0xFFFFC000  }
0x285: {  	[spmem:s23] =	stream.indirect.scatter.add.f32 [tilespmem:s16], [sflag:$0x3], $0x80, s2, s17, $0xb8;
	[tilespmem:$0x1CD00] =	vst v63  }
0x286: {  	_ = 	snop  }
0x287: {  	[spmem:s24] =	stream.indirect.scatter.add.f32 [tilespmem:s13], [sflag:$0x3], $0x1, s2, s17, $0xb8;
	[tilespmem:$0x1CD00] =	vst v63  }
0x288: {  	_ =	swait.ge [sflag:s31], $0x4000  }
0x289: {  	[sflag:s31] =	ssyncset.done $0x0  }
0x28a: {  	[sflag:s31] =	ssyncadd.s32 $0xFFFFC000  }
0x28b: {  	_ =	swait.ge [sflag:s31], $0x80  }
0x28c: {  	s5 =	sld [smem:$0x7EF]  }
0x28d: {  	[sflag:s31] =	ssyncset.done $0x0  }
0x28e: {  	s9 =	sld [smem:$0x7E0];
	[sflag:s31] =	ssyncadd.s32 $0xFFFFFF80  }
0x28f: {  	[tilespmem:s2], [sflag:$0x1] =	stream.linear.gather [hbm4b:s5+s2], $0x80, $0x38;
	[tilespmem:$0x1CD00] =	vst v63  }
0x290: {  	_ = 	snop  }
0x291: {  	[tilespmem:s16], [sflag:$0x1] =	stream.linear.gather [hbm4b:s9+s2], $0x4000, $0x38;
	[tilespmem:$0x1CD00] =	vst v63  }
0x292: {  	_ =	swait.ge [sflag:s0], $0x80  }
0x293: {  	[sflag:s0] =	ssyncset.done $0x0  }
0x294: {  	[sflag:s0] =	ssyncadd.s32 $0xFFFFFF80  }
0x295: {  	_ =	swait.ge [sflag:s0], $0x4000  }
0x296: {  	[sflag:s0] =	ssyncset.done $0x0  }
0x297: {  	[sflag:s0] =	ssyncadd.s32 $0xFFFFC000  }
0x298: {  	[spmem:s23] =	stream.indirect.scatter.add.f32 [tilespmem:s18], [sflag:$0x4], $0x80, s17, s17, $0xb8;
	[tilespmem:$0x1CD00] =	vst v63  }
0x299: {  	_ = 	snop  }
0x29a: {  	[spmem:s24] =	stream.indirect.scatter.add.f32 [tilespmem:s13], [sflag:$0x4], $0x1, s17, s17, $0xb8;
	[tilespmem:$0x1CD00] =	vst v63  }
0x29b: {  	_ =	swait.ge [sflag:s1], $0x4000  }
0x29c: {  	[sflag:s1] =	ssyncset.done $0x0  }
0x29d: {  	[sflag:s1] =	ssyncadd.s32 $0xFFFFC000  }
0x29e: {  	_ =	swait.ge [sflag:s1], $0x80  }
0x29f: {  	[sflag:s1] =	ssyncset.done $0x0  }
0x2a0: {  	s4 =	sadd.s32 $0x0, s29;
	[sflag:s1] =	ssyncadd.s32 $0xFFFFFF80  }
0x2a1: {  	[tilespmem:s17], [sflag:$0x2] =	stream.linear.gather [hbm4b:s4+s3], $0x80, $0x38;
	[tilespmem:$0x1CD00] =	vst v63  }
0x2a2: {  	s4 =	sld [smem:$0x7F9];
	_ =	sdelay $0x2  }
0x2a3: {  	s5 =	sadd.s32 $0xFFFFF800, s4  }
0x2a4: {  	[tilespmem:s18], [sflag:$0x2] =	stream.linear.gather [hbm4b:s5+s3], $0x4000, $0x38;
	[tilespmem:$0x1CD00] =	vst v63  }
0x2a5: {  	_ =	swait.ge [sflag:s30], $0x80  }
0x2a6: {  	[sflag:s30] =	ssyncset.done $0x0  }
0x2a7: {  	[sflag:s30] =	ssyncadd.s32 $0xFFFFFF80  }
0x2a8: {  	_ =	swait.ge [sflag:s30], $0x4000  }
0x2a9: {  	[sflag:s30] =	ssyncset.done $0x0  }
0x2aa: {  	[sflag:s30] =	ssyncadd.s32 $0xFFFFC000  }
0x2ab: {  	[spmem:s23] =	stream.indirect.scatter.add.f32 [tilespmem:s16], [sflag:$0x3], $0x80, s3, s17, $0xb8;
	[tilespmem:$0x1CD00] =	vst v63  }
0x2ac: {  	_ = 	snop  }
0x2ad: {  	[spmem:s24] =	stream.indirect.scatter.add.f32 [tilespmem:s13], [sflag:$0x3], $0x1, s3, s17, $0xb8;
	[tilespmem:$0x1CD00] =	vst v63  }
0x2ae: {  	_ =	swait.ge [sflag:s31], $0x4000  }
0x2af: {  	[sflag:s31] =	ssyncset.done $0x0  }
0x2b0: {  	[sflag:s31] =	ssyncadd.s32 $0xFFFFC000  }
0x2b1: {  	_ =	swait.ge [sflag:s31], $0x80  }
0x2b2: {  	[sflag:s31] =	ssyncset.done $0x0  }
0x2b3: {  	s9 =	sadd.s32 $0x0, s28;
	[sflag:s31] =	ssyncadd.s32 $0xFFFFFF80  }
0x2b4: {  	[tilespmem:s3], [sflag:$0x1] =	stream.linear.gather [hbm4b:s9+s3], $0x80, $0x38;
	[tilespmem:$0x1CD00] =	vst v63  }
0x2b5: {  	_ = 	snop  }
0x2b6: {  	[tilespmem:s16], [sflag:$0x1] =	stream.linear.gather [hbm4b:s4+s3], $0x4000, $0x38;
	[tilespmem:$0x1CD00] =	vst v63  }
0x2b7: {  	_ =	swait.ge [sflag:s0], $0x80  }
0x2b8: {  	[sflag:s0] =	ssyncset.done $0x0  }
0x2b9: {  	[sflag:s0] =	ssyncadd.s32 $0xFFFFFF80  }
0x2ba: {  	_ =	swait.ge [sflag:s0], $0x4000  }
0x2bb: {  	[sflag:s0] =	ssyncset.done $0x0  }
0x2bc: {  	s2 =	simm.s32 $0x20;
	s4 =	sadd.s32 $0x1000, s4;
	[sflag:s0] =	ssyncadd.s32 $0xFFFFC000  }
0x2bd: {  	[spmem:s23] =	stream.indirect.scatter.add.f32 [tilespmem:s18], [sflag:$0x4], $0x80, s17, s17, $0xb8;
	[tilespmem:$0x1CD00] =	vst v63  }
.LBB2_6:
0x2be: {  	[spmem:s24] =	stream.indirect.scatter.add.f32 [tilespmem:s13], [sflag:$0x4], $0x1, s17, s17, $0xb8;
	[tilespmem:$0x1CD00] =	vst v63  }
0x2bf: {  	s5 =	smov.u32 s2  }
0x2c0: {  	p1 =	sne.s32 s2, $0x480;
	s2 =	sadd.s32 $0x20, s2;
	_ =	swait.ge [sflag:s1], $0x4000  }
0x2c1: {  	[sflag:s1] =	ssyncset.done $0x0  }
0x2c2: {  	[sflag:s1] =	ssyncadd.s32 $0xFFFFC000  }
0x2c3: {  	_ =	swait.ge [sflag:s1], $0x80  }
0x2c4: {  	[sflag:s1] =	ssyncset.done $0x0  }
0x2c5: {  	s9 =	sadd.s32 s5, s29;
	[sflag:s1] =	ssyncadd.s32 $0xFFFFFF80  }
0x2c6: {  	[tilespmem:s17], [sflag:$0x2] =	stream.linear.gather [hbm4b:s9+s3], $0x80, $0x38;
	[tilespmem:$0x1CD00] =	vst v63  }
0x2c7: {  	s9 =	sadd.s32 $0xFFFFF800, s4  }
0x2c8: {  	[tilespmem:s18], [sflag:$0x2] =	stream.linear.gather [hbm4b:s9+s3], $0x4000, $0x38;
	[tilespmem:$0x1CD00] =	vst v63  }
0x2c9: {  	_ =	swait.ge [sflag:s30], $0x80  }
0x2ca: {  	[sflag:s30] =	ssyncset.done $0x0  }
0x2cb: {  	[sflag:s30] =	ssyncadd.s32 $0xFFFFFF80  }
0x2cc: {  	_ =	swait.ge [sflag:s30], $0x4000  }
0x2cd: {  	[sflag:s30] =	ssyncset.done $0x0  }
0x2ce: {  	[sflag:s30] =	ssyncadd.s32 $0xFFFFC000  }
0x2cf: {  	[spmem:s23] =	stream.indirect.scatter.add.f32 [tilespmem:s16], [sflag:$0x3], $0x80, s3, s17, $0xb8;
	[tilespmem:$0x1CD00] =	vst v63  }
0x2d0: {  	_ = 	snop  }
0x2d1: {  	[spmem:s24] =	stream.indirect.scatter.add.f32 [tilespmem:s13], [sflag:$0x3], $0x1, s3, s17, $0xb8;
	[tilespmem:$0x1CD00] =	vst v63  }
0x2d2: {  	_ =	swait.ge [sflag:s31], $0x4000  }
0x2d3: {  	[sflag:s31] =	ssyncset.done $0x0  }
0x2d4: {  	[sflag:s31] =	ssyncadd.s32 $0xFFFFC000  }
0x2d5: {  	_ =	swait.ge [sflag:s31], $0x80  }
0x2d6: {  	[sflag:s31] =	ssyncset.done $0x0  }
0x2d7: {  	s5 =	sadd.s32 s5, s28;
	[sflag:s31] =	ssyncadd.s32 $0xFFFFFF80  }
0x2d8: {  	[tilespmem:s3], [sflag:$0x1] =	stream.linear.gather [hbm4b:s5+s3], $0x80, $0x38;
	[tilespmem:$0x1CD00] =	vst v63  }
0x2d9: {  	_ = 	snop  }
0x2da: {  	[tilespmem:s16], [sflag:$0x1] =	stream.linear.gather [hbm4b:s4+s3], $0x4000, $0x38;
	[tilespmem:$0x1CD00] =	vst v63  }
0x2db: {  	_ =	swait.ge [sflag:s0], $0x80  }
0x2dc: {  	[sflag:s0] =	ssyncset.done $0x0  }
0x2dd: {  	[sflag:s0] =	ssyncadd.s32 $0xFFFFFF80  }
.Ltmp2:
0x2de: {  	_ =	swait.ge [sflag:s0], $0x4000;
	(pc) =	sbr.rel @p1 .LBB2_6-.Ltmp2, $4  }
0x2df: {  	[sflag:s0] =	ssyncset.done $0x0  }
0x2e0: {  	[sflag:s0] =	ssyncadd.s32 $0xFFFFC000  }
0x2e1: {  	[spmem:s23] =	stream.indirect.scatter.add.f32 [tilespmem:s18], [sflag:$0x4], $0x80, s17, s17, $0xb8;
	[tilespmem:$0x1CD00] =	vst v63  }
0x2e2: {  	s4 =	sadd.s32 $0x1000, s4  }
0x2e3: {  	[spmem:s24] =	stream.indirect.scatter.add.f32 [tilespmem:s13], [sflag:$0x4], $0x1, s17, s17, $0xb8;
	[tilespmem:$0x1CD00] =	vst v63  }
0x2e4: {  	_ =	swait.ge [sflag:s1], $0x4000  }
0x2e5: {  	[sflag:s1] =	ssyncset.done $0x0  }
0x2e6: {  	[sflag:s1] =	ssyncadd.s32 $0xFFFFC000  }
0x2e7: {  	_ =	swait.ge [sflag:s1], $0x80  }
0x2e8: {  	s2 =	sld [smem:$0x7E6]  }
0x2e9: {  	[sflag:s1] =	ssyncset.done $0x0  }
0x2ea: {  	s9 =	sld [smem:$0x7D7];
	[sflag:s1] =	ssyncadd.s32 $0xFFFFFF80  }
0x2eb: {  	[tilespmem:s17], [sflag:$0x2] =	stream.linear.gather [hbm4b:s2+s3], $0x80, $0x38;
	[tilespmem:$0x1CD00] =	vst v63  }
0x2ec: {  	_ = 	snop  }
0x2ed: {  	[tilespmem:s18], [sflag:$0x2] =	stream.linear.gather [hbm4b:s9+s3], $0x4000, $0x38;
	[tilespmem:$0x1CD00] =	vst v63  }
0x2ee: {  	_ =	swait.ge [sflag:s30], $0x80  }
0x2ef: {  	[sflag:s30] =	ssyncset.done $0x0  }
0x2f0: {  	[sflag:s30] =	ssyncadd.s32 $0xFFFFFF80  }
0x2f1: {  	_ =	swait.ge [sflag:s30], $0x4000  }
0x2f2: {  	[sflag:s30] =	ssyncset.done $0x0  }
0x2f3: {  	[sflag:s30] =	ssyncadd.s32 $0xFFFFC000  }
0x2f4: {  	[spmem:s23] =	stream.indirect.scatter.add.f32 [tilespmem:s16], [sflag:$0x3], $0x80, s3, s17, $0xb8;
	[tilespmem:$0x1CD00] =	vst v63  }
0x2f5: {  	s4 =	sld [smem:$0x7E9]  }
0x2f6: {  	[spmem:s24] =	stream.indirect.scatter.add.f32 [tilespmem:s13], [sflag:$0x3], $0x1, s3, s17, $0xb8;
	[tilespmem:$0x1CD00] =	vst v63  }
0x2f7: {  	s5 =	simm.s32 $0x8180;
	s9 =	sld [smem:$0x7DA]  }
0x2f8: {  	[tilespmem:s5], [sflag:$0x1] =	stream.linear.gather [hbm4b:s4+s3], $0x10, $0x38;
	[tilespmem:$0x1CD00] =	vst v63  }
0x2f9: {  	s4 =	simm.s32 $0x8200  }
0x2fa: {  	[tilespmem:s4], [sflag:$0x1] =	stream.linear.gather [hbm4b:s9+s3], $0x800, $0x38;
	[tilespmem:$0x1CD00] =	vst v63  }
0x2fb: {  	_ =	swait.ge [sflag:s31], $0x4000  }
0x2fc: {  	[sflag:s31] =	ssyncset.done $0x0  }
0x2fd: {  	[sflag:s31] =	ssyncadd.s32 $0xFFFFC000  }
0x2fe: {  	_ =	swait.ge [sflag:s31], $0x80  }
0x2ff: {  	[sflag:s31] =	ssyncset.done $0x0  }
0x300: {  	[sflag:s31] =	ssyncadd.s32 $0xFFFFFF80  }
0x301: {  	_ =	swait.ge [sflag:s0], $0x80  }
0x302: {  	[sflag:s0] =	ssyncset.done $0x0  }
0x303: {  	[sflag:s0] =	ssyncadd.s32 $0xFFFFFF80  }
0x304: {  	_ =	swait.ge [sflag:s0], $0x4000  }
0x305: {  	[sflag:s0] =	ssyncset.done $0x0  }
0x306: {  	[sflag:s0] =	ssyncadd.s32 $0xFFFFC000  }
0x307: {  	[spmem:s23] =	stream.indirect.scatter.add.f32 [tilespmem:s18], [sflag:$0x4], $0x80, s17, s17, $0xb8;
	[tilespmem:$0x1CD00] =	vst v63  }
0x308: {  	_ = 	snop  }
0x309: {  	[spmem:s24] =	stream.indirect.scatter.add.f32 [tilespmem:s13], [sflag:$0x4], $0x1, s17, s17, $0xb8;
	[tilespmem:$0x1CD00] =	vst v63  }
0x30a: {  	_ =	swait.ge [sflag:s1], $0x4000  }
0x30b: {  	[sflag:s1] =	ssyncset.done $0x0  }
0x30c: {  	[sflag:s1] =	ssyncadd.s32 $0xFFFFC000  }
0x30d: {  	_ =	swait.ge [sflag:s1], $0x80  }
0x30e: {  	[sflag:s1] =	ssyncset.done $0x0  }
0x30f: {  	[sflag:s1] =	ssyncadd.s32 $0xFFFFFF80  }
0x310: {  	_ =	swait.ge [sflag:s30], $0x10  }
0x311: {  	[sflag:s30] =	ssyncset.done $0x0  }
0x312: {  	[sflag:s30] =	ssyncadd.s32 $0xFFFFFFF0  }
0x313: {  	_ =	swait.ge [sflag:s30], $0x800  }
0x314: {  	[sflag:s30] =	ssyncset.done $0x0  }
0x315: {  	s9 =	simm.s32 $0x10;
	[sflag:s30] =	ssyncadd.s32 $0xFFFFF800  }
0x316: {  	[spmem:s23] =	stream.indirect.scatter.add.f32 [tilespmem:s4], [sflag:$0x5], $0x80, s5, s9, $0xb8;
	[tilespmem:$0x1CD00] =	vst v63  }
0x317: {  	_ =	swait.ge [sflag:s14], $0x800  }
0x318: {  	[sflag:s14] =	ssyncset.done $0x0  }
0x319: {  	s4 =	simm.s32 $0x8A00;
	[sflag:s14] =	ssyncadd.s32 $0xFFFFF800  }
0x31a: {  	[spmem:s24] =	stream.indirect.scatter.add.f32 [tilespmem:s4], [sflag:$0x5], $0x1, s5, s9, $0xb8;
	[tilespmem:$0x1CD00] =	vst v63  }
0x31b: {  	_ =	swait.ge [sflag:s14], $0x10  }
0x31c: {  	[sflag:s14] =	ssyncset.done $0x0  }
0x31d: {  	[sflag:s14] =	ssyncadd.s32 $0xFFFFFFF0  }
0x31e: {  	[bflag:$0x0] =	sbarrier.arrive $0xFFFF  }
0x31f: {  	s9 =	rddreg [dreg:$0x18]  }
0x320: {  	[hbm:s9], [sflag:s10] =	dma.local [spmem:s11], $0x800  }
0x321: {  	_ =	swait.ge [sflag:s14], $0x800  }
0x322: {  	[sflag:s14] =	ssyncset.done $0x0  }
0x323: {  	s11 =	rddreg [dreg:$0x19];
	[sflag:s14] =	ssyncadd.s32 $0xFFFFF800  }
0x324: {  	[hbm:s11], [sflag:s10] =	dma.local [spmem:s12], $0x800  }
0x325: {  	_ =	swait.ge [sflag:s14], $0x800  }
0x326: {  	[sflag:s14] =	ssyncset.done $0x0  }
0x327: {  	s5 =	rddreg [dreg:$0x1a];
	[sflag:s14] =	ssyncadd.s32 $0xFFFFF800  }
0x328: {  	[hbm:s5], [sflag:s10] =	dma.local [spmem:s15], $0x800  }
0x329: {  	_ =	swait.ge [sflag:s14], $0x800  }
0x32a: {  	[sflag:s14] =	ssyncset.done $0x0  }
0x32b: {  	s9 =	rddreg [dreg:$0x1b];
	[sflag:s14] =	ssyncadd.s32 $0xFFFFF800  }
0x32c: {  	[hbm:s9], [sflag:s10] =	dma.local [spmem:s6], $0x800  }
0x32d: {  	_ =	swait.ge [sflag:s14], $0x800  }
0x32e: {  	[sflag:s14] =	ssyncset.done $0x0  }
0x32f: {  	s11 =	rddreg [dreg:$0x1c];
	[sflag:s14] =	ssyncadd.s32 $0xFFFFF800  }
0x330: {  	[hbm:s11], [sflag:s10] =	dma.local [spmem:s7], $0x800  }
0x331: {  	_ =	swait.ge [sflag:s14], $0x800  }
0x332: {  	[sflag:s14] =	ssyncset.done $0x0  }
0x333: {  	s2 =	rddreg [dreg:$0x1f];
	[sflag:s14] =	ssyncadd.s32 $0xFFFFF800  }
0x334: {  	[hbm:s2], [sflag:s10] =	dma.local @!p0 [spmem:s8], $0x500  }
0x335: {  	s2 =	simm.s32 @!p0 $0x5  }
0x336: {  	_ =	swait.ge @!p0 [sflag:s2], $0x500  }
0x337: {  	s12 =	sld [smem:$0x7CD]  }
0x338: {  	s15 =	sld [smem:$0x7F6];
	_ =	sdelay $0x1  }
0x339: {  	s5 =	sadd.s32 $0x1, s12  }
0x33a: {  	p1 =	sne.s32 s5, s15  }
.Ltmp3:
0x33b: {  	_ = 	snop;
	(pc) =	sbr.rel @p1 .LBB2_1-.Ltmp3, $3  }
0x33c: {  	[sflag:s2] =	ssyncset.done @!p0 $0x0  }
0x33d: {  	[sflag:s2] =	ssyncadd.s32 @!p0 $0xFFFFFB00  }
0x33e: {  	[bflag:$0x0] =	sbarrier.arrive $0xFFFF;
	_ =	sdelay $0x1  }
0x33f: {  	_ =	sfence.sel $0x180000  }
0x340: {  	[bflag:$0x0] =	sbarrier.arrive $0xFFFF  }
0x341: {  	_ =	strace $0x90000047  }
0x342: {  	[bflag:$0x2] =	sbarrier.arrive $0xFFFF  }
0x343: {  	s0 =	rddreg [dreg:$0xd]  }
0x344: {  	s0 =	sadd.s32 @!p0 $0x100000, s0  }
0x345: {  	[sflag:s0] =	ssyncadd.tile.s32 @!p0 $0x1;
	_ =	shalt  }
.Lfunc_end2:
_tile_overlayer_lowered:
.L_overlay_start_2:
0x346: {  	(tag) =	ssettag $0x2  }
0x347: {  	s0 =	rddreg [dreg:$0x0];
	s2 =	stileid.u32  }
0x348: {  	s1 =	rddreg [dreg:$0x1];
	p0 =	sne.s32 s2, $0x0  }
0x349: {  	s3 =	rddreg [dreg:$0x2];
	[bflag:$0x3] =	sbarrier.arrive $0xFFFF;
	s2 =	simm.s32 @!p0 $0x1C05  }
0x34a: {  	[timem:s3], [sflag:s2] =	dma.local @!p0 [hbm:s0], s1  }
0x34b: {  	s0 =	simm.s32 @!p0 $0x5  }
0x34c: {  	_ =	swait.ge @!p0 [sflag:s0], s1  }
0x34d: {  	s1 =	ssub.s32 @!p0 $0x0, s1;
	[sflag:s0] =	ssyncset.done @!p0 $0x0  }
0x34e: {  	[sflag:s0] =	ssyncadd.s32 @!p0 s1  }
0x34f: {  	[bflag:$0x3] =	sbarrier.arrive $0xFFFF  }
0x350: {  	_ =	shalt  }

</sc_bundles>
